<compile_context>
chip_gen: v7x
topology: tpu7x:2x2x1
jax: 0.10.2.dev20260603
libtpu: 0.0.44.dev20260713+nightly
codegen_flags: <defaults>
</compile_context>

<pallas_src>
import functools

import jax
import jax.numpy as jnp
from jax import lax
from jax.experimental import pallas as pl
from jax.experimental.pallas import tpu as pltpu
from jax.experimental.pallas import tpu_sc as plsc

NC = 2
NS = 16
CW = 128
NBUF = 2
NSUB = 2
SW = CW // NSUB


def _sc_mesh():
    return plsc.VectorSubcoreMesh(
        core_axis_name="c", subcore_axis_name="s", num_cores=NC, num_subcores=NS
    )


def _build_deg(e_pad: int, deg_pad: int):
    et = e_pad // (NC * NS)
    assert et % 16 == 0

    @functools.partial(
        pl.kernel,
        out_type=jax.ShapeDtypeStruct((NC * NS, deg_pad), jnp.float32),
        mesh=_sc_mesh(),
        compiler_params=pltpu.CompilerParams(needs_layout_passes=False),
        scratch_types=[
            pltpu.VMEM((et,), jnp.int32),
            pltpu.VMEM((deg_pad,), jnp.float32),
        ],
    )
    def deg_kernel(dst_hbm, out_hbm, idx_v, deg_v):
        c = lax.axis_index("c")
        s = lax.axis_index("s")
        w = c * NS + s
        pltpu.sync_copy(dst_hbm.at[pl.ds(w * et, et)], idx_v)

        @pl.loop(0, deg_pad // 16)
        def _zero(i):
            deg_v[pl.ds(i * 16, 16)] = jnp.zeros((16,), jnp.float32)

        ones = jnp.ones((16,), jnp.float32)

        @pl.loop(0, et // 16)
        def _acc(i):
            idx = idx_v[pl.ds(i * 16, 16)]
            plsc.addupdate_scatter(deg_v, [idx], ones)

        pltpu.sync_copy(deg_v, out_hbm.at[w])

    return deg_kernel


def _build_agg(n: int, e_pad: int, half: int, nrows: int):
    cht = e_pad // (NS * CW)
    rpt = (n // NS) // 8 * 8
    tail = n - rpt * NS
    assert tail % 8 == 0

    @functools.partial(
        pl.kernel,
        out_type=jax.ShapeDtypeStruct((NC, n, half), jnp.float32),
        mesh=_sc_mesh(),
        compiler_params=pltpu.CompilerParams(needs_layout_passes=False),
        scratch_types=[
            pltpu.VMEM((cht, CW), jnp.int32),
            pltpu.VMEM((NBUF, CW), jnp.int32),
            pltpu.VMEM((NBUF, CW, half), jnp.float32),
            pltpu.VMEM_SHARED((nrows, half), jnp.float32),
        ] + [pltpu.SemaphoreType.DMA] * (2 * NBUF),
    )
    def agg_kernel(hn_hbm, src_hbm, dst_hbm, out_hbm, sidx_v, didx_v, rows_v,
                   acc_sh, *sems):
        gsems, dsems = sems[:NBUF], sems[NBUF:]
        c = lax.axis_index("c")
        s = lax.axis_index("s")
        tab = hn_hbm.at[c]

        pltpu.sync_copy(src_hbm.at[s], sidx_v)
        pltpu.sync_copy(tab.at[pl.ds(s * rpt, rpt)],
                        acc_sh.at[pl.ds(s * rpt, rpt)])
        if tail:
            @pl.when(s == 0)
            def _init_tail():
                pltpu.sync_copy(tab.at[pl.ds(NS * rpt, tail)],
                                acc_sh.at[pl.ds(NS * rpt, tail)])
        plsc.subcore_barrier()

        for u in range(NSUB):
            pltpu.async_copy(tab.at[sidx_v.at[0, pl.ds(u * SW, SW)]],
                             rows_v.at[0, pl.ds(u * SW, SW)], gsems[0])
        pltpu.async_copy(dst_hbm.at[s].at[0], didx_v.at[0], dsems[0])

        @pl.loop(0, cht, step=NBUF)
        def _chunk(j0):
            for b in range(NBUF):
                j = j0 + b
                nxt = j + 1
                bn = (b + 1) % NBUF

                @pl.when(nxt < cht)
                def _issue():
                    for u in range(NSUB):
                        pltpu.async_copy(
                            tab.at[sidx_v.at[nxt, pl.ds(u * SW, SW)]],
                            rows_v.at[bn, pl.ds(u * SW, SW)], gsems[bn])
                    pltpu.async_copy(dst_hbm.at[s].at[nxt], didx_v.at[bn],
                                     dsems[bn])

                for u in range(NSUB):
                    pltpu.make_async_copy(
                        tab.at[sidx_v.at[j, pl.ds(u * SW, SW)]],
                        rows_v.at[b, pl.ds(u * SW, SW)], gsems[b]).wait()
                pltpu.make_async_copy(dst_hbm.at[s].at[j], didx_v.at[b],
                                      dsems[b]).wait()
                pltpu.sync_copy(rows_v.at[b], acc_sh.at[didx_v.at[b]], add=True)

        plsc.subcore_barrier()
        pltpu.sync_copy(acc_sh.at[pl.ds(s * rpt, rpt)],
                        out_hbm.at[c].at[pl.ds(s * rpt, rpt)])
        if tail:
            @pl.when(s == 0)
            def _out_tail():
                pltpu.sync_copy(acc_sh.at[pl.ds(NS * rpt, tail)],
                                out_hbm.at[c].at[pl.ds(NS * rpt, tail)])

    return agg_kernel


def _dinv_of(deg_blk):
    return lax.rsqrt(jnp.sum(deg_blk, axis=1, keepdims=True) + 1.0)


def _lin1_body(deg_ref, x_ref, w_ref, out_ref):
    dinv = _dinv_of(deg_ref[...])
    h = jnp.dot(x_ref[...], w_ref[...], preferred_element_type=jnp.float32)
    hn = h * dinv
    half = out_ref.shape[2]
    out_ref[0] = hn[:, :half]
    out_ref[1] = hn[:, half:]


def _lin2_body(deg_ref, agg_ref, b_ref, w_ref, out_ref):
    dinv = _dinv_of(deg_ref[...])
    agg = jnp.concatenate([agg_ref[0], agg_ref[1]], axis=1)
    x2 = jnp.maximum(agg * dinv + b_ref[...], 0.0)
    h = jnp.dot(x2, w_ref[...], preferred_element_type=jnp.float32)
    hn = h * dinv
    half = out_ref.shape[2]
    out_ref[0] = hn[:, :half]
    out_ref[1] = hn[:, half:]


def _lin3_body(deg_ref, agg_ref, b_ref, w_ref, bo_ref, out_ref):
    dinv = _dinv_of(deg_ref[...])
    agg = jnp.concatenate([agg_ref[0], agg_ref[1]], axis=1)
    x2 = jnp.maximum(agg * dinv + b_ref[...], 0.0)
    out_ref[...] = (
        jnp.dot(x2, w_ref[...], preferred_element_type=jnp.float32) + bo_ref[...]
    )


def kernel(x, edge_index, W1, b1, W2, b2, Wout, bout):
    n, d_in = x.shape
    d_h = W1.shape[1]
    d_out = Wout.shape[1]
    half = d_h // 2
    e = edge_index.shape[1]

    grp = NS * CW * NBUF
    e_pad = ((e + grp - 1) // grp) * grp
    cht = e_pad // (NS * CW)
    deg_pad = ((n + 1 + 511) // 512) * 512
    nrows = ((n + 1 + 15) // 16) * 16

    src = edge_index[0].astype(jnp.int32)
    dst = edge_index[1].astype(jnp.int32)
    padlen = e_pad - e
    pad_ids = jnp.arange(padlen, dtype=jnp.int32)
    src_p = jnp.concatenate([src, pad_ids % n])
    dst_p = jnp.concatenate([dst, n + pad_ids % (nrows - n)])
    src3 = src_p.reshape(NS, cht, CW)
    dst3 = dst_p.reshape(NS, cht, CW)

    deg_all = _build_deg(e_pad, deg_pad)(dst_p)
    deg_t = deg_all[:, :n].T

    r = 1000
    nblk = n // r
    deg_spec = pl.BlockSpec((r, NC * NS), lambda i: (i, 0))
    halves_spec = pl.BlockSpec((NC, r, half), lambda i: (0, i, 0))
    full_w = lambda shape: pl.BlockSpec(shape, lambda i: (0, 0))

    lin1 = pl.pallas_call(
        _lin1_body,
        grid=(nblk,),
        in_specs=[deg_spec, pl.BlockSpec((r, d_in), lambda i: (i, 0)),
                  full_w((d_in, d_h))],
        out_specs=halves_spec,
        out_shape=jax.ShapeDtypeStruct((NC, n, half), jnp.float32),
    )
    lin2 = pl.pallas_call(
        _lin2_body,
        grid=(nblk,),
        in_specs=[deg_spec, halves_spec, full_w((1, d_h)), full_w((d_h, d_h))],
        out_specs=halves_spec,
        out_shape=jax.ShapeDtypeStruct((NC, n, half), jnp.float32),
    )
    lin3 = pl.pallas_call(
        _lin3_body,
        grid=(nblk,),
        in_specs=[deg_spec, halves_spec, full_w((1, d_h)), full_w((d_h, d_out)),
                  full_w((1, d_out))],
        out_specs=pl.BlockSpec((r, d_out), lambda i: (i, 0)),
        out_shape=jax.ShapeDtypeStruct((n, d_out), jnp.float32),
    )
    agg = _build_agg(n, e_pad, half, nrows)

    hn1 = lin1(deg_t, x, W1)
    agg1 = agg(hn1, src3, dst3)
    hn2 = lin2(deg_t, agg1, b1.reshape(1, -1), W2)
    agg2 = agg(hn2, src3, dst3)
    out = lin3(deg_t, agg2, b2.reshape(1, -1), Wout, bout.reshape(1, -1))
    return out

# --- scband reference (transcript-rebuilt; emitter-appended) ---
"""Pipeline reference for scband-basic-gnn-7000796693168 (READ-ONLY COPY).

The authoritative reference and input builder live on the scoring server;
editing this copy changes nothing except your own understanding.
"""

import jax, jax.numpy as jnp
import numpy as np

N_NODES = 10000
D_IN = 256
D_HID = 256
D_OUT = 128
N_EDGES = 160000


def _gcn_conv(x, src, dst, W, b, n_nodes):
    # GCNConv: add self-loops, symmetric normalization D^{-1/2}(A+I)D^{-1/2} X W + b
    loop = jnp.arange(n_nodes, dtype=src.dtype)
    src = jnp.concatenate([src, loop])
    dst = jnp.concatenate([dst, loop])
    ew = jnp.ones(src.shape[0], dtype=x.dtype)
    deg = jnp.zeros(n_nodes, dtype=x.dtype).at[dst].add(ew)
    dinv = jnp.where(deg > 0, 1.0 / jnp.sqrt(deg), 0.0)
    norm = dinv[src] * dinv[dst]
    h = x @ W
    msg = h[src] * norm[:, None]
    out = jax.ops.segment_sum(msg, dst, num_segments=n_nodes)
    return out + b


def setup_inputs(seed: int = 0) -> dict:
    key = jax.random.key(seed)
    ks = jax.random.split(key, 8)
    x = jax.random.normal(ks[0], (N_NODES, D_IN), dtype=jnp.float32)
    edge_index = jax.random.randint(ks[1], (2, N_EDGES), 0, N_NODES, dtype=jnp.int64 if jax.config.jax_enable_x64 else jnp.int32)
    s1 = 1.0 / np.sqrt(D_IN)
    s2 = 1.0 / np.sqrt(D_HID)
    W1 = jax.random.uniform(ks[2], (D_IN, D_HID), jnp.float32, -s1, s1)
    b1 = jnp.zeros((D_HID,), jnp.float32)
    W2 = jax.random.uniform(ks[3], (D_HID, D_HID), jnp.float32, -s2, s2)
    b2 = jnp.zeros((D_HID,), jnp.float32)
    Wout = jax.random.uniform(ks[4], (D_HID, D_OUT), jnp.float32, -s2, s2)
    bout = jnp.zeros((D_OUT,), jnp.float32)
    return {"x": x, "edge_index": edge_index, "W1": W1, "b1": b1, "W2": W2, "b2": b2, "Wout": Wout, "bout": bout}


def reference(x, edge_index, W1, b1, W2, b2, Wout, bout):
    src = edge_index[0]
    dst = edge_index[1]
    h = _gcn_conv(x, src, dst, W1, b1, N_NODES)
    h = jax.nn.relu(h)  # GCNLayer activation (dropout=0.0)
    h = _gcn_conv(h, src, dst, W2, b2, N_NODES)
    h = jax.nn.relu(h)
    out = h @ Wout + bout  # output_layer Linear
    return out

if __name__ == "__main__":
    import jax
    _d = setup_inputs()
    print(jax.jit(kernel)(*tuple(_d.values())))

</pallas_src>

<mosaic_0001>
#map = affine_map<(d0, d1) -> (0, 0, 0)>
module attributes {stable_mosaic.version = 14 : i64} {
  func.func @agg_kernel(%arg0: i32, %arg1: i32, %arg2: memref<2x10000x128xf32, #tpu.memory_space<hbm>>, %arg3: memref<16x80x128xi32, #tpu.memory_space<hbm>>, %arg4: memref<16x80x128xi32, #tpu.memory_space<hbm>>, %arg5: memref<2x10000x128xf32, #tpu.memory_space<hbm>>, %arg6: memref<80x128xi32, #tpu.memory_space<vmem>>, %arg7: memref<2x128xi32, #tpu.memory_space<vmem>>, %arg8: memref<2x128x128xf32, #tpu.memory_space<vmem>>, %arg9: memref<10016x128xf32, #tpu.memory_space<vmem_shared>>, %arg10: memref<!tpu.dma_semaphore, #tpu.memory_space<semaphore_mem>>, %arg11: memref<!tpu.dma_semaphore, #tpu.memory_space<semaphore_mem>>, %arg12: memref<!tpu.dma_semaphore, #tpu.memory_space<semaphore_mem>>, %arg13: memref<!tpu.dma_semaphore, #tpu.memory_space<semaphore_mem>>) attributes {dimension_semantics = [#tpu.dimension_semantics<core_parallel>, #tpu.dimension_semantics<subcore_parallel>], iteration_bounds = array<i64: 2, 16>, scalar_prefetch = 0 : i64, scratch_operands = 8 : i64, tpu.core_type = #tpu.core_type<sc_vector_subcore>, window_params = [{transform_indices = #map}, {transform_indices = #map}, {transform_indices = #map}, {transform_indices = #map}]} {
    "tpu.region"() ({
      %run_scoped3A = tpu.sem_alloc : memref<!tpu.dma_semaphore, #tpu.memory_space<semaphore_mem>>
      %dma_start3A_72 = arith.constant 0 : i32
      %dma_start3A_73 = arith.constant 0 : i32
      %dma_start3A_74 = tpu.memref_slice %arg3[%arg1, %dma_start3A_72, %dma_start3A_73] : memref<16x80x128xi32, #tpu.memory_space<hbm>> -> memref<1x80x128xi32, #tpu.memory_space<hbm>>
      %dma_start3A_75 = tpu.memref_squeeze %dma_start3A_74 : memref<1x80x128xi32, #tpu.memory_space<hbm>> -> memref<80x128xi32, #tpu.memory_space<hbm>>
      %dma_start3A_76 = arith.constant 0 : i32
      %dma_start3A_77 = arith.constant 0 : i32
      %dma_start3A_78 = tpu.memref_slice %arg3[%arg1, %dma_start3A_76, %dma_start3A_77] : memref<16x80x128xi32, #tpu.memory_space<hbm>> -> memref<1x80x128xi32, #tpu.memory_space<hbm>>
      %dma_start3A_79 = tpu.memref_squeeze %dma_start3A_78 : memref<1x80x128xi32, #tpu.memory_space<hbm>> -> memref<80x128xi32, #tpu.memory_space<hbm>>
      tpu.enqueue_dma source(%dma_start3A_79 : memref<80x128xi32, #tpu.memory_space<hbm>>) target(%arg6 : memref<80x128xi32, #tpu.memory_space<vmem>>) target_semaphore(%run_scoped3A : memref<!tpu.dma_semaphore, #tpu.memory_space<semaphore_mem>>)
      %dma_wait3A = arith.constant 0 : i32
      %dma_wait3A_80 = arith.constant 0 : i32
      %dma_wait3A_81 = tpu.memref_slice %arg3[%arg1, %dma_wait3A, %dma_wait3A_80] : memref<16x80x128xi32, #tpu.memory_space<hbm>> -> memref<1x80x128xi32, #tpu.memory_space<hbm>>
      %dma_wait3A_82 = tpu.memref_squeeze %dma_wait3A_81 : memref<1x80x128xi32, #tpu.memory_space<hbm>> -> memref<80x128xi32, #tpu.memory_space<hbm>>
      %dma_wait3A_83 = arith.constant 0 : i32
      %dma_wait3A_84 = arith.constant 0 : i32
      %dma_wait3A_85 = tpu.memref_slice %arg3[%arg1, %dma_wait3A_83, %dma_wait3A_84] : memref<16x80x128xi32, #tpu.memory_space<hbm>> -> memref<1x80x128xi32, #tpu.memory_space<hbm>>
      %dma_wait3A_86 = tpu.memref_squeeze %dma_wait3A_85 : memref<1x80x128xi32, #tpu.memory_space<hbm>> -> memref<80x128xi32, #tpu.memory_space<hbm>>
      tpu.wait_dma2 semaphore(%run_scoped3A : memref<!tpu.dma_semaphore, #tpu.memory_space<semaphore_mem>>) src(%dma_wait3A_86 : memref<80x128xi32, #tpu.memory_space<hbm>>) dst(%arg6 : memref<80x128xi32, #tpu.memory_space<vmem>>)
      tpu.yield
    }) : () -> ()
    %mul3A = arith.constant 624 : i32
    %mul3A_0 = arith.muli %arg1, %mul3A : i32
    %mul3A_1 = arith.constant 624 : i32
    %mul3A_2 = arith.muli %arg1, %mul3A_1 : i32
    "tpu.region"() ({
      %run_scoped3A = tpu.sem_alloc : memref<!tpu.dma_semaphore, #tpu.memory_space<semaphore_mem>>
      %dma_start3A_72 = arith.constant 0 : i32
      %dma_start3A_73 = tpu.memref_slice %arg9[%mul3A_2, %dma_start3A_72] : memref<10016x128xf32, #tpu.memory_space<vmem_shared>> -> memref<624x128xf32, #tpu.memory_space<vmem_shared>>
      %dma_start3A_74 = arith.constant 0 : i32
      %dma_start3A_75 = arith.constant 0 : i32
      %dma_start3A_76 = tpu.memref_slice %arg2[%arg0, %dma_start3A_74, %dma_start3A_75] : memref<2x10000x128xf32, #tpu.memory_space<hbm>> -> memref<1x10000x128xf32, #tpu.memory_space<hbm>>
      %dma_start3A_77 = tpu.memref_squeeze %dma_start3A_76 : memref<1x10000x128xf32, #tpu.memory_space<hbm>> -> memref<10000x128xf32, #tpu.memory_space<hbm>>
      %dma_start3A_78 = arith.constant 0 : i32
      %dma_start3A_79 = tpu.memref_slice %dma_start3A_77[%mul3A_0, %dma_start3A_78] : memref<10000x128xf32, #tpu.memory_space<hbm>> -> memref<624x128xf32, #tpu.memory_space<hbm>>
      tpu.enqueue_dma source(%dma_start3A_79 : memref<624x128xf32, #tpu.memory_space<hbm>>) target(%dma_start3A_73 : memref<624x128xf32, #tpu.memory_space<vmem_shared>>) target_semaphore(%run_scoped3A : memref<!tpu.dma_semaphore, #tpu.memory_space<semaphore_mem>>)
      %dma_wait3A = arith.constant 0 : i32
      %dma_wait3A_80 = tpu.memref_slice %arg9[%mul3A_2, %dma_wait3A] : memref<10016x128xf32, #tpu.memory_space<vmem_shared>> -> memref<624x128xf32, #tpu.memory_space<vmem_shared>>
      %dma_wait3A_81 = arith.constant 0 : i32
      %dma_wait3A_82 = arith.constant 0 : i32
      %dma_wait3A_83 = tpu.memref_slice %arg2[%arg0, %dma_wait3A_81, %dma_wait3A_82] : memref<2x10000x128xf32, #tpu.memory_space<hbm>> -> memref<1x10000x128xf32, #tpu.memory_space<hbm>>
      %dma_wait3A_84 = tpu.memref_squeeze %dma_wait3A_83 : memref<1x10000x128xf32, #tpu.memory_space<hbm>> -> memref<10000x128xf32, #tpu.memory_space<hbm>>
      %dma_wait3A_85 = arith.constant 0 : i32
      %dma_wait3A_86 = tpu.memref_slice %dma_wait3A_84[%mul3A_0, %dma_wait3A_85] : memref<10000x128xf32, #tpu.memory_space<hbm>> -> memref<624x128xf32, #tpu.memory_space<hbm>>
      tpu.wait_dma2 semaphore(%run_scoped3A : memref<!tpu.dma_semaphore, #tpu.memory_space<semaphore_mem>>) src(%dma_wait3A_86 : memref<624x128xf32, #tpu.memory_space<hbm>>) dst(%dma_wait3A_80 : memref<624x128xf32, #tpu.memory_space<vmem_shared>>)
      tpu.yield
    }) : () -> ()
    %eq3A = arith.constant 0 : i32
    %eq3A_3 = arith.cmpi eq, %arg1, %eq3A : i32
    %convert_element_type3A = arith.extui %eq3A_3 : i1 to i32
    %cond3A = arith.constant 0 : i32
    %cond3A_4 = arith.cmpi ne, %convert_element_type3A, %cond3A : i32
    scf.if %cond3A_4 {
      "tpu.region"() ({
        %run_scoped3A = tpu.sem_alloc : memref<!tpu.dma_semaphore, #tpu.memory_space<semaphore_mem>>
        %dma_start3A_72 = arith.constant 9984 : i32
        %dma_start3A_73 = arith.constant 0 : i32
        %dma_start3A_74 = tpu.memref_slice %arg9[%dma_start3A_72, %dma_start3A_73] : memref<10016x128xf32, #tpu.memory_space<vmem_shared>> -> memref<16x128xf32, #tpu.memory_space<vmem_shared>>
        %dma_start3A_75 = arith.constant 0 : i32
        %dma_start3A_76 = arith.constant 0 : i32
        %dma_start3A_77 = tpu.memref_slice %arg2[%arg0, %dma_start3A_75, %dma_start3A_76] : memref<2x10000x128xf32, #tpu.memory_space<hbm>> -> memref<1x10000x128xf32, #tpu.memory_space<hbm>>
        %dma_start3A_78 = tpu.memref_squeeze %dma_start3A_77 : memref<1x10000x128xf32, #tpu.memory_space<hbm>> -> memref<10000x128xf32, #tpu.memory_space<hbm>>
        %dma_start3A_79 = arith.constant 9984 : i32
        %dma_start3A_80 = arith.constant 0 : i32
        %dma_start3A_81 = tpu.memref_slice %dma_start3A_78[%dma_start3A_79, %dma_start3A_80] : memref<10000x128xf32, #tpu.memory_space<hbm>> -> memref<16x128xf32, #tpu.memory_space<hbm>>
        tpu.enqueue_dma source(%dma_start3A_81 : memref<16x128xf32, #tpu.memory_space<hbm>>) target(%dma_start3A_74 : memref<16x128xf32, #tpu.memory_space<vmem_shared>>) target_semaphore(%run_scoped3A : memref<!tpu.dma_semaphore, #tpu.memory_space<semaphore_mem>>)
        %dma_wait3A = arith.constant 9984 : i32
        %dma_wait3A_82 = arith.constant 0 : i32
        %dma_wait3A_83 = tpu.memref_slice %arg9[%dma_wait3A, %dma_wait3A_82] : memref<10016x128xf32, #tpu.memory_space<vmem_shared>> -> memref<16x128xf32, #tpu.memory_space<vmem_shared>>
        %dma_wait3A_84 = arith.constant 0 : i32
        %dma_wait3A_85 = arith.constant 0 : i32
        %dma_wait3A_86 = tpu.memref_slice %arg2[%arg0, %dma_wait3A_84, %dma_wait3A_85] : memref<2x10000x128xf32, #tpu.memory_space<hbm>> -> memref<1x10000x128xf32, #tpu.memory_space<hbm>>
        %dma_wait3A_87 = tpu.memref_squeeze %dma_wait3A_86 : memref<1x10000x128xf32, #tpu.memory_space<hbm>> -> memref<10000x128xf32, #tpu.memory_space<hbm>>
        %dma_wait3A_88 = arith.constant 9984 : i32
        %dma_wait3A_89 = arith.constant 0 : i32
        %dma_wait3A_90 = tpu.memref_slice %dma_wait3A_87[%dma_wait3A_88, %dma_wait3A_89] : memref<10000x128xf32, #tpu.memory_space<hbm>> -> memref<16x128xf32, #tpu.memory_space<hbm>>
        tpu.wait_dma2 semaphore(%run_scoped3A : memref<!tpu.dma_semaphore, #tpu.memory_space<semaphore_mem>>) src(%dma_wait3A_90 : memref<16x128xf32, #tpu.memory_space<hbm>>) dst(%dma_wait3A_83 : memref<16x128xf32, #tpu.memory_space<vmem_shared>>)
        tpu.yield
      }) : () -> ()
    } else {
    }
    %barrier3A = arith.constant 0 : index
    tpu.barrier barrier_id(%barrier3A)
    %dma_start3A = arith.constant 0 : i32
    %dma_start3A_5 = arith.constant 0 : i32
    %dma_start3A_6 = arith.constant 0 : i32
    %dma_start3A_7 = arith.constant 0 : i32
    %dma_start3A_8 = tpu.memref_slice %arg8[%dma_start3A_5, %dma_start3A_6, %dma_start3A_7] : memref<2x128x128xf32, #tpu.memory_space<vmem>> -> memref<1x64x128xf32, #tpu.memory_space<vmem>>
    %dma_start3A_9 = tpu.memref_squeeze %dma_start3A_8 : memref<1x64x128xf32, #tpu.memory_space<vmem>> -> memref<64x128xf32, #tpu.memory_space<vmem>>
    %dma_start3A_10 = arith.constant 0 : i32
    %dma_start3A_11 = tpu.memref_slice %arg6[%dma_start3A, %dma_start3A_10] : memref<80x128xi32, #tpu.memory_space<vmem>> -> memref<1x64xi32, #tpu.memory_space<vmem>>
    %dma_start3A_12 = tpu.memref_squeeze %dma_start3A_11 : memref<1x64xi32, #tpu.memory_space<vmem>> -> memref<64xi32, #tpu.memory_space<vmem>>
    %dma_start3A_13 = arith.constant 0 : i32
    %dma_start3A_14 = arith.constant 0 : i32
    %dma_start3A_15 = tpu.memref_slice %arg2[%arg0, %dma_start3A_13, %dma_start3A_14] : memref<2x10000x128xf32, #tpu.memory_space<hbm>> -> memref<1x10000x128xf32, #tpu.memory_space<hbm>>
    %dma_start3A_16 = tpu.memref_squeeze %dma_start3A_15 : memref<1x10000x128xf32, #tpu.memory_space<hbm>> -> memref<10000x128xf32, #tpu.memory_space<hbm>>
    %dma_start3A_17 = arith.constant 0 : i32
    %dma_start3A_18 = arith.constant 0 : i32
    %dma_start3A_19 = tpu.memref_slice %dma_start3A_16[%dma_start3A_17, %dma_start3A_18] : memref<10000x128xf32, #tpu.memory_space<hbm>> -> memref<10000x128xf32, #tpu.memory_space<hbm>>
    tpu.enqueue_indirect_dma source(%dma_start3A_19 : memref<10000x128xf32, #tpu.memory_space<hbm>>) target(%dma_start3A_9 : memref<64x128xf32, #tpu.memory_space<vmem>>) offsets(%dma_start3A_12 : memref<64xi32, #tpu.memory_space<vmem>>) semaphore(%arg10 : memref<!tpu.dma_semaphore, #tpu.memory_space<semaphore_mem>>)
    %dma_start3A_20 = arith.constant 0 : i32
    %dma_start3A_21 = arith.constant 0 : i32
    %dma_start3A_22 = arith.constant 64 : i32
    %dma_start3A_23 = arith.constant 0 : i32
    %dma_start3A_24 = tpu.memref_slice %arg8[%dma_start3A_21, %dma_start3A_22, %dma_start3A_23] : memref<2x128x128xf32, #tpu.memory_space<vmem>> -> memref<1x64x128xf32, #tpu.memory_space<vmem>>
    %dma_start3A_25 = tpu.memref_squeeze %dma_start3A_24 : memref<1x64x128xf32, #tpu.memory_space<vmem>> -> memref<64x128xf32, #tpu.memory_space<vmem>>
    %dma_start3A_26 = arith.constant 64 : i32
    %dma_start3A_27 = tpu.memref_slice %arg6[%dma_start3A_20, %dma_start3A_26] : memref<80x128xi32, #tpu.memory_space<vmem>> -> memref<1x64xi32, #tpu.memory_space<vmem>>
    %dma_start3A_28 = tpu.memref_squeeze %dma_start3A_27 : memref<1x64xi32, #tpu.memory_space<vmem>> -> memref<64xi32, #tpu.memory_space<vmem>>
    %dma_start3A_29 = arith.constant 0 : i32
    %dma_start3A_30 = arith.constant 0 : i32
    %dma_start3A_31 = tpu.memref_slice %arg2[%arg0, %dma_start3A_29, %dma_start3A_30] : memref<2x10000x128xf32, #tpu.memory_space<hbm>> -> memref<1x10000x128xf32, #tpu.memory_space<hbm>>
    %dma_start3A_32 = tpu.memref_squeeze %dma_start3A_31 : memref<1x10000x128xf32, #tpu.memory_space<hbm>> -> memref<10000x128xf32, #tpu.memory_space<hbm>>
    %dma_start3A_33 = arith.constant 0 : i32
    %dma_start3A_34 = arith.constant 0 : i32
    %dma_start3A_35 = tpu.memref_slice %dma_start3A_32[%dma_start3A_33, %dma_start3A_34] : memref<10000x128xf32, #tpu.memory_space<hbm>> -> memref<10000x128xf32, #tpu.memory_space<hbm>>
    tpu.enqueue_indirect_dma source(%dma_start3A_35 : memref<10000x128xf32, #tpu.memory_space<hbm>>) target(%dma_start3A_25 : memref<64x128xf32, #tpu.memory_space<vmem>>) offsets(%dma_start3A_28 : memref<64xi32, #tpu.memory_space<vmem>>) semaphore(%arg10 : memref<!tpu.dma_semaphore, #tpu.memory_space<semaphore_mem>>)
    %dma_start3A_36 = arith.constant 0 : i32
    %dma_start3A_37 = arith.constant 0 : i32
    %dma_start3A_38 = arith.constant 0 : i32
    %dma_start3A_39 = tpu.memref_slice %arg7[%dma_start3A_37, %dma_start3A_38] : memref<2x128xi32, #tpu.memory_space<vmem>> -> memref<1x128xi32, #tpu.memory_space<vmem>>
    %dma_start3A_40 = tpu.memref_squeeze %dma_start3A_39 : memref<1x128xi32, #tpu.memory_space<vmem>> -> memref<128xi32, #tpu.memory_space<vmem>>
    %dma_start3A_41 = arith.constant 0 : i32
    %dma_start3A_42 = arith.constant 0 : i32
    %dma_start3A_43 = tpu.memref_slice %arg4[%arg1, %dma_start3A_41, %dma_start3A_42] : memref<16x80x128xi32, #tpu.memory_space<hbm>> -> memref<1x80x128xi32, #tpu.memory_space<hbm>>
    %dma_start3A_44 = tpu.memref_squeeze %dma_start3A_43 : memref<1x80x128xi32, #tpu.memory_space<hbm>> -> memref<80x128xi32, #tpu.memory_space<hbm>>
    %dma_start3A_45 = arith.constant 0 : i32
    %dma_start3A_46 = tpu.memref_slice %dma_start3A_44[%dma_start3A_36, %dma_start3A_45] : memref<80x128xi32, #tpu.memory_space<hbm>> -> memref<1x128xi32, #tpu.memory_space<hbm>>
    %dma_start3A_47 = tpu.memref_squeeze %dma_start3A_46 : memref<1x128xi32, #tpu.memory_space<hbm>> -> memref<128xi32, #tpu.memory_space<hbm>>
    %dma_start3A_48 = arith.constant 0 : i32
    %dma_start3A_49 = tpu.memref_slice %arg7[%dma_start3A_37, %dma_start3A_48] : memref<2x128xi32, #tpu.memory_space<vmem>> -> memref<1x128xi32, #tpu.memory_space<vmem>>
    %dma_start3A_50 = tpu.memref_squeeze %dma_start3A_49 : memref<1x128xi32, #tpu.memory_space<vmem>> -> memref<128xi32, #tpu.memory_space<vmem>>
    %dma_start3A_51 = arith.constant 0 : i32
    %dma_start3A_52 = arith.constant 0 : i32
    %dma_start3A_53 = tpu.memref_slice %arg4[%arg1, %dma_start3A_51, %dma_start3A_52] : memref<16x80x128xi32, #tpu.memory_space<hbm>> -> memref<1x80x128xi32, #tpu.memory_space<hbm>>
    %dma_start3A_54 = tpu.memref_squeeze %dma_start3A_53 : memref<1x80x128xi32, #tpu.memory_space<hbm>> -> memref<80x128xi32, #tpu.memory_space<hbm>>
    %dma_start3A_55 = arith.constant 0 : i32
    %dma_start3A_56 = tpu.memref_slice %dma_start3A_54[%dma_start3A_36, %dma_start3A_55] : memref<80x128xi32, #tpu.memory_space<hbm>> -> memref<1x128xi32, #tpu.memory_space<hbm>>
    %dma_start3A_57 = tpu.memref_squeeze %dma_start3A_56 : memref<1x128xi32, #tpu.memory_space<hbm>> -> memref<128xi32, #tpu.memory_space<hbm>>
    tpu.enqueue_dma source(%dma_start3A_57 : memref<128xi32, #tpu.memory_space<hbm>>) target(%dma_start3A_50 : memref<128xi32, #tpu.memory_space<vmem>>) target_semaphore(%arg12 : memref<!tpu.dma_semaphore, #tpu.memory_space<semaphore_mem>>)
    %scan3A = arith.constant 0 : i32
    %scan3A_58 = arith.constant 40 : i32
    %scan3A_59 = arith.addi %scan3A, %scan3A_58 : i32
    %scan3A_60 = arith.constant 1 : i32
    scf.for %scan3A_72 = %scan3A to %scan3A_59 step %scan3A_60  : i32 {
      %mul3A_73 = arith.constant 2 : i32
      %mul3A_74 = arith.muli %scan3A_72, %mul3A_73 : i32
      %add3A = arith.constant 0 : i32
      %add3A_75 = arith.addi %add3A, %mul3A_74 : i32
      %add3A_76 = arith.constant 0 : i32
      %add3A_77 = arith.addi %add3A_75, %add3A_76 : i32
      %add3A_78 = arith.constant 1 : i32
      %add3A_79 = arith.addi %add3A_77, %add3A_78 : i32
      %lt3A = arith.constant 80 : i32
      %lt3A_80 = arith.cmpi slt, %add3A_79, %lt3A : i32
      %convert_element_type3A_81 = arith.extui %lt3A_80 : i1 to i32
      %cond3A_82 = arith.constant 0 : i32
      %cond3A_83 = arith.cmpi ne, %convert_element_type3A_81, %cond3A_82 : i32
      scf.if %cond3A_83 {
        %dma_start3A_197 = arith.constant 1 : i32
        %dma_start3A_198 = arith.constant 0 : i32
        %dma_start3A_199 = arith.constant 0 : i32
        %dma_start3A_200 = tpu.memref_slice %arg8[%dma_start3A_197, %dma_start3A_198, %dma_start3A_199] : memref<2x128x128xf32, #tpu.memory_space<vmem>> -> memref<1x64x128xf32, #tpu.memory_space<vmem>>
        %dma_start3A_201 = tpu.memref_squeeze %dma_start3A_200 : memref<1x64x128xf32, #tpu.memory_space<vmem>> -> memref<64x128xf32, #tpu.memory_space<vmem>>
        %dma_start3A_202 = arith.constant 0 : i32
        %dma_start3A_203 = tpu.memref_slice %arg6[%add3A_79, %dma_start3A_202] : memref<80x128xi32, #tpu.memory_space<vmem>> -> memref<1x64xi32, #tpu.memory_space<vmem>>
        %dma_start3A_204 = tpu.memref_squeeze %dma_start3A_203 : memref<1x64xi32, #tpu.memory_space<vmem>> -> memref<64xi32, #tpu.memory_space<vmem>>
        %dma_start3A_205 = arith.constant 0 : i32
        %dma_start3A_206 = arith.constant 0 : i32
        %dma_start3A_207 = tpu.memref_slice %arg2[%arg0, %dma_start3A_205, %dma_start3A_206] : memref<2x10000x128xf32, #tpu.memory_space<hbm>> -> memref<1x10000x128xf32, #tpu.memory_space<hbm>>
        %dma_start3A_208 = tpu.memref_squeeze %dma_start3A_207 : memref<1x10000x128xf32, #tpu.memory_space<hbm>> -> memref<10000x128xf32, #tpu.memory_space<hbm>>
        %dma_start3A_209 = arith.constant 0 : i32
        %dma_start3A_210 = arith.constant 0 : i32
        %dma_start3A_211 = tpu.memref_slice %dma_start3A_208[%dma_start3A_209, %dma_start3A_210] : memref<10000x128xf32, #tpu.memory_space<hbm>> -> memref<10000x128xf32, #tpu.memory_space<hbm>>
        tpu.enqueue_indirect_dma source(%dma_start3A_211 : memref<10000x128xf32, #tpu.memory_space<hbm>>) target(%dma_start3A_201 : memref<64x128xf32, #tpu.memory_space<vmem>>) offsets(%dma_start3A_204 : memref<64xi32, #tpu.memory_space<vmem>>) semaphore(%arg11 : memref<!tpu.dma_semaphore, #tpu.memory_space<semaphore_mem>>)
        %dma_start3A_212 = arith.constant 1 : i32
        %dma_start3A_213 = arith.constant 64 : i32
        %dma_start3A_214 = arith.constant 0 : i32
        %dma_start3A_215 = tpu.memref_slice %arg8[%dma_start3A_212, %dma_start3A_213, %dma_start3A_214] : memref<2x128x128xf32, #tpu.memory_space<vmem>> -> memref<1x64x128xf32, #tpu.memory_space<vmem>>
        %dma_start3A_216 = tpu.memref_squeeze %dma_start3A_215 : memref<1x64x128xf32, #tpu.memory_space<vmem>> -> memref<64x128xf32, #tpu.memory_space<vmem>>
        %dma_start3A_217 = arith.constant 64 : i32
        %dma_start3A_218 = tpu.memref_slice %arg6[%add3A_79, %dma_start3A_217] : memref<80x128xi32, #tpu.memory_space<vmem>> -> memref<1x64xi32, #tpu.memory_space<vmem>>
        %dma_start3A_219 = tpu.memref_squeeze %dma_start3A_218 : memref<1x64xi32, #tpu.memory_space<vmem>> -> memref<64xi32, #tpu.memory_space<vmem>>
        %dma_start3A_220 = arith.constant 0 : i32
        %dma_start3A_221 = arith.constant 0 : i32
        %dma_start3A_222 = tpu.memref_slice %arg2[%arg0, %dma_start3A_220, %dma_start3A_221] : memref<2x10000x128xf32, #tpu.memory_space<hbm>> -> memref<1x10000x128xf32, #tpu.memory_space<hbm>>
        %dma_start3A_223 = tpu.memref_squeeze %dma_start3A_222 : memref<1x10000x128xf32, #tpu.memory_space<hbm>> -> memref<10000x128xf32, #tpu.memory_space<hbm>>
        %dma_start3A_224 = arith.constant 0 : i32
        %dma_start3A_225 = arith.constant 0 : i32
        %dma_start3A_226 = tpu.memref_slice %dma_start3A_223[%dma_start3A_224, %dma_start3A_225] : memref<10000x128xf32, #tpu.memory_space<hbm>> -> memref<10000x128xf32, #tpu.memory_space<hbm>>
        tpu.enqueue_indirect_dma source(%dma_start3A_226 : memref<10000x128xf32, #tpu.memory_space<hbm>>) target(%dma_start3A_216 : memref<64x128xf32, #tpu.memory_space<vmem>>) offsets(%dma_start3A_219 : memref<64xi32, #tpu.memory_space<vmem>>) semaphore(%arg11 : memref<!tpu.dma_semaphore, #tpu.memory_space<semaphore_mem>>)
        %dma_start3A_227 = arith.constant 1 : i32
        %dma_start3A_228 = arith.constant 0 : i32
        %dma_start3A_229 = tpu.memref_slice %arg7[%dma_start3A_227, %dma_start3A_228] : memref<2x128xi32, #tpu.memory_space<vmem>> -> memref<1x128xi32, #tpu.memory_space<vmem>>
        %dma_start3A_230 = tpu.memref_squeeze %dma_start3A_229 : memref<1x128xi32, #tpu.memory_space<vmem>> -> memref<128xi32, #tpu.memory_space<vmem>>
        %dma_start3A_231 = arith.constant 0 : i32
        %dma_start3A_232 = arith.constant 0 : i32
        %dma_start3A_233 = tpu.memref_slice %arg4[%arg1, %dma_start3A_231, %dma_start3A_232] : memref<16x80x128xi32, #tpu.memory_space<hbm>> -> memref<1x80x128xi32, #tpu.memory_space<hbm>>
        %dma_start3A_234 = tpu.memref_squeeze %dma_start3A_233 : memref<1x80x128xi32, #tpu.memory_space<hbm>> -> memref<80x128xi32, #tpu.memory_space<hbm>>
        %dma_start3A_235 = arith.constant 0 : i32
        %dma_start3A_236 = tpu.memref_slice %dma_start3A_234[%add3A_79, %dma_start3A_235] : memref<80x128xi32, #tpu.memory_space<hbm>> -> memref<1x128xi32, #tpu.memory_space<hbm>>
        %dma_start3A_237 = tpu.memref_squeeze %dma_start3A_236 : memref<1x128xi32, #tpu.memory_space<hbm>> -> memref<128xi32, #tpu.memory_space<hbm>>
        %dma_start3A_238 = arith.constant 0 : i32
        %dma_start3A_239 = tpu.memref_slice %arg7[%dma_start3A_227, %dma_start3A_238] : memref<2x128xi32, #tpu.memory_space<vmem>> -> memref<1x128xi32, #tpu.memory_space<vmem>>
        %dma_start3A_240 = tpu.memref_squeeze %dma_start3A_239 : memref<1x128xi32, #tpu.memory_space<vmem>> -> memref<128xi32, #tpu.memory_space<vmem>>
        %dma_start3A_241 = arith.constant 0 : i32
        %dma_start3A_242 = arith.constant 0 : i32
        %dma_start3A_243 = tpu.memref_slice %arg4[%arg1, %dma_start3A_241, %dma_start3A_242] : memref<16x80x128xi32, #tpu.memory_space<hbm>> -> memref<1x80x128xi32, #tpu.memory_space<hbm>>
        %dma_start3A_244 = tpu.memref_squeeze %dma_start3A_243 : memref<1x80x128xi32, #tpu.memory_space<hbm>> -> memref<80x128xi32, #tpu.memory_space<hbm>>
        %dma_start3A_245 = arith.constant 0 : i32
        %dma_start3A_246 = tpu.memref_slice %dma_start3A_244[%add3A_79, %dma_start3A_245] : memref<80x128xi32, #tpu.memory_space<hbm>> -> memref<1x128xi32, #tpu.memory_space<hbm>>
        %dma_start3A_247 = tpu.memref_squeeze %dma_start3A_246 : memref<1x128xi32, #tpu.memory_space<hbm>> -> memref<128xi32, #tpu.memory_space<hbm>>
        tpu.enqueue_dma source(%dma_start3A_247 : memref<128xi32, #tpu.memory_space<hbm>>) target(%dma_start3A_240 : memref<128xi32, #tpu.memory_space<vmem>>) target_semaphore(%arg13 : memref<!tpu.dma_semaphore, #tpu.memory_space<semaphore_mem>>)
      } else {
      }
      %dma_wait3A = arith.constant 0 : i32
      %dma_wait3A_84 = arith.constant 0 : i32
      %dma_wait3A_85 = arith.constant 0 : i32
      %dma_wait3A_86 = tpu.memref_slice %arg8[%dma_wait3A, %dma_wait3A_84, %dma_wait3A_85] : memref<2x128x128xf32, #tpu.memory_space<vmem>> -> memref<1x64x128xf32, #tpu.memory_space<vmem>>
      %dma_wait3A_87 = tpu.memref_squeeze %dma_wait3A_86 : memref<1x64x128xf32, #tpu.memory_space<vmem>> -> memref<64x128xf32, #tpu.memory_space<vmem>>
      %dma_wait3A_88 = arith.constant 0 : i32
      %dma_wait3A_89 = tpu.memref_slice %arg6[%add3A_77, %dma_wait3A_88] : memref<80x128xi32, #tpu.memory_space<vmem>> -> memref<1x64xi32, #tpu.memory_space<vmem>>
      %dma_wait3A_90 = tpu.memref_squeeze %dma_wait3A_89 : memref<1x64xi32, #tpu.memory_space<vmem>> -> memref<64xi32, #tpu.memory_space<vmem>>
      %dma_wait3A_91 = arith.constant 0 : i32
      %dma_wait3A_92 = arith.constant 0 : i32
      %dma_wait3A_93 = tpu.memref_slice %arg2[%arg0, %dma_wait3A_91, %dma_wait3A_92] : memref<2x10000x128xf32, #tpu.memory_space<hbm>> -> memref<1x10000x128xf32, #tpu.memory_space<hbm>>
      %dma_wait3A_94 = tpu.memref_squeeze %dma_wait3A_93 : memref<1x10000x128xf32, #tpu.memory_space<hbm>> -> memref<10000x128xf32, #tpu.memory_space<hbm>>
      %dma_wait3A_95 = arith.constant 0 : i32
      %dma_wait3A_96 = arith.constant 0 : i32
      %dma_wait3A_97 = tpu.memref_slice %dma_wait3A_94[%dma_wait3A_95, %dma_wait3A_96] : memref<10000x128xf32, #tpu.memory_space<hbm>> -> memref<10000x128xf32, #tpu.memory_space<hbm>>
      tpu.wait_indirect_dma semaphore(%arg10 : memref<!tpu.dma_semaphore, #tpu.memory_space<semaphore_mem>>) src(%dma_wait3A_97 : memref<10000x128xf32, #tpu.memory_space<hbm>>) dst(%dma_wait3A_87 : memref<64x128xf32, #tpu.memory_space<vmem>>)
      %dma_wait3A_98 = arith.constant 0 : i32
      %dma_wait3A_99 = arith.constant 64 : i32
      %dma_wait3A_100 = arith.constant 0 : i32
      %dma_wait3A_101 = tpu.memref_slice %arg8[%dma_wait3A_98, %dma_wait3A_99, %dma_wait3A_100] : memref<2x128x128xf32, #tpu.memory_space<vmem>> -> memref<1x64x128xf32, #tpu.memory_space<vmem>>
      %dma_wait3A_102 = tpu.memref_squeeze %dma_wait3A_101 : memref<1x64x128xf32, #tpu.memory_space<vmem>> -> memref<64x128xf32, #tpu.memory_space<vmem>>
      %dma_wait3A_103 = arith.constant 64 : i32
      %dma_wait3A_104 = tpu.memref_slice %arg6[%add3A_77, %dma_wait3A_103] : memref<80x128xi32, #tpu.memory_space<vmem>> -> memref<1x64xi32, #tpu.memory_space<vmem>>
      %dma_wait3A_105 = tpu.memref_squeeze %dma_wait3A_104 : memref<1x64xi32, #tpu.memory_space<vmem>> -> memref<64xi32, #tpu.memory_space<vmem>>
      %dma_wait3A_106 = arith.constant 0 : i32
      %dma_wait3A_107 = arith.constant 0 : i32
      %dma_wait3A_108 = tpu.memref_slice %arg2[%arg0, %dma_wait3A_106, %dma_wait3A_107] : memref<2x10000x128xf32, #tpu.memory_space<hbm>> -> memref<1x10000x128xf32, #tpu.memory_space<hbm>>
      %dma_wait3A_109 = tpu.memref_squeeze %dma_wait3A_108 : memref<1x10000x128xf32, #tpu.memory_space<hbm>> -> memref<10000x128xf32, #tpu.memory_space<hbm>>
      %dma_wait3A_110 = arith.constant 0 : i32
      %dma_wait3A_111 = arith.constant 0 : i32
      %dma_wait3A_112 = tpu.memref_slice %dma_wait3A_109[%dma_wait3A_110, %dma_wait3A_111] : memref<10000x128xf32, #tpu.memory_space<hbm>> -> memref<10000x128xf32, #tpu.memory_space<hbm>>
      tpu.wait_indirect_dma semaphore(%arg10 : memref<!tpu.dma_semaphore, #tpu.memory_space<semaphore_mem>>) src(%dma_wait3A_112 : memref<10000x128xf32, #tpu.memory_space<hbm>>) dst(%dma_wait3A_102 : memref<64x128xf32, #tpu.memory_space<vmem>>)
      %dma_wait3A_113 = arith.constant 0 : i32
      %dma_wait3A_114 = arith.constant 0 : i32
      %dma_wait3A_115 = tpu.memref_slice %arg7[%dma_wait3A_113, %dma_wait3A_114] : memref<2x128xi32, #tpu.memory_space<vmem>> -> memref<1x128xi32, #tpu.memory_space<vmem>>
      %dma_wait3A_116 = tpu.memref_squeeze %dma_wait3A_115 : memref<1x128xi32, #tpu.memory_space<vmem>> -> memref<128xi32, #tpu.memory_space<vmem>>
      %dma_wait3A_117 = arith.constant 0 : i32
      %dma_wait3A_118 = arith.constant 0 : i32
      %dma_wait3A_119 = tpu.memref_slice %arg4[%arg1, %dma_wait3A_117, %dma_wait3A_118] : memref<16x80x128xi32, #tpu.memory_space<hbm>> -> memref<1x80x128xi32, #tpu.memory_space<hbm>>
      %dma_wait3A_120 = tpu.memref_squeeze %dma_wait3A_119 : memref<1x80x128xi32, #tpu.memory_space<hbm>> -> memref<80x128xi32, #tpu.memory_space<hbm>>
      %dma_wait3A_121 = arith.constant 0 : i32
      %dma_wait3A_122 = tpu.memref_slice %dma_wait3A_120[%add3A_77, %dma_wait3A_121] : memref<80x128xi32, #tpu.memory_space<hbm>> -> memref<1x128xi32, #tpu.memory_space<hbm>>
      %dma_wait3A_123 = tpu.memref_squeeze %dma_wait3A_122 : memref<1x128xi32, #tpu.memory_space<hbm>> -> memref<128xi32, #tpu.memory_space<hbm>>
      %dma_wait3A_124 = arith.constant 0 : i32
      %dma_wait3A_125 = tpu.memref_slice %arg7[%dma_wait3A_113, %dma_wait3A_124] : memref<2x128xi32, #tpu.memory_space<vmem>> -> memref<1x128xi32, #tpu.memory_space<vmem>>
      %dma_wait3A_126 = tpu.memref_squeeze %dma_wait3A_125 : memref<1x128xi32, #tpu.memory_space<vmem>> -> memref<128xi32, #tpu.memory_space<vmem>>
      %dma_wait3A_127 = arith.constant 0 : i32
      %dma_wait3A_128 = arith.constant 0 : i32
      %dma_wait3A_129 = tpu.memref_slice %arg4[%arg1, %dma_wait3A_127, %dma_wait3A_128] : memref<16x80x128xi32, #tpu.memory_space<hbm>> -> memref<1x80x128xi32, #tpu.memory_space<hbm>>
      %dma_wait3A_130 = tpu.memref_squeeze %dma_wait3A_129 : memref<1x80x128xi32, #tpu.memory_space<hbm>> -> memref<80x128xi32, #tpu.memory_space<hbm>>
      %dma_wait3A_131 = arith.constant 0 : i32
      %dma_wait3A_132 = tpu.memref_slice %dma_wait3A_130[%add3A_77, %dma_wait3A_131] : memref<80x128xi32, #tpu.memory_space<hbm>> -> memref<1x128xi32, #tpu.memory_space<hbm>>
      %dma_wait3A_133 = tpu.memref_squeeze %dma_wait3A_132 : memref<1x128xi32, #tpu.memory_space<hbm>> -> memref<128xi32, #tpu.memory_space<hbm>>
      tpu.wait_dma2 semaphore(%arg12 : memref<!tpu.dma_semaphore, #tpu.memory_space<semaphore_mem>>) src(%dma_wait3A_133 : memref<128xi32, #tpu.memory_space<hbm>>) dst(%dma_wait3A_126 : memref<128xi32, #tpu.memory_space<vmem>>)
      %run_scoped3A = arith.constant 0 : i32
      %run_scoped3A_134 = arith.constant 0 : i32
      "tpu.region"() ({
        %run_scoped3A_197 = tpu.sem_alloc : memref<!tpu.dma_semaphore, #tpu.memory_space<semaphore_mem>>
        %dma_start3A_198 = arith.constant 0 : i32
        %dma_start3A_199 = arith.constant 0 : i32
        %dma_start3A_200 = tpu.memref_slice %arg8[%run_scoped3A, %dma_start3A_198, %dma_start3A_199] : memref<2x128x128xf32, #tpu.memory_space<vmem>> -> memref<1x128x128xf32, #tpu.memory_space<vmem>>
        %dma_start3A_201 = tpu.memref_squeeze %dma_start3A_200 : memref<1x128x128xf32, #tpu.memory_space<vmem>> -> memref<128x128xf32, #tpu.memory_space<vmem>>
        %dma_start3A_202 = arith.constant 0 : i32
        %dma_start3A_203 = tpu.memref_slice %arg7[%run_scoped3A_134, %dma_start3A_202] : memref<2x128xi32, #tpu.memory_space<vmem>> -> memref<1x128xi32, #tpu.memory_space<vmem>>
        %dma_start3A_204 = tpu.memref_squeeze %dma_start3A_203 : memref<1x128xi32, #tpu.memory_space<vmem>> -> memref<128xi32, #tpu.memory_space<vmem>>
        %dma_start3A_205 = arith.constant 0 : i32
        %dma_start3A_206 = arith.constant 0 : i32
        %dma_start3A_207 = tpu.memref_slice %arg9[%dma_start3A_205, %dma_start3A_206] : memref<10016x128xf32, #tpu.memory_space<vmem_shared>> -> memref<10016x128xf32, #tpu.memory_space<vmem_shared>>
        tpu.enqueue_indirect_dma source(%dma_start3A_201 : memref<128x128xf32, #tpu.memory_space<vmem>>) target(%dma_start3A_207 : memref<10016x128xf32, #tpu.memory_space<vmem_shared>>) offsets(%dma_start3A_204 : memref<128xi32, #tpu.memory_space<vmem>>) semaphore(%run_scoped3A_197 : memref<!tpu.dma_semaphore, #tpu.memory_space<semaphore_mem>>) {add = true}
        %dma_wait3A_208 = arith.constant 0 : i32
        %dma_wait3A_209 = arith.constant 0 : i32
        %dma_wait3A_210 = tpu.memref_slice %arg8[%run_scoped3A, %dma_wait3A_208, %dma_wait3A_209] : memref<2x128x128xf32, #tpu.memory_space<vmem>> -> memref<1x128x128xf32, #tpu.memory_space<vmem>>
        %dma_wait3A_211 = tpu.memref_squeeze %dma_wait3A_210 : memref<1x128x128xf32, #tpu.memory_space<vmem>> -> memref<128x128xf32, #tpu.memory_space<vmem>>
        %dma_wait3A_212 = arith.constant 0 : i32
        %dma_wait3A_213 = tpu.memref_slice %arg7[%run_scoped3A_134, %dma_wait3A_212] : memref<2x128xi32, #tpu.memory_space<vmem>> -> memref<1x128xi32, #tpu.memory_space<vmem>>
        %dma_wait3A_214 = tpu.memref_squeeze %dma_wait3A_213 : memref<1x128xi32, #tpu.memory_space<vmem>> -> memref<128xi32, #tpu.memory_space<vmem>>
        %dma_wait3A_215 = arith.constant 0 : i32
        %dma_wait3A_216 = arith.constant 0 : i32
        %dma_wait3A_217 = tpu.memref_slice %arg9[%dma_wait3A_215, %dma_wait3A_216] : memref<10016x128xf32, #tpu.memory_space<vmem_shared>> -> memref<10016x128xf32, #tpu.memory_space<vmem_shared>>
        tpu.wait_indirect_dma semaphore(%run_scoped3A_197 : memref<!tpu.dma_semaphore, #tpu.memory_space<semaphore_mem>>) src(%dma_wait3A_211 : memref<128x128xf32, #tpu.memory_space<vmem>>) dst(%dma_wait3A_217 : memref<10016x128xf32, #tpu.memory_space<vmem_shared>>)
        tpu.yield
      }) : () -> ()
      %add3A_135 = arith.constant 1 : i32
      %add3A_136 = arith.addi %add3A_75, %add3A_135 : i32
      %add3A_137 = arith.constant 1 : i32
      %add3A_138 = arith.addi %add3A_136, %add3A_137 : i32
      %lt3A_139 = arith.constant 80 : i32
      %lt3A_140 = arith.cmpi slt, %add3A_138, %lt3A_139 : i32
      %convert_element_type3A_141 = arith.extui %lt3A_140 : i1 to i32
      %cond3A_142 = arith.constant 0 : i32
      %cond3A_143 = arith.cmpi ne, %convert_element_type3A_141, %cond3A_142 : i32
      scf.if %cond3A_143 {
        %dma_start3A_197 = arith.constant 0 : i32
        %dma_start3A_198 = arith.constant 0 : i32
        %dma_start3A_199 = arith.constant 0 : i32
        %dma_start3A_200 = tpu.memref_slice %arg8[%dma_start3A_197, %dma_start3A_198, %dma_start3A_199] : memref<2x128x128xf32, #tpu.memory_space<vmem>> -> memref<1x64x128xf32, #tpu.memory_space<vmem>>
        %dma_start3A_201 = tpu.memref_squeeze %dma_start3A_200 : memref<1x64x128xf32, #tpu.memory_space<vmem>> -> memref<64x128xf32, #tpu.memory_space<vmem>>
        %dma_start3A_202 = arith.constant 0 : i32
        %dma_start3A_203 = tpu.memref_slice %arg6[%add3A_138, %dma_start3A_202] : memref<80x128xi32, #tpu.memory_space<vmem>> -> memref<1x64xi32, #tpu.memory_space<vmem>>
        %dma_start3A_204 = tpu.memref_squeeze %dma_start3A_203 : memref<1x64xi32, #tpu.memory_space<vmem>> -> memref<64xi32, #tpu.memory_space<vmem>>
        %dma_start3A_205 = arith.constant 0 : i32
        %dma_start3A_206 = arith.constant 0 : i32
        %dma_start3A_207 = tpu.memref_slice %arg2[%arg0, %dma_start3A_205, %dma_start3A_206] : memref<2x10000x128xf32, #tpu.memory_space<hbm>> -> memref<1x10000x128xf32, #tpu.memory_space<hbm>>
        %dma_start3A_208 = tpu.memref_squeeze %dma_start3A_207 : memref<1x10000x128xf32, #tpu.memory_space<hbm>> -> memref<10000x128xf32, #tpu.memory_space<hbm>>
        %dma_start3A_209 = arith.constant 0 : i32
        %dma_start3A_210 = arith.constant 0 : i32
        %dma_start3A_211 = tpu.memref_slice %dma_start3A_208[%dma_start3A_209, %dma_start3A_210] : memref<10000x128xf32, #tpu.memory_space<hbm>> -> memref<10000x128xf32, #tpu.memory_space<hbm>>
        tpu.enqueue_indirect_dma source(%dma_start3A_211 : memref<10000x128xf32, #tpu.memory_space<hbm>>) target(%dma_start3A_201 : memref<64x128xf32, #tpu.memory_space<vmem>>) offsets(%dma_start3A_204 : memref<64xi32, #tpu.memory_space<vmem>>) semaphore(%arg10 : memref<!tpu.dma_semaphore, #tpu.memory_space<semaphore_mem>>)
        %dma_start3A_212 = arith.constant 0 : i32
        %dma_start3A_213 = arith.constant 64 : i32
        %dma_start3A_214 = arith.constant 0 : i32
        %dma_start3A_215 = tpu.memref_slice %arg8[%dma_start3A_212, %dma_start3A_213, %dma_start3A_214] : memref<2x128x128xf32, #tpu.memory_space<vmem>> -> memref<1x64x128xf32, #tpu.memory_space<vmem>>
        %dma_start3A_216 = tpu.memref_squeeze %dma_start3A_215 : memref<1x64x128xf32, #tpu.memory_space<vmem>> -> memref<64x128xf32, #tpu.memory_space<vmem>>
        %dma_start3A_217 = arith.constant 64 : i32
        %dma_start3A_218 = tpu.memref_slice %arg6[%add3A_138, %dma_start3A_217] : memref<80x128xi32, #tpu.memory_space<vmem>> -> memref<1x64xi32, #tpu.memory_space<vmem>>
        %dma_start3A_219 = tpu.memref_squeeze %dma_start3A_218 : memref<1x64xi32, #tpu.memory_space<vmem>> -> memref<64xi32, #tpu.memory_space<vmem>>
        %dma_start3A_220 = arith.constant 0 : i32
        %dma_start3A_221 = arith.constant 0 : i32
        %dma_start3A_222 = tpu.memref_slice %arg2[%arg0, %dma_start3A_220, %dma_start3A_221] : memref<2x10000x128xf32, #tpu.memory_space<hbm>> -> memref<1x10000x128xf32, #tpu.memory_space<hbm>>
        %dma_start3A_223 = tpu.memref_squeeze %dma_start3A_222 : memref<1x10000x128xf32, #tpu.memory_space<hbm>> -> memref<10000x128xf32, #tpu.memory_space<hbm>>
        %dma_start3A_224 = arith.constant 0 : i32
        %dma_start3A_225 = arith.constant 0 : i32
        %dma_start3A_226 = tpu.memref_slice %dma_start3A_223[%dma_start3A_224, %dma_start3A_225] : memref<10000x128xf32, #tpu.memory_space<hbm>> -> memref<10000x128xf32, #tpu.memory_space<hbm>>
        tpu.enqueue_indirect_dma source(%dma_start3A_226 : memref<10000x128xf32, #tpu.memory_space<hbm>>) target(%dma_start3A_216 : memref<64x128xf32, #tpu.memory_space<vmem>>) offsets(%dma_start3A_219 : memref<64xi32, #tpu.memory_space<vmem>>) semaphore(%arg10 : memref<!tpu.dma_semaphore, #tpu.memory_space<semaphore_mem>>)
        %dma_start3A_227 = arith.constant 0 : i32
        %dma_start3A_228 = arith.constant 0 : i32
        %dma_start3A_229 = tpu.memref_slice %arg7[%dma_start3A_227, %dma_start3A_228] : memref<2x128xi32, #tpu.memory_space<vmem>> -> memref<1x128xi32, #tpu.memory_space<vmem>>
        %dma_start3A_230 = tpu.memref_squeeze %dma_start3A_229 : memref<1x128xi32, #tpu.memory_space<vmem>> -> memref<128xi32, #tpu.memory_space<vmem>>
        %dma_start3A_231 = arith.constant 0 : i32
        %dma_start3A_232 = arith.constant 0 : i32
        %dma_start3A_233 = tpu.memref_slice %arg4[%arg1, %dma_start3A_231, %dma_start3A_232] : memref<16x80x128xi32, #tpu.memory_space<hbm>> -> memref<1x80x128xi32, #tpu.memory_space<hbm>>
        %dma_start3A_234 = tpu.memref_squeeze %dma_start3A_233 : memref<1x80x128xi32, #tpu.memory_space<hbm>> -> memref<80x128xi32, #tpu.memory_space<hbm>>
        %dma_start3A_235 = arith.constant 0 : i32
        %dma_start3A_236 = tpu.memref_slice %dma_start3A_234[%add3A_138, %dma_start3A_235] : memref<80x128xi32, #tpu.memory_space<hbm>> -> memref<1x128xi32, #tpu.memory_space<hbm>>
        %dma_start3A_237 = tpu.memref_squeeze %dma_start3A_236 : memref<1x128xi32, #tpu.memory_space<hbm>> -> memref<128xi32, #tpu.memory_space<hbm>>
        %dma_start3A_238 = arith.constant 0 : i32
        %dma_start3A_239 = tpu.memref_slice %arg7[%dma_start3A_227, %dma_start3A_238] : memref<2x128xi32, #tpu.memory_space<vmem>> -> memref<1x128xi32, #tpu.memory_space<vmem>>
        %dma_start3A_240 = tpu.memref_squeeze %dma_start3A_239 : memref<1x128xi32, #tpu.memory_space<vmem>> -> memref<128xi32, #tpu.memory_space<vmem>>
        %dma_start3A_241 = arith.constant 0 : i32
        %dma_start3A_242 = arith.constant 0 : i32
        %dma_start3A_243 = tpu.memref_slice %arg4[%arg1, %dma_start3A_241, %dma_start3A_242] : memref<16x80x128xi32, #tpu.memory_space<hbm>> -> memref<1x80x128xi32, #tpu.memory_space<hbm>>
        %dma_start3A_244 = tpu.memref_squeeze %dma_start3A_243 : memref<1x80x128xi32, #tpu.memory_space<hbm>> -> memref<80x128xi32, #tpu.memory_space<hbm>>
        %dma_start3A_245 = arith.constant 0 : i32
        %dma_start3A_246 = tpu.memref_slice %dma_start3A_244[%add3A_138, %dma_start3A_245] : memref<80x128xi32, #tpu.memory_space<hbm>> -> memref<1x128xi32, #tpu.memory_space<hbm>>
        %dma_start3A_247 = tpu.memref_squeeze %dma_start3A_246 : memref<1x128xi32, #tpu.memory_space<hbm>> -> memref<128xi32, #tpu.memory_space<hbm>>
        tpu.enqueue_dma source(%dma_start3A_247 : memref<128xi32, #tpu.memory_space<hbm>>) target(%dma_start3A_240 : memref<128xi32, #tpu.memory_space<vmem>>) target_semaphore(%arg12 : memref<!tpu.dma_semaphore, #tpu.memory_space<semaphore_mem>>)
      } else {
      }
      %dma_wait3A_144 = arith.constant 1 : i32
      %dma_wait3A_145 = arith.constant 0 : i32
      %dma_wait3A_146 = arith.constant 0 : i32
      %dma_wait3A_147 = tpu.memref_slice %arg8[%dma_wait3A_144, %dma_wait3A_145, %dma_wait3A_146] : memref<2x128x128xf32, #tpu.memory_space<vmem>> -> memref<1x64x128xf32, #tpu.memory_space<vmem>>
      %dma_wait3A_148 = tpu.memref_squeeze %dma_wait3A_147 : memref<1x64x128xf32, #tpu.memory_space<vmem>> -> memref<64x128xf32, #tpu.memory_space<vmem>>
      %dma_wait3A_149 = arith.constant 0 : i32
      %dma_wait3A_150 = tpu.memref_slice %arg6[%add3A_136, %dma_wait3A_149] : memref<80x128xi32, #tpu.memory_space<vmem>> -> memref<1x64xi32, #tpu.memory_space<vmem>>
      %dma_wait3A_151 = tpu.memref_squeeze %dma_wait3A_150 : memref<1x64xi32, #tpu.memory_space<vmem>> -> memref<64xi32, #tpu.memory_space<vmem>>
      %dma_wait3A_152 = arith.constant 0 : i32
      %dma_wait3A_153 = arith.constant 0 : i32
      %dma_wait3A_154 = tpu.memref_slice %arg2[%arg0, %dma_wait3A_152, %dma_wait3A_153] : memref<2x10000x128xf32, #tpu.memory_space<hbm>> -> memref<1x10000x128xf32, #tpu.memory_space<hbm>>
      %dma_wait3A_155 = tpu.memref_squeeze %dma_wait3A_154 : memref<1x10000x128xf32, #tpu.memory_space<hbm>> -> memref<10000x128xf32, #tpu.memory_space<hbm>>
      %dma_wait3A_156 = arith.constant 0 : i32
      %dma_wait3A_157 = arith.constant 0 : i32
      %dma_wait3A_158 = tpu.memref_slice %dma_wait3A_155[%dma_wait3A_156, %dma_wait3A_157] : memref<10000x128xf32, #tpu.memory_space<hbm>> -> memref<10000x128xf32, #tpu.memory_space<hbm>>
      tpu.wait_indirect_dma semaphore(%arg11 : memref<!tpu.dma_semaphore, #tpu.memory_space<semaphore_mem>>) src(%dma_wait3A_158 : memref<10000x128xf32, #tpu.memory_space<hbm>>) dst(%dma_wait3A_148 : memref<64x128xf32, #tpu.memory_space<vmem>>)
      %dma_wait3A_159 = arith.constant 1 : i32
      %dma_wait3A_160 = arith.constant 64 : i32
      %dma_wait3A_161 = arith.constant 0 : i32
      %dma_wait3A_162 = tpu.memref_slice %arg8[%dma_wait3A_159, %dma_wait3A_160, %dma_wait3A_161] : memref<2x128x128xf32, #tpu.memory_space<vmem>> -> memref<1x64x128xf32, #tpu.memory_space<vmem>>
      %dma_wait3A_163 = tpu.memref_squeeze %dma_wait3A_162 : memref<1x64x128xf32, #tpu.memory_space<vmem>> -> memref<64x128xf32, #tpu.memory_space<vmem>>
      %dma_wait3A_164 = arith.constant 64 : i32
      %dma_wait3A_165 = tpu.memref_slice %arg6[%add3A_136, %dma_wait3A_164] : memref<80x128xi32, #tpu.memory_space<vmem>> -> memref<1x64xi32, #tpu.memory_space<vmem>>
      %dma_wait3A_166 = tpu.memref_squeeze %dma_wait3A_165 : memref<1x64xi32, #tpu.memory_space<vmem>> -> memref<64xi32, #tpu.memory_space<vmem>>
      %dma_wait3A_167 = arith.constant 0 : i32
      %dma_wait3A_168 = arith.constant 0 : i32
      %dma_wait3A_169 = tpu.memref_slice %arg2[%arg0, %dma_wait3A_167, %dma_wait3A_168] : memref<2x10000x128xf32, #tpu.memory_space<hbm>> -> memref<1x10000x128xf32, #tpu.memory_space<hbm>>
      %dma_wait3A_170 = tpu.memref_squeeze %dma_wait3A_169 : memref<1x10000x128xf32, #tpu.memory_space<hbm>> -> memref<10000x128xf32, #tpu.memory_space<hbm>>
      %dma_wait3A_171 = arith.constant 0 : i32
      %dma_wait3A_172 = arith.constant 0 : i32
      %dma_wait3A_173 = tpu.memref_slice %dma_wait3A_170[%dma_wait3A_171, %dma_wait3A_172] : memref<10000x128xf32, #tpu.memory_space<hbm>> -> memref<10000x128xf32, #tpu.memory_space<hbm>>
      tpu.wait_indirect_dma semaphore(%arg11 : memref<!tpu.dma_semaphore, #tpu.memory_space<semaphore_mem>>) src(%dma_wait3A_173 : memref<10000x128xf32, #tpu.memory_space<hbm>>) dst(%dma_wait3A_163 : memref<64x128xf32, #tpu.memory_space<vmem>>)
      %dma_wait3A_174 = arith.constant 1 : i32
      %dma_wait3A_175 = arith.constant 0 : i32
      %dma_wait3A_176 = tpu.memref_slice %arg7[%dma_wait3A_174, %dma_wait3A_175] : memref<2x128xi32, #tpu.memory_space<vmem>> -> memref<1x128xi32, #tpu.memory_space<vmem>>
      %dma_wait3A_177 = tpu.memref_squeeze %dma_wait3A_176 : memref<1x128xi32, #tpu.memory_space<vmem>> -> memref<128xi32, #tpu.memory_space<vmem>>
      %dma_wait3A_178 = arith.constant 0 : i32
      %dma_wait3A_179 = arith.constant 0 : i32
      %dma_wait3A_180 = tpu.memref_slice %arg4[%arg1, %dma_wait3A_178, %dma_wait3A_179] : memref<16x80x128xi32, #tpu.memory_space<hbm>> -> memref<1x80x128xi32, #tpu.memory_space<hbm>>
      %dma_wait3A_181 = tpu.memref_squeeze %dma_wait3A_180 : memref<1x80x128xi32, #tpu.memory_space<hbm>> -> memref<80x128xi32, #tpu.memory_space<hbm>>
      %dma_wait3A_182 = arith.constant 0 : i32
      %dma_wait3A_183 = tpu.memref_slice %dma_wait3A_181[%add3A_136, %dma_wait3A_182] : memref<80x128xi32, #tpu.memory_space<hbm>> -> memref<1x128xi32, #tpu.memory_space<hbm>>
      %dma_wait3A_184 = tpu.memref_squeeze %dma_wait3A_183 : memref<1x128xi32, #tpu.memory_space<hbm>> -> memref<128xi32, #tpu.memory_space<hbm>>
      %dma_wait3A_185 = arith.constant 0 : i32
      %dma_wait3A_186 = tpu.memref_slice %arg7[%dma_wait3A_174, %dma_wait3A_185] : memref<2x128xi32, #tpu.memory_space<vmem>> -> memref<1x128xi32, #tpu.memory_space<vmem>>
      %dma_wait3A_187 = tpu.memref_squeeze %dma_wait3A_186 : memref<1x128xi32, #tpu.memory_space<vmem>> -> memref<128xi32, #tpu.memory_space<vmem>>
      %dma_wait3A_188 = arith.constant 0 : i32
      %dma_wait3A_189 = arith.constant 0 : i32
      %dma_wait3A_190 = tpu.memref_slice %arg4[%arg1, %dma_wait3A_188, %dma_wait3A_189] : memref<16x80x128xi32, #tpu.memory_space<hbm>> -> memref<1x80x128xi32, #tpu.memory_space<hbm>>
      %dma_wait3A_191 = tpu.memref_squeeze %dma_wait3A_190 : memref<1x80x128xi32, #tpu.memory_space<hbm>> -> memref<80x128xi32, #tpu.memory_space<hbm>>
      %dma_wait3A_192 = arith.constant 0 : i32
      %dma_wait3A_193 = tpu.memref_slice %dma_wait3A_191[%add3A_136, %dma_wait3A_192] : memref<80x128xi32, #tpu.memory_space<hbm>> -> memref<1x128xi32, #tpu.memory_space<hbm>>
      %dma_wait3A_194 = tpu.memref_squeeze %dma_wait3A_193 : memref<1x128xi32, #tpu.memory_space<hbm>> -> memref<128xi32, #tpu.memory_space<hbm>>
      tpu.wait_dma2 semaphore(%arg13 : memref<!tpu.dma_semaphore, #tpu.memory_space<semaphore_mem>>) src(%dma_wait3A_194 : memref<128xi32, #tpu.memory_space<hbm>>) dst(%dma_wait3A_187 : memref<128xi32, #tpu.memory_space<vmem>>)
      %run_scoped3A_195 = arith.constant 1 : i32
      %run_scoped3A_196 = arith.constant 1 : i32
      "tpu.region"() ({
        %run_scoped3A_197 = tpu.sem_alloc : memref<!tpu.dma_semaphore, #tpu.memory_space<semaphore_mem>>
        %dma_start3A_198 = arith.constant 0 : i32
        %dma_start3A_199 = arith.constant 0 : i32
        %dma_start3A_200 = tpu.memref_slice %arg8[%run_scoped3A_195, %dma_start3A_198, %dma_start3A_199] : memref<2x128x128xf32, #tpu.memory_space<vmem>> -> memref<1x128x128xf32, #tpu.memory_space<vmem>>
        %dma_start3A_201 = tpu.memref_squeeze %dma_start3A_200 : memref<1x128x128xf32, #tpu.memory_space<vmem>> -> memref<128x128xf32, #tpu.memory_space<vmem>>
        %dma_start3A_202 = arith.constant 0 : i32
        %dma_start3A_203 = tpu.memref_slice %arg7[%run_scoped3A_196, %dma_start3A_202] : memref<2x128xi32, #tpu.memory_space<vmem>> -> memref<1x128xi32, #tpu.memory_space<vmem>>
        %dma_start3A_204 = tpu.memref_squeeze %dma_start3A_203 : memref<1x128xi32, #tpu.memory_space<vmem>> -> memref<128xi32, #tpu.memory_space<vmem>>
        %dma_start3A_205 = arith.constant 0 : i32
        %dma_start3A_206 = arith.constant 0 : i32
        %dma_start3A_207 = tpu.memref_slice %arg9[%dma_start3A_205, %dma_start3A_206] : memref<10016x128xf32, #tpu.memory_space<vmem_shared>> -> memref<10016x128xf32, #tpu.memory_space<vmem_shared>>
        tpu.enqueue_indirect_dma source(%dma_start3A_201 : memref<128x128xf32, #tpu.memory_space<vmem>>) target(%dma_start3A_207 : memref<10016x128xf32, #tpu.memory_space<vmem_shared>>) offsets(%dma_start3A_204 : memref<128xi32, #tpu.memory_space<vmem>>) semaphore(%run_scoped3A_197 : memref<!tpu.dma_semaphore, #tpu.memory_space<semaphore_mem>>) {add = true}
        %dma_wait3A_208 = arith.constant 0 : i32
        %dma_wait3A_209 = arith.constant 0 : i32
        %dma_wait3A_210 = tpu.memref_slice %arg8[%run_scoped3A_195, %dma_wait3A_208, %dma_wait3A_209] : memref<2x128x128xf32, #tpu.memory_space<vmem>> -> memref<1x128x128xf32, #tpu.memory_space<vmem>>
        %dma_wait3A_211 = tpu.memref_squeeze %dma_wait3A_210 : memref<1x128x128xf32, #tpu.memory_space<vmem>> -> memref<128x128xf32, #tpu.memory_space<vmem>>
        %dma_wait3A_212 = arith.constant 0 : i32
        %dma_wait3A_213 = tpu.memref_slice %arg7[%run_scoped3A_196, %dma_wait3A_212] : memref<2x128xi32, #tpu.memory_space<vmem>> -> memref<1x128xi32, #tpu.memory_space<vmem>>
        %dma_wait3A_214 = tpu.memref_squeeze %dma_wait3A_213 : memref<1x128xi32, #tpu.memory_space<vmem>> -> memref<128xi32, #tpu.memory_space<vmem>>
        %dma_wait3A_215 = arith.constant 0 : i32
        %dma_wait3A_216 = arith.constant 0 : i32
        %dma_wait3A_217 = tpu.memref_slice %arg9[%dma_wait3A_215, %dma_wait3A_216] : memref<10016x128xf32, #tpu.memory_space<vmem_shared>> -> memref<10016x128xf32, #tpu.memory_space<vmem_shared>>
        tpu.wait_indirect_dma semaphore(%run_scoped3A_197 : memref<!tpu.dma_semaphore, #tpu.memory_space<semaphore_mem>>) src(%dma_wait3A_211 : memref<128x128xf32, #tpu.memory_space<vmem>>) dst(%dma_wait3A_217 : memref<10016x128xf32, #tpu.memory_space<vmem_shared>>)
        tpu.yield
      }) : () -> ()
    }
    %scan3A_61 = arith.constant 40 : i32
    %barrier3A_62 = arith.constant 0 : index
    tpu.barrier barrier_id(%barrier3A_62)
    %mul3A_63 = arith.constant 624 : i32
    %mul3A_64 = arith.muli %arg1, %mul3A_63 : i32
    %mul3A_65 = arith.constant 624 : i32
    %mul3A_66 = arith.muli %arg1, %mul3A_65 : i32
    "tpu.region"() ({
      %run_scoped3A = tpu.sem_alloc : memref<!tpu.dma_semaphore, #tpu.memory_space<semaphore_mem>>
      %dma_start3A_72 = arith.constant 0 : i32
      %dma_start3A_73 = arith.constant 0 : i32
      %dma_start3A_74 = tpu.memref_slice %arg5[%arg0, %dma_start3A_72, %dma_start3A_73] : memref<2x10000x128xf32, #tpu.memory_space<hbm>> -> memref<1x10000x128xf32, #tpu.memory_space<hbm>>
      %dma_start3A_75 = tpu.memref_squeeze %dma_start3A_74 : memref<1x10000x128xf32, #tpu.memory_space<hbm>> -> memref<10000x128xf32, #tpu.memory_space<hbm>>
      %dma_start3A_76 = arith.constant 0 : i32
      %dma_start3A_77 = tpu.memref_slice %dma_start3A_75[%mul3A_66, %dma_start3A_76] : memref<10000x128xf32, #tpu.memory_space<hbm>> -> memref<624x128xf32, #tpu.memory_space<hbm>>
      %dma_start3A_78 = arith.constant 0 : i32
      %dma_start3A_79 = tpu.memref_slice %arg9[%mul3A_64, %dma_start3A_78] : memref<10016x128xf32, #tpu.memory_space<vmem_shared>> -> memref<624x128xf32, #tpu.memory_space<vmem_shared>>
      tpu.enqueue_dma source(%dma_start3A_79 : memref<624x128xf32, #tpu.memory_space<vmem_shared>>) target(%dma_start3A_77 : memref<624x128xf32, #tpu.memory_space<hbm>>) target_semaphore(%run_scoped3A : memref<!tpu.dma_semaphore, #tpu.memory_space<semaphore_mem>>)
      %dma_wait3A = arith.constant 0 : i32
      %dma_wait3A_80 = arith.constant 0 : i32
      %dma_wait3A_81 = tpu.memref_slice %arg5[%arg0, %dma_wait3A, %dma_wait3A_80] : memref<2x10000x128xf32, #tpu.memory_space<hbm>> -> memref<1x10000x128xf32, #tpu.memory_space<hbm>>
      %dma_wait3A_82 = tpu.memref_squeeze %dma_wait3A_81 : memref<1x10000x128xf32, #tpu.memory_space<hbm>> -> memref<10000x128xf32, #tpu.memory_space<hbm>>
      %dma_wait3A_83 = arith.constant 0 : i32
      %dma_wait3A_84 = tpu.memref_slice %dma_wait3A_82[%mul3A_66, %dma_wait3A_83] : memref<10000x128xf32, #tpu.memory_space<hbm>> -> memref<624x128xf32, #tpu.memory_space<hbm>>
      %dma_wait3A_85 = arith.constant 0 : i32
      %dma_wait3A_86 = tpu.memref_slice %arg9[%mul3A_64, %dma_wait3A_85] : memref<10016x128xf32, #tpu.memory_space<vmem_shared>> -> memref<624x128xf32, #tpu.memory_space<vmem_shared>>
      tpu.wait_dma2 semaphore(%run_scoped3A : memref<!tpu.dma_semaphore, #tpu.memory_space<semaphore_mem>>) src(%dma_wait3A_86 : memref<624x128xf32, #tpu.memory_space<vmem_shared>>) dst(%dma_wait3A_84 : memref<624x128xf32, #tpu.memory_space<hbm>>)
      tpu.yield
    }) : () -> ()
    %eq3A_67 = arith.constant 0 : i32
    %eq3A_68 = arith.cmpi eq, %arg1, %eq3A_67 : i32
    %convert_element_type3A_69 = arith.extui %eq3A_68 : i1 to i32
    %cond3A_70 = arith.constant 0 : i32
    %cond3A_71 = arith.cmpi ne, %convert_element_type3A_69, %cond3A_70 : i32
    scf.if %cond3A_71 {
      "tpu.region"() ({
        %run_scoped3A = tpu.sem_alloc : memref<!tpu.dma_semaphore, #tpu.memory_space<semaphore_mem>>
        %dma_start3A_72 = arith.constant 0 : i32
        %dma_start3A_73 = arith.constant 0 : i32
        %dma_start3A_74 = tpu.memref_slice %arg5[%arg0, %dma_start3A_72, %dma_start3A_73] : memref<2x10000x128xf32, #tpu.memory_space<hbm>> -> memref<1x10000x128xf32, #tpu.memory_space<hbm>>
        %dma_start3A_75 = tpu.memref_squeeze %dma_start3A_74 : memref<1x10000x128xf32, #tpu.memory_space<hbm>> -> memref<10000x128xf32, #tpu.memory_space<hbm>>
        %dma_start3A_76 = arith.constant 9984 : i32
        %dma_start3A_77 = arith.constant 0 : i32
        %dma_start3A_78 = tpu.memref_slice %dma_start3A_75[%dma_start3A_76, %dma_start3A_77] : memref<10000x128xf32, #tpu.memory_space<hbm>> -> memref<16x128xf32, #tpu.memory_space<hbm>>
        %dma_start3A_79 = arith.constant 9984 : i32
        %dma_start3A_80 = arith.constant 0 : i32
        %dma_start3A_81 = tpu.memref_slice %arg9[%dma_start3A_79, %dma_start3A_80] : memref<10016x128xf32, #tpu.memory_space<vmem_shared>> -> memref<16x128xf32, #tpu.memory_space<vmem_shared>>
        tpu.enqueue_dma source(%dma_start3A_81 : memref<16x128xf32, #tpu.memory_space<vmem_shared>>) target(%dma_start3A_78 : memref<16x128xf32, #tpu.memory_space<hbm>>) target_semaphore(%run_scoped3A : memref<!tpu.dma_semaphore, #tpu.memory_space<semaphore_mem>>)
        %dma_wait3A = arith.constant 0 : i32
        %dma_wait3A_82 = arith.constant 0 : i32
        %dma_wait3A_83 = tpu.memref_slice %arg5[%arg0, %dma_wait3A, %dma_wait3A_82] : memref<2x10000x128xf32, #tpu.memory_space<hbm>> -> memref<1x10000x128xf32, #tpu.memory_space<hbm>>
        %dma_wait3A_84 = tpu.memref_squeeze %dma_wait3A_83 : memref<1x10000x128xf32, #tpu.memory_space<hbm>> -> memref<10000x128xf32, #tpu.memory_space<hbm>>
        %dma_wait3A_85 = arith.constant 9984 : i32
        %dma_wait3A_86 = arith.constant 0 : i32
        %dma_wait3A_87 = tpu.memref_slice %dma_wait3A_84[%dma_wait3A_85, %dma_wait3A_86] : memref<10000x128xf32, #tpu.memory_space<hbm>> -> memref<16x128xf32, #tpu.memory_space<hbm>>
        %dma_wait3A_88 = arith.constant 9984 : i32
        %dma_wait3A_89 = arith.constant 0 : i32
        %dma_wait3A_90 = tpu.memref_slice %arg9[%dma_wait3A_88, %dma_wait3A_89] : memref<10016x128xf32, #tpu.memory_space<vmem_shared>> -> memref<16x128xf32, #tpu.memory_space<vmem_shared>>
        tpu.wait_dma2 semaphore(%run_scoped3A : memref<!tpu.dma_semaphore, #tpu.memory_space<semaphore_mem>>) src(%dma_wait3A_90 : memref<16x128xf32, #tpu.memory_space<vmem_shared>>) dst(%dma_wait3A_87 : memref<16x128xf32, #tpu.memory_space<hbm>>)
        tpu.yield
      }) : () -> ()
    } else {
    }
    return
  }
}

#map = affine_map<(d0, d1) -> (0, 0, 0)>
module attributes {stable_mosaic.version = 14 : i64} {
  func.func @agg_kernel(%arg0: i32, %arg1: i32, %arg2: memref<2x10000x128xf32, #tpu.memory_space<hbm>>, %arg3: memref<16x80x128xi32, #tpu.memory_space<hbm>>, %arg4: memref<16x80x128xi32, #tpu.memory_space<hbm>>, %arg5: memref<2x10000x128xf32, #tpu.memory_space<hbm>>, %arg6: memref<80x128xi32, #tpu.memory_space<vmem>>, %arg7: memref<2x128xi32, #tpu.memory_space<vmem>>, %arg8: memref<2x128x128xf32, #tpu.memory_space<vmem>>, %arg9: memref<10016x128xf32, #tpu.memory_space<vmem_shared>>, %arg10: memref<!tpu.dma_semaphore, #tpu.memory_space<semaphore_mem>>, %arg11: memref<!tpu.dma_semaphore, #tpu.memory_space<semaphore_mem>>, %arg12: memref<!tpu.dma_semaphore, #tpu.memory_space<semaphore_mem>>, %arg13: memref<!tpu.dma_semaphore, #tpu.memory_space<semaphore_mem>>) attributes {dimension_semantics = [#tpu.dimension_semantics<core_parallel>, #tpu.dimension_semantics<subcore_parallel>], iteration_bounds = array<i64: 2, 16>, scalar_prefetch = 0 : i64, scratch_operands = 8 : i64, tpu.core_type = #tpu.core_type<sc_vector_subcore>, window_params = [{transform_indices = #map}, {transform_indices = #map}, {transform_indices = #map}, {transform_indices = #map}]} {
    "tpu.region"() ({
      %run_scoped3A = tpu.sem_alloc : memref<!tpu.dma_semaphore, #tpu.memory_space<semaphore_mem>>
      %dma_start3A_72 = arith.constant 0 : i32
      %dma_start3A_73 = arith.constant 0 : i32
      %dma_start3A_74 = tpu.memref_slice %arg3[%arg1, %dma_start3A_72, %dma_start3A_73] : memref<16x80x128xi32, #tpu.memory_space<hbm>> -> memref<1x80x128xi32, #tpu.memory_space<hbm>>
      %dma_start3A_75 = tpu.memref_squeeze %dma_start3A_74 : memref<1x80x128xi32, #tpu.memory_space<hbm>> -> memref<80x128xi32, #tpu.memory_space<hbm>>
      %dma_start3A_76 = arith.constant 0 : i32
      %dma_start3A_77 = arith.constant 0 : i32
      %dma_start3A_78 = tpu.memref_slice %arg3[%arg1, %dma_start3A_76, %dma_start3A_77] : memref<16x80x128xi32, #tpu.memory_space<hbm>> -> memref<1x80x128xi32, #tpu.memory_space<hbm>>
      %dma_start3A_79 = tpu.memref_squeeze %dma_start3A_78 : memref<1x80x128xi32, #tpu.memory_space<hbm>> -> memref<80x128xi32, #tpu.memory_space<hbm>>
      tpu.enqueue_dma source(%dma_start3A_79 : memref<80x128xi32, #tpu.memory_space<hbm>>) target(%arg6 : memref<80x128xi32, #tpu.memory_space<vmem>>) target_semaphore(%run_scoped3A : memref<!tpu.dma_semaphore, #tpu.memory_space<semaphore_mem>>)
      %dma_wait3A = arith.constant 0 : i32
      %dma_wait3A_80 = arith.constant 0 : i32
      %dma_wait3A_81 = tpu.memref_slice %arg3[%arg1, %dma_wait3A, %dma_wait3A_80] : memref<16x80x128xi32, #tpu.memory_space<hbm>> -> memref<1x80x128xi32, #tpu.memory_space<hbm>>
      %dma_wait3A_82 = tpu.memref_squeeze %dma_wait3A_81 : memref<1x80x128xi32, #tpu.memory_space<hbm>> -> memref<80x128xi32, #tpu.memory_space<hbm>>
      %dma_wait3A_83 = arith.constant 0 : i32
      %dma_wait3A_84 = arith.constant 0 : i32
      %dma_wait3A_85 = tpu.memref_slice %arg3[%arg1, %dma_wait3A_83, %dma_wait3A_84] : memref<16x80x128xi32, #tpu.memory_space<hbm>> -> memref<1x80x128xi32, #tpu.memory_space<hbm>>
      %dma_wait3A_86 = tpu.memref_squeeze %dma_wait3A_85 : memref<1x80x128xi32, #tpu.memory_space<hbm>> -> memref<80x128xi32, #tpu.memory_space<hbm>>
      tpu.wait_dma2 semaphore(%run_scoped3A : memref<!tpu.dma_semaphore, #tpu.memory_space<semaphore_mem>>) src(%dma_wait3A_86 : memref<80x128xi32, #tpu.memory_space<hbm>>) dst(%arg6 : memref<80x128xi32, #tpu.memory_space<vmem>>)
      tpu.yield
    }) : () -> ()
    %mul3A = arith.constant 624 : i32
    %mul3A_0 = arith.muli %arg1, %mul3A : i32
    %mul3A_1 = arith.constant 624 : i32
    %mul3A_2 = arith.muli %arg1, %mul3A_1 : i32
    "tpu.region"() ({
      %run_scoped3A = tpu.sem_alloc : memref<!tpu.dma_semaphore, #tpu.memory_space<semaphore_mem>>
      %dma_start3A_72 = arith.constant 0 : i32
      %dma_start3A_73 = tpu.memref_slice %arg9[%mul3A_2, %dma_start3A_72] : memref<10016x128xf32, #tpu.memory_space<vmem_shared>> -> memref<624x128xf32, #tpu.memory_space<vmem_shared>>
      %dma_start3A_74 = arith.constant 0 : i32
      %dma_start3A_75 = arith.constant 0 : i32
      %dma_start3A_76 = tpu.memref_slice %arg2[%arg0, %dma_start3A_74, %dma_start3A_75] : memref<2x10000x128xf32, #tpu.memory_space<hbm>> -> memref<1x10000x128xf32, #tpu.memory_space<hbm>>
      %dma_start3A_77 = tpu.memref_squeeze %dma_start3A_76 : memref<1x10000x128xf32, #tpu.memory_space<hbm>> -> memref<10000x128xf32, #tpu.memory_space<hbm>>
      %dma_start3A_78 = arith.constant 0 : i32
      %dma_start3A_79 = tpu.memref_slice %dma_start3A_77[%mul3A_0, %dma_start3A_78] : memref<10000x128xf32, #tpu.memory_space<hbm>> -> memref<624x128xf32, #tpu.memory_space<hbm>>
      tpu.enqueue_dma source(%dma_start3A_79 : memref<624x128xf32, #tpu.memory_space<hbm>>) target(%dma_start3A_73 : memref<624x128xf32, #tpu.memory_space<vmem_shared>>) target_semaphore(%run_scoped3A : memref<!tpu.dma_semaphore, #tpu.memory_space<semaphore_mem>>)
      %dma_wait3A = arith.constant 0 : i32
      %dma_wait3A_80 = tpu.memref_slice %arg9[%mul3A_2, %dma_wait3A] : memref<10016x128xf32, #tpu.memory_space<vmem_shared>> -> memref<624x128xf32, #tpu.memory_space<vmem_shared>>
      %dma_wait3A_81 = arith.constant 0 : i32
      %dma_wait3A_82 = arith.constant 0 : i32
      %dma_wait3A_83 = tpu.memref_slice %arg2[%arg0, %dma_wait3A_81, %dma_wait3A_82] : memref<2x10000x128xf32, #tpu.memory_space<hbm>> -> memref<1x10000x128xf32, #tpu.memory_space<hbm>>
      %dma_wait3A_84 = tpu.memref_squeeze %dma_wait3A_83 : memref<1x10000x128xf32, #tpu.memory_space<hbm>> -> memref<10000x128xf32, #tpu.memory_space<hbm>>
      %dma_wait3A_85 = arith.constant 0 : i32
      %dma_wait3A_86 = tpu.memref_slice %dma_wait3A_84[%mul3A_0, %dma_wait3A_85] : memref<10000x128xf32, #tpu.memory_space<hbm>> -> memref<624x128xf32, #tpu.memory_space<hbm>>
      tpu.wait_dma2 semaphore(%run_scoped3A : memref<!tpu.dma_semaphore, #tpu.memory_space<semaphore_mem>>) src(%dma_wait3A_86 : memref<624x128xf32, #tpu.memory_space<hbm>>) dst(%dma_wait3A_80 : memref<624x128xf32, #tpu.memory_space<vmem_shared>>)
      tpu.yield
    }) : () -> ()
    %eq3A = arith.constant 0 : i32
    %eq3A_3 = arith.cmpi eq, %arg1, %eq3A : i32
    %convert_element_type3A = arith.extui %eq3A_3 : i1 to i32
    %cond3A = arith.constant 0 : i32
    %cond3A_4 = arith.cmpi ne, %convert_element_type3A, %cond3A : i32
    scf.if %cond3A_4 {
      "tpu.region"() ({
        %run_scoped3A = tpu.sem_alloc : memref<!tpu.dma_semaphore, #tpu.memory_space<semaphore_mem>>
        %dma_start3A_72 = arith.constant 9984 : i32
        %dma_start3A_73 = arith.constant 0 : i32
        %dma_start3A_74 = tpu.memref_slice %arg9[%dma_start3A_72, %dma_start3A_73] : memref<10016x128xf32, #tpu.memory_space<vmem_shared>> -> memref<16x128xf32, #tpu.memory_space<vmem_shared>>
        %dma_start3A_75 = arith.constant 0 : i32
        %dma_start3A_76 = arith.constant 0 : i32
        %dma_start3A_77 = tpu.memref_slice %arg2[%arg0, %dma_start3A_75, %dma_start3A_76] : memref<2x10000x128xf32, #tpu.memory_space<hbm>> -> memref<1x10000x128xf32, #tpu.memory_space<hbm>>
        %dma_start3A_78 = tpu.memref_squeeze %dma_start3A_77 : memref<1x10000x128xf32, #tpu.memory_space<hbm>> -> memref<10000x128xf32, #tpu.memory_space<hbm>>
        %dma_start3A_79 = arith.constant 9984 : i32
        %dma_start3A_80 = arith.constant 0 : i32
        %dma_start3A_81 = tpu.memref_slice %dma_start3A_78[%dma_start3A_79, %dma_start3A_80] : memref<10000x128xf32, #tpu.memory_space<hbm>> -> memref<16x128xf32, #tpu.memory_space<hbm>>
        tpu.enqueue_dma source(%dma_start3A_81 : memref<16x128xf32, #tpu.memory_space<hbm>>) target(%dma_start3A_74 : memref<16x128xf32, #tpu.memory_space<vmem_shared>>) target_semaphore(%run_scoped3A : memref<!tpu.dma_semaphore, #tpu.memory_space<semaphore_mem>>)
        %dma_wait3A = arith.constant 9984 : i32
        %dma_wait3A_82 = arith.constant 0 : i32
        %dma_wait3A_83 = tpu.memref_slice %arg9[%dma_wait3A, %dma_wait3A_82] : memref<10016x128xf32, #tpu.memory_space<vmem_shared>> -> memref<16x128xf32, #tpu.memory_space<vmem_shared>>
        %dma_wait3A_84 = arith.constant 0 : i32
        %dma_wait3A_85 = arith.constant 0 : i32
        %dma_wait3A_86 = tpu.memref_slice %arg2[%arg0, %dma_wait3A_84, %dma_wait3A_85] : memref<2x10000x128xf32, #tpu.memory_space<hbm>> -> memref<1x10000x128xf32, #tpu.memory_space<hbm>>
        %dma_wait3A_87 = tpu.memref_squeeze %dma_wait3A_86 : memref<1x10000x128xf32, #tpu.memory_space<hbm>> -> memref<10000x128xf32, #tpu.memory_space<hbm>>
        %dma_wait3A_88 = arith.constant 9984 : i32
        %dma_wait3A_89 = arith.constant 0 : i32
        %dma_wait3A_90 = tpu.memref_slice %dma_wait3A_87[%dma_wait3A_88, %dma_wait3A_89] : memref<10000x128xf32, #tpu.memory_space<hbm>> -> memref<16x128xf32, #tpu.memory_space<hbm>>
        tpu.wait_dma2 semaphore(%run_scoped3A : memref<!tpu.dma_semaphore, #tpu.memory_space<semaphore_mem>>) src(%dma_wait3A_90 : memref<16x128xf32, #tpu.memory_space<hbm>>) dst(%dma_wait3A_83 : memref<16x128xf32, #tpu.memory_space<vmem_shared>>)
        tpu.yield
      }) : () -> ()
    } else {
    }
    %barrier3A = arith.constant 0 : index
    tpu.barrier barrier_id(%barrier3A)
    %dma_start3A = arith.constant 0 : i32
    %dma_start3A_5 = arith.constant 0 : i32
    %dma_start3A_6 = arith.constant 0 : i32
    %dma_start3A_7 = arith.constant 0 : i32
    %dma_start3A_8 = tpu.memref_slice %arg8[%dma_start3A_5, %dma_start3A_6, %dma_start3A_7] : memref<2x128x128xf32, #tpu.memory_space<vmem>> -> memref<1x64x128xf32, #tpu.memory_space<vmem>>
    %dma_start3A_9 = tpu.memref_squeeze %dma_start3A_8 : memref<1x64x128xf32, #tpu.memory_space<vmem>> -> memref<64x128xf32, #tpu.memory_space<vmem>>
    %dma_start3A_10 = arith.constant 0 : i32
    %dma_start3A_11 = tpu.memref_slice %arg6[%dma_start3A, %dma_start3A_10] : memref<80x128xi32, #tpu.memory_space<vmem>> -> memref<1x64xi32, #tpu.memory_space<vmem>>
    %dma_start3A_12 = tpu.memref_squeeze %dma_start3A_11 : memref<1x64xi32, #tpu.memory_space<vmem>> -> memref<64xi32, #tpu.memory_space<vmem>>
    %dma_start3A_13 = arith.constant 0 : i32
    %dma_start3A_14 = arith.constant 0 : i32
    %dma_start3A_15 = tpu.memref_slice %arg2[%arg0, %dma_start3A_13, %dma_start3A_14] : memref<2x10000x128xf32, #tpu.memory_space<hbm>> -> memref<1x10000x128xf32, #tpu.memory_space<hbm>>
    %dma_start3A_16 = tpu.memref_squeeze %dma_start3A_15 : memref<1x10000x128xf32, #tpu.memory_space<hbm>> -> memref<10000x128xf32, #tpu.memory_space<hbm>>
    %dma_start3A_17 = arith.constant 0 : i32
    %dma_start3A_18 = arith.constant 0 : i32
    %dma_start3A_19 = tpu.memref_slice %dma_start3A_16[%dma_start3A_17, %dma_start3A_18] : memref<10000x128xf32, #tpu.memory_space<hbm>> -> memref<10000x128xf32, #tpu.memory_space<hbm>>
    tpu.enqueue_indirect_dma source(%dma_start3A_19 : memref<10000x128xf32, #tpu.memory_space<hbm>>) target(%dma_start3A_9 : memref<64x128xf32, #tpu.memory_space<vmem>>) offsets(%dma_start3A_12 : memref<64xi32, #tpu.memory_space<vmem>>) semaphore(%arg10 : memref<!tpu.dma_semaphore, #tpu.memory_space<semaphore_mem>>)
    %dma_start3A_20 = arith.constant 0 : i32
    %dma_start3A_21 = arith.constant 0 : i32
    %dma_start3A_22 = arith.constant 64 : i32
    %dma_start3A_23 = arith.constant 0 : i32
    %dma_start3A_24 = tpu.memref_slice %arg8[%dma_start3A_21, %dma_start3A_22, %dma_start3A_23] : memref<2x128x128xf32, #tpu.memory_space<vmem>> -> memref<1x64x128xf32, #tpu.memory_space<vmem>>
    %dma_start3A_25 = tpu.memref_squeeze %dma_start3A_24 : memref<1x64x128xf32, #tpu.memory_space<vmem>> -> memref<64x128xf32, #tpu.memory_space<vmem>>
    %dma_start3A_26 = arith.constant 64 : i32
    %dma_start3A_27 = tpu.memref_slice %arg6[%dma_start3A_20, %dma_start3A_26] : memref<80x128xi32, #tpu.memory_space<vmem>> -> memref<1x64xi32, #tpu.memory_space<vmem>>
    %dma_start3A_28 = tpu.memref_squeeze %dma_start3A_27 : memref<1x64xi32, #tpu.memory_space<vmem>> -> memref<64xi32, #tpu.memory_space<vmem>>
    %dma_start3A_29 = arith.constant 0 : i32
    %dma_start3A_30 = arith.constant 0 : i32
    %dma_start3A_31 = tpu.memref_slice %arg2[%arg0, %dma_start3A_29, %dma_start3A_30] : memref<2x10000x128xf32, #tpu.memory_space<hbm>> -> memref<1x10000x128xf32, #tpu.memory_space<hbm>>
    %dma_start3A_32 = tpu.memref_squeeze %dma_start3A_31 : memref<1x10000x128xf32, #tpu.memory_space<hbm>> -> memref<10000x128xf32, #tpu.memory_space<hbm>>
    %dma_start3A_33 = arith.constant 0 : i32
    %dma_start3A_34 = arith.constant 0 : i32
    %dma_start3A_35 = tpu.memref_slice %dma_start3A_32[%dma_start3A_33, %dma_start3A_34] : memref<10000x128xf32, #tpu.memory_space<hbm>> -> memref<10000x128xf32, #tpu.memory_space<hbm>>
    tpu.enqueue_indirect_dma source(%dma_start3A_35 : memref<10000x128xf32, #tpu.memory_space<hbm>>) target(%dma_start3A_25 : memref<64x128xf32, #tpu.memory_space<vmem>>) offsets(%dma_start3A_28 : memref<64xi32, #tpu.memory_space<vmem>>) semaphore(%arg10 : memref<!tpu.dma_semaphore, #tpu.memory_space<semaphore_mem>>)
    %dma_start3A_36 = arith.constant 0 : i32
    %dma_start3A_37 = arith.constant 0 : i32
    %dma_start3A_38 = arith.constant 0 : i32
    %dma_start3A_39 = tpu.memref_slice %arg7[%dma_start3A_37, %dma_start3A_38] : memref<2x128xi32, #tpu.memory_space<vmem>> -> memref<1x128xi32, #tpu.memory_space<vmem>>
    %dma_start3A_40 = tpu.memref_squeeze %dma_start3A_39 : memref<1x128xi32, #tpu.memory_space<vmem>> -> memref<128xi32, #tpu.memory_space<vmem>>
    %dma_start3A_41 = arith.constant 0 : i32
    %dma_start3A_42 = arith.constant 0 : i32
    %dma_start3A_43 = tpu.memref_slice %arg4[%arg1, %dma_start3A_41, %dma_start3A_42] : memref<16x80x128xi32, #tpu.memory_space<hbm>> -> memref<1x80x128xi32, #tpu.memory_space<hbm>>
    %dma_start3A_44 = tpu.memref_squeeze %dma_start3A_43 : memref<1x80x128xi32, #tpu.memory_space<hbm>> -> memref<80x128xi32, #tpu.memory_space<hbm>>
    %dma_start3A_45 = arith.constant 0 : i32
    %dma_start3A_46 = tpu.memref_slice %dma_start3A_44[%dma_start3A_36, %dma_start3A_45] : memref<80x128xi32, #tpu.memory_space<hbm>> -> memref<1x128xi32, #tpu.memory_space<hbm>>
    %dma_start3A_47 = tpu.memref_squeeze %dma_start3A_46 : memref<1x128xi32, #tpu.memory_space<hbm>> -> memref<128xi32, #tpu.memory_space<hbm>>
    %dma_start3A_48 = arith.constant 0 : i32
    %dma_start3A_49 = tpu.memref_slice %arg7[%dma_start3A_37, %dma_start3A_48] : memref<2x128xi32, #tpu.memory_space<vmem>> -> memref<1x128xi32, #tpu.memory_space<vmem>>
    %dma_start3A_50 = tpu.memref_squeeze %dma_start3A_49 : memref<1x128xi32, #tpu.memory_space<vmem>> -> memref<128xi32, #tpu.memory_space<vmem>>
    %dma_start3A_51 = arith.constant 0 : i32
    %dma_start3A_52 = arith.constant 0 : i32
    %dma_start3A_53 = tpu.memref_slice %arg4[%arg1, %dma_start3A_51, %dma_start3A_52] : memref<16x80x128xi32, #tpu.memory_space<hbm>> -> memref<1x80x128xi32, #tpu.memory_space<hbm>>
    %dma_start3A_54 = tpu.memref_squeeze %dma_start3A_53 : memref<1x80x128xi32, #tpu.memory_space<hbm>> -> memref<80x128xi32, #tpu.memory_space<hbm>>
    %dma_start3A_55 = arith.constant 0 : i32
    %dma_start3A_56 = tpu.memref_slice %dma_start3A_54[%dma_start3A_36, %dma_start3A_55] : memref<80x128xi32, #tpu.memory_space<hbm>> -> memref<1x128xi32, #tpu.memory_space<hbm>>
    %dma_start3A_57 = tpu.memref_squeeze %dma_start3A_56 : memref<1x128xi32, #tpu.memory_space<hbm>> -> memref<128xi32, #tpu.memory_space<hbm>>
    tpu.enqueue_dma source(%dma_start3A_57 : memref<128xi32, #tpu.memory_space<hbm>>) target(%dma_start3A_50 : memref<128xi32, #tpu.memory_space<vmem>>) target_semaphore(%arg12 : memref<!tpu.dma_semaphore, #tpu.memory_space<semaphore_mem>>)
    %scan3A = arith.constant 0 : i32
    %scan3A_58 = arith.constant 40 : i32
    %scan3A_59 = arith.addi %scan3A, %scan3A_58 : i32
    %scan3A_60 = arith.constant 1 : i32
    scf.for %scan3A_72 = %scan3A to %scan3A_59 step %scan3A_60  : i32 {
      %mul3A_73 = arith.constant 2 : i32
      %mul3A_74 = arith.muli %scan3A_72, %mul3A_73 : i32
      %add3A = arith.constant 0 : i32
      %add3A_75 = arith.addi %add3A, %mul3A_74 : i32
      %add3A_76 = arith.constant 0 : i32
      %add3A_77 = arith.addi %add3A_75, %add3A_76 : i32
      %add3A_78 = arith.constant 1 : i32
      %add3A_79 = arith.addi %add3A_77, %add3A_78 : i32
      %lt3A = arith.constant 80 : i32
      %lt3A_80 = arith.cmpi slt, %add3A_79, %lt3A : i32
      %convert_element_type3A_81 = arith.extui %lt3A_80 : i1 to i32
      %cond3A_82 = arith.constant 0 : i32
      %cond3A_83 = arith.cmpi ne, %convert_element_type3A_81, %cond3A_82 : i32
      scf.if %cond3A_83 {
        %dma_start3A_197 = arith.constant 1 : i32
        %dma_start3A_198 = arith.constant 0 : i32
        %dma_start3A_199 = arith.constant 0 : i32
        %dma_start3A_200 = tpu.memref_slice %arg8[%dma_start3A_197, %dma_start3A_198, %dma_start3A_199] : memref<2x128x128xf32, #tpu.memory_space<vmem>> -> memref<1x64x128xf32, #tpu.memory_space<vmem>>
        %dma_start3A_201 = tpu.memref_squeeze %dma_start3A_200 : memref<1x64x128xf32, #tpu.memory_space<vmem>> -> memref<64x128xf32, #tpu.memory_space<vmem>>
        %dma_start3A_202 = arith.constant 0 : i32
        %dma_start3A_203 = tpu.memref_slice %arg6[%add3A_79, %dma_start3A_202] : memref<80x128xi32, #tpu.memory_space<vmem>> -> memref<1x64xi32, #tpu.memory_space<vmem>>
        %dma_start3A_204 = tpu.memref_squeeze %dma_start3A_203 : memref<1x64xi32, #tpu.memory_space<vmem>> -> memref<64xi32, #tpu.memory_space<vmem>>
        %dma_start3A_205 = arith.constant 0 : i32
        %dma_start3A_206 = arith.constant 0 : i32
        %dma_start3A_207 = tpu.memref_slice %arg2[%arg0, %dma_start3A_205, %dma_start3A_206] : memref<2x10000x128xf32, #tpu.memory_space<hbm>> -> memref<1x10000x128xf32, #tpu.memory_space<hbm>>
        %dma_start3A_208 = tpu.memref_squeeze %dma_start3A_207 : memref<1x10000x128xf32, #tpu.memory_space<hbm>> -> memref<10000x128xf32, #tpu.memory_space<hbm>>
        %dma_start3A_209 = arith.constant 0 : i32
        %dma_start3A_210 = arith.constant 0 : i32
        %dma_start3A_211 = tpu.memref_slice %dma_start3A_208[%dma_start3A_209, %dma_start3A_210] : memref<10000x128xf32, #tpu.memory_space<hbm>> -> memref<10000x128xf32, #tpu.memory_space<hbm>>
        tpu.enqueue_indirect_dma source(%dma_start3A_211 : memref<10000x128xf32, #tpu.memory_space<hbm>>) target(%dma_start3A_201 : memref<64x128xf32, #tpu.memory_space<vmem>>) offsets(%dma_start3A_204 : memref<64xi32, #tpu.memory_space<vmem>>) semaphore(%arg11 : memref<!tpu.dma_semaphore, #tpu.memory_space<semaphore_mem>>)
        %dma_start3A_212 = arith.constant 1 : i32
        %dma_start3A_213 = arith.constant 64 : i32
        %dma_start3A_214 = arith.constant 0 : i32
        %dma_start3A_215 = tpu.memref_slice %arg8[%dma_start3A_212, %dma_start3A_213, %dma_start3A_214] : memref<2x128x128xf32, #tpu.memory_space<vmem>> -> memref<1x64x128xf32, #tpu.memory_space<vmem>>
        %dma_start3A_216 = tpu.memref_squeeze %dma_start3A_215 : memref<1x64x128xf32, #tpu.memory_space<vmem>> -> memref<64x128xf32, #tpu.memory_space<vmem>>
        %dma_start3A_217 = arith.constant 64 : i32
        %dma_start3A_218 = tpu.memref_slice %arg6[%add3A_79, %dma_start3A_217] : memref<80x128xi32, #tpu.memory_space<vmem>> -> memref<1x64xi32, #tpu.memory_space<vmem>>
        %dma_start3A_219 = tpu.memref_squeeze %dma_start3A_218 : memref<1x64xi32, #tpu.memory_space<vmem>> -> memref<64xi32, #tpu.memory_space<vmem>>
        %dma_start3A_220 = arith.constant 0 : i32
        %dma_start3A_221 = arith.constant 0 : i32
        %dma_start3A_222 = tpu.memref_slice %arg2[%arg0, %dma_start3A_220, %dma_start3A_221] : memref<2x10000x128xf32, #tpu.memory_space<hbm>> -> memref<1x10000x128xf32, #tpu.memory_space<hbm>>
        %dma_start3A_223 = tpu.memref_squeeze %dma_start3A_222 : memref<1x10000x128xf32, #tpu.memory_space<hbm>> -> memref<10000x128xf32, #tpu.memory_space<hbm>>
        %dma_start3A_224 = arith.constant 0 : i32
        %dma_start3A_225 = arith.constant 0 : i32
        %dma_start3A_226 = tpu.memref_slice %dma_start3A_223[%dma_start3A_224, %dma_start3A_225] : memref<10000x128xf32, #tpu.memory_space<hbm>> -> memref<10000x128xf32, #tpu.memory_space<hbm>>
        tpu.enqueue_indirect_dma source(%dma_start3A_226 : memref<10000x128xf32, #tpu.memory_space<hbm>>) target(%dma_start3A_216 : memref<64x128xf32, #tpu.memory_space<vmem>>) offsets(%dma_start3A_219 : memref<64xi32, #tpu.memory_space<vmem>>) semaphore(%arg11 : memref<!tpu.dma_semaphore, #tpu.memory_space<semaphore_mem>>)
        %dma_start3A_227 = arith.constant 1 : i32
        %dma_start3A_228 = arith.constant 0 : i32
        %dma_start3A_229 = tpu.memref_slice %arg7[%dma_start3A_227, %dma_start3A_228] : memref<2x128xi32, #tpu.memory_space<vmem>> -> memref<1x128xi32, #tpu.memory_space<vmem>>
        %dma_start3A_230 = tpu.memref_squeeze %dma_start3A_229 : memref<1x128xi32, #tpu.memory_space<vmem>> -> memref<128xi32, #tpu.memory_space<vmem>>
        %dma_start3A_231 = arith.constant 0 : i32
        %dma_start3A_232 = arith.constant 0 : i32
        %dma_start3A_233 = tpu.memref_slice %arg4[%arg1, %dma_start3A_231, %dma_start3A_232] : memref<16x80x128xi32, #tpu.memory_space<hbm>> -> memref<1x80x128xi32, #tpu.memory_space<hbm>>
        %dma_start3A_234 = tpu.memref_squeeze %dma_start3A_233 : memref<1x80x128xi32, #tpu.memory_space<hbm>> -> memref<80x128xi32, #tpu.memory_space<hbm>>
        %dma_start3A_235 = arith.constant 0 : i32
        %dma_start3A_236 = tpu.memref_slice %dma_start3A_234[%add3A_79, %dma_start3A_235] : memref<80x128xi32, #tpu.memory_space<hbm>> -> memref<1x128xi32, #tpu.memory_space<hbm>>
        %dma_start3A_237 = tpu.memref_squeeze %dma_start3A_236 : memref<1x128xi32, #tpu.memory_space<hbm>> -> memref<128xi32, #tpu.memory_space<hbm>>
        %dma_start3A_238 = arith.constant 0 : i32
        %dma_start3A_239 = tpu.memref_slice %arg7[%dma_start3A_227, %dma_start3A_238] : memref<2x128xi32, #tpu.memory_space<vmem>> -> memref<1x128xi32, #tpu.memory_space<vmem>>
        %dma_start3A_240 = tpu.memref_squeeze %dma_start3A_239 : memref<1x128xi32, #tpu.memory_space<vmem>> -> memref<128xi32, #tpu.memory_space<vmem>>
        %dma_start3A_241 = arith.constant 0 : i32
        %dma_start3A_242 = arith.constant 0 : i32
        %dma_start3A_243 = tpu.memref_slice %arg4[%arg1, %dma_start3A_241, %dma_start3A_242] : memref<16x80x128xi32, #tpu.memory_space<hbm>> -> memref<1x80x128xi32, #tpu.memory_space<hbm>>
        %dma_start3A_244 = tpu.memref_squeeze %dma_start3A_243 : memref<1x80x128xi32, #tpu.memory_space<hbm>> -> memref<80x128xi32, #tpu.memory_space<hbm>>
        %dma_start3A_245 = arith.constant 0 : i32
        %dma_start3A_246 = tpu.memref_slice %dma_start3A_244[%add3A_79, %dma_start3A_245] : memref<80x128xi32, #tpu.memory_space<hbm>> -> memref<1x128xi32, #tpu.memory_space<hbm>>
        %dma_start3A_247 = tpu.memref_squeeze %dma_start3A_246 : memref<1x128xi32, #tpu.memory_space<hbm>> -> memref<128xi32, #tpu.memory_space<hbm>>
        tpu.enqueue_dma source(%dma_start3A_247 : memref<128xi32, #tpu.memory_space<hbm>>) target(%dma_start3A_240 : memref<128xi32, #tpu.memory_space<vmem>>) target_semaphore(%arg13 : memref<!tpu.dma_semaphore, #tpu.memory_space<semaphore_mem>>)
      } else {
      }
      %dma_wait3A = arith.constant 0 : i32
      %dma_wait3A_84 = arith.constant 0 : i32
      %dma_wait3A_85 = arith.constant 0 : i32
      %dma_wait3A_86 = tpu.memref_slice %arg8[%dma_wait3A, %dma_wait3A_84, %dma_wait3A_85] : memref<2x128x128xf32, #tpu.memory_space<vmem>> -> memref<1x64x128xf32, #tpu.memory_space<vmem>>
      %dma_wait3A_87 = tpu.memref_squeeze %dma_wait3A_86 : memref<1x64x128xf32, #tpu.memory_space<vmem>> -> memref<64x128xf32, #tpu.memory_space<vmem>>
      %dma_wait3A_88 = arith.constant 0 : i32
      %dma_wait3A_89 = tpu.memref_slice %arg6[%add3A_77, %dma_wait3A_88] : memref<80x128xi32, #tpu.memory_space<vmem>> -> memref<1x64xi32, #tpu.memory_space<vmem>>
      %dma_wait3A_90 = tpu.memref_squeeze %dma_wait3A_89 : memref<1x64xi32, #tpu.memory_space<vmem>> -> memref<64xi32, #tpu.memory_space<vmem>>
      %dma_wait3A_91 = arith.constant 0 : i32
      %dma_wait3A_92 = arith.constant 0 : i32
      %dma_wait3A_93 = tpu.memref_slice %arg2[%arg0, %dma_wait3A_91, %dma_wait3A_92] : memref<2x10000x128xf32, #tpu.memory_space<hbm>> -> memref<1x10000x128xf32, #tpu.memory_space<hbm>>
      %dma_wait3A_94 = tpu.memref_squeeze %dma_wait3A_93 : memref<1x10000x128xf32, #tpu.memory_space<hbm>> -> memref<10000x128xf32, #tpu.memory_space<hbm>>
      %dma_wait3A_95 = arith.constant 0 : i32
      %dma_wait3A_96 = arith.constant 0 : i32
      %dma_wait3A_97 = tpu.memref_slice %dma_wait3A_94[%dma_wait3A_95, %dma_wait3A_96] : memref<10000x128xf32, #tpu.memory_space<hbm>> -> memref<10000x128xf32, #tpu.memory_space<hbm>>
      tpu.wait_indirect_dma semaphore(%arg10 : memref<!tpu.dma_semaphore, #tpu.memory_space<semaphore_mem>>) src(%dma_wait3A_97 : memref<10000x128xf32, #tpu.memory_space<hbm>>) dst(%dma_wait3A_87 : memref<64x128xf32, #tpu.memory_space<vmem>>)
      %dma_wait3A_98 = arith.constant 0 : i32
      %dma_wait3A_99 = arith.constant 64 : i32
      %dma_wait3A_100 = arith.constant 0 : i32
      %dma_wait3A_101 = tpu.memref_slice %arg8[%dma_wait3A_98, %dma_wait3A_99, %dma_wait3A_100] : memref<2x128x128xf32, #tpu.memory_space<vmem>> -> memref<1x64x128xf32, #tpu.memory_space<vmem>>
      %dma_wait3A_102 = tpu.memref_squeeze %dma_wait3A_101 : memref<1x64x128xf32, #tpu.memory_space<vmem>> -> memref<64x128xf32, #tpu.memory_space<vmem>>
      %dma_wait3A_103 = arith.constant 64 : i32
      %dma_wait3A_104 = tpu.memref_slice %arg6[%add3A_77, %dma_wait3A_103] : memref<80x128xi32, #tpu.memory_space<vmem>> -> memref<1x64xi32, #tpu.memory_space<vmem>>
      %dma_wait3A_105 = tpu.memref_squeeze %dma_wait3A_104 : memref<1x64xi32, #tpu.memory_space<vmem>> -> memref<64xi32, #tpu.memory_space<vmem>>
      %dma_wait3A_106 = arith.constant 0 : i32
      %dma_wait3A_107 = arith.constant 0 : i32
      %dma_wait3A_108 = tpu.memref_slice %arg2[%arg0, %dma_wait3A_106, %dma_wait3A_107] : memref<2x10000x128xf32, #tpu.memory_space<hbm>> -> memref<1x10000x128xf32, #tpu.memory_space<hbm>>
      %dma_wait3A_109 = tpu.memref_squeeze %dma_wait3A_108 : memref<1x10000x128xf32, #tpu.memory_space<hbm>> -> memref<10000x128xf32, #tpu.memory_space<hbm>>
      %dma_wait3A_110 = arith.constant 0 : i32
      %dma_wait3A_111 = arith.constant 0 : i32
      %dma_wait3A_112 = tpu.memref_slice %dma_wait3A_109[%dma_wait3A_110, %dma_wait3A_111] : memref<10000x128xf32, #tpu.memory_space<hbm>> -> memref<10000x128xf32, #tpu.memory_space<hbm>>
      tpu.wait_indirect_dma semaphore(%arg10 : memref<!tpu.dma_semaphore, #tpu.memory_space<semaphore_mem>>) src(%dma_wait3A_112 : memref<10000x128xf32, #tpu.memory_space<hbm>>) dst(%dma_wait3A_102 : memref<64x128xf32, #tpu.memory_space<vmem>>)
      %dma_wait3A_113 = arith.constant 0 : i32
      %dma_wait3A_114 = arith.constant 0 : i32
      %dma_wait3A_115 = tpu.memref_slice %arg7[%dma_wait3A_113, %dma_wait3A_114] : memref<2x128xi32, #tpu.memory_space<vmem>> -> memref<1x128xi32, #tpu.memory_space<vmem>>
      %dma_wait3A_116 = tpu.memref_squeeze %dma_wait3A_115 : memref<1x128xi32, #tpu.memory_space<vmem>> -> memref<128xi32, #tpu.memory_space<vmem>>
      %dma_wait3A_117 = arith.constant 0 : i32
      %dma_wait3A_118 = arith.constant 0 : i32
      %dma_wait3A_119 = tpu.memref_slice %arg4[%arg1, %dma_wait3A_117, %dma_wait3A_118] : memref<16x80x128xi32, #tpu.memory_space<hbm>> -> memref<1x80x128xi32, #tpu.memory_space<hbm>>
      %dma_wait3A_120 = tpu.memref_squeeze %dma_wait3A_119 : memref<1x80x128xi32, #tpu.memory_space<hbm>> -> memref<80x128xi32, #tpu.memory_space<hbm>>
      %dma_wait3A_121 = arith.constant 0 : i32
      %dma_wait3A_122 = tpu.memref_slice %dma_wait3A_120[%add3A_77, %dma_wait3A_121] : memref<80x128xi32, #tpu.memory_space<hbm>> -> memref<1x128xi32, #tpu.memory_space<hbm>>
      %dma_wait3A_123 = tpu.memref_squeeze %dma_wait3A_122 : memref<1x128xi32, #tpu.memory_space<hbm>> -> memref<128xi32, #tpu.memory_space<hbm>>
      %dma_wait3A_124 = arith.constant 0 : i32
      %dma_wait3A_125 = tpu.memref_slice %arg7[%dma_wait3A_113, %dma_wait3A_124] : memref<2x128xi32, #tpu.memory_space<vmem>> -> memref<1x128xi32, #tpu.memory_space<vmem>>
      %dma_wait3A_126 = tpu.memref_squeeze %dma_wait3A_125 : memref<1x128xi32, #tpu.memory_space<vmem>> -> memref<128xi32, #tpu.memory_space<vmem>>
      %dma_wait3A_127 = arith.constant 0 : i32
      %dma_wait3A_128 = arith.constant 0 : i32
      %dma_wait3A_129 = tpu.memref_slice %arg4[%arg1, %dma_wait3A_127, %dma_wait3A_128] : memref<16x80x128xi32, #tpu.memory_space<hbm>> -> memref<1x80x128xi32, #tpu.memory_space<hbm>>
      %dma_wait3A_130 = tpu.memref_squeeze %dma_wait3A_129 : memref<1x80x128xi32, #tpu.memory_space<hbm>> -> memref<80x128xi32, #tpu.memory_space<hbm>>
      %dma_wait3A_131 = arith.constant 0 : i32
      %dma_wait3A_132 = tpu.memref_slice %dma_wait3A_130[%add3A_77, %dma_wait3A_131] : memref<80x128xi32, #tpu.memory_space<hbm>> -> memref<1x128xi32, #tpu.memory_space<hbm>>
      %dma_wait3A_133 = tpu.memref_squeeze %dma_wait3A_132 : memref<1x128xi32, #tpu.memory_space<hbm>> -> memref<128xi32, #tpu.memory_space<hbm>>
      tpu.wait_dma2 semaphore(%arg12 : memref<!tpu.dma_semaphore, #tpu.memory_space<semaphore_mem>>) src(%dma_wait3A_133 : memref<128xi32, #tpu.memory_space<hbm>>) dst(%dma_wait3A_126 : memref<128xi32, #tpu.memory_space<vmem>>)
      %run_scoped3A = arith.constant 0 : i32
      %run_scoped3A_134 = arith.constant 0 : i32
      "tpu.region"() ({
        %run_scoped3A_197 = tpu.sem_alloc : memref<!tpu.dma_semaphore, #tpu.memory_space<semaphore_mem>>
        %dma_start3A_198 = arith.constant 0 : i32
        %dma_start3A_199 = arith.constant 0 : i32
        %dma_start3A_200 = tpu.memref_slice %arg8[%run_scoped3A, %dma_start3A_198, %dma_start3A_199] : memref<2x128x128xf32, #tpu.memory_space<vmem>> -> memref<1x128x128xf32, #tpu.memory_space<vmem>>
        %dma_start3A_201 = tpu.memref_squeeze %dma_start3A_200 : memref<1x128x128xf32, #tpu.memory_space<vmem>> -> memref<128x128xf32, #tpu.memory_space<vmem>>
        %dma_start3A_202 = arith.constant 0 : i32
        %dma_start3A_203 = tpu.memref_slice %arg7[%run_scoped3A_134, %dma_start3A_202] : memref<2x128xi32, #tpu.memory_space<vmem>> -> memref<1x128xi32, #tpu.memory_space<vmem>>
        %dma_start3A_204 = tpu.memref_squeeze %dma_start3A_203 : memref<1x128xi32, #tpu.memory_space<vmem>> -> memref<128xi32, #tpu.memory_space<vmem>>
        %dma_start3A_205 = arith.constant 0 : i32
        %dma_start3A_206 = arith.constant 0 : i32
        %dma_start3A_207 = tpu.memref_slice %arg9[%dma_start3A_205, %dma_start3A_206] : memref<10016x128xf32, #tpu.memory_space<vmem_shared>> -> memref<10016x128xf32, #tpu.memory_space<vmem_shared>>
        tpu.enqueue_indirect_dma source(%dma_start3A_201 : memref<128x128xf32, #tpu.memory_space<vmem>>) target(%dma_start3A_207 : memref<10016x128xf32, #tpu.memory_space<vmem_shared>>) offsets(%dma_start3A_204 : memref<128xi32, #tpu.memory_space<vmem>>) semaphore(%run_scoped3A_197 : memref<!tpu.dma_semaphore, #tpu.memory_space<semaphore_mem>>) {add = true}
        %dma_wait3A_208 = arith.constant 0 : i32
        %dma_wait3A_209 = arith.constant 0 : i32
        %dma_wait3A_210 = tpu.memref_slice %arg8[%run_scoped3A, %dma_wait3A_208, %dma_wait3A_209] : memref<2x128x128xf32, #tpu.memory_space<vmem>> -> memref<1x128x128xf32, #tpu.memory_space<vmem>>
        %dma_wait3A_211 = tpu.memref_squeeze %dma_wait3A_210 : memref<1x128x128xf32, #tpu.memory_space<vmem>> -> memref<128x128xf32, #tpu.memory_space<vmem>>
        %dma_wait3A_212 = arith.constant 0 : i32
        %dma_wait3A_213 = tpu.memref_slice %arg7[%run_scoped3A_134, %dma_wait3A_212] : memref<2x128xi32, #tpu.memory_space<vmem>> -> memref<1x128xi32, #tpu.memory_space<vmem>>
        %dma_wait3A_214 = tpu.memref_squeeze %dma_wait3A_213 : memref<1x128xi32, #tpu.memory_space<vmem>> -> memref<128xi32, #tpu.memory_space<vmem>>
        %dma_wait3A_215 = arith.constant 0 : i32
        %dma_wait3A_216 = arith.constant 0 : i32
        %dma_wait3A_217 = tpu.memref_slice %arg9[%dma_wait3A_215, %dma_wait3A_216] : memref<10016x128xf32, #tpu.memory_space<vmem_shared>> -> memref<10016x128xf32, #tpu.memory_space<vmem_shared>>
        tpu.wait_indirect_dma semaphore(%run_scoped3A_197 : memref<!tpu.dma_semaphore, #tpu.memory_space<semaphore_mem>>) src(%dma_wait3A_211 : memref<128x128xf32, #tpu.memory_space<vmem>>) dst(%dma_wait3A_217 : memref<10016x128xf32, #tpu.memory_space<vmem_shared>>)
        tpu.yield
      }) : () -> ()
      %add3A_135 = arith.constant 1 : i32
      %add3A_136 = arith.addi %add3A_75, %add3A_135 : i32
      %add3A_137 = arith.constant 1 : i32
      %add3A_138 = arith.addi %add3A_136, %add3A_137 : i32
      %lt3A_139 = arith.constant 80 : i32
      %lt3A_140 = arith.cmpi slt, %add3A_138, %lt3A_139 : i32
      %convert_element_type3A_141 = arith.extui %lt3A_140 : i1 to i32
      %cond3A_142 = arith.constant 0 : i32
      %cond3A_143 = arith.cmpi ne, %convert_element_type3A_141, %cond3A_142 : i32
      scf.if %cond3A_143 {
        %dma_start3A_197 = arith.constant 0 : i32
        %dma_start3A_198 = arith.constant 0 : i32
        %dma_start3A_199 = arith.constant 0 : i32
        %dma_start3A_200 = tpu.memref_slice %arg8[%dma_start3A_197, %dma_start3A_198, %dma_start3A_199] : memref<2x128x128xf32, #tpu.memory_space<vmem>> -> memref<1x64x128xf32, #tpu.memory_space<vmem>>
        %dma_start3A_201 = tpu.memref_squeeze %dma_start3A_200 : memref<1x64x128xf32, #tpu.memory_space<vmem>> -> memref<64x128xf32, #tpu.memory_space<vmem>>
        %dma_start3A_202 = arith.constant 0 : i32
        %dma_start3A_203 = tpu.memref_slice %arg6[%add3A_138, %dma_start3A_202] : memref<80x128xi32, #tpu.memory_space<vmem>> -> memref<1x64xi32, #tpu.memory_space<vmem>>
        %dma_start3A_204 = tpu.memref_squeeze %dma_start3A_203 : memref<1x64xi32, #tpu.memory_space<vmem>> -> memref<64xi32, #tpu.memory_space<vmem>>
        %dma_start3A_205 = arith.constant 0 : i32
        %dma_start3A_206 = arith.constant 0 : i32
        %dma_start3A_207 = tpu.memref_slice %arg2[%arg0, %dma_start3A_205, %dma_start3A_206] : memref<2x10000x128xf32, #tpu.memory_space<hbm>> -> memref<1x10000x128xf32, #tpu.memory_space<hbm>>
        %dma_start3A_208 = tpu.memref_squeeze %dma_start3A_207 : memref<1x10000x128xf32, #tpu.memory_space<hbm>> -> memref<10000x128xf32, #tpu.memory_space<hbm>>
        %dma_start3A_209 = arith.constant 0 : i32
        %dma_start3A_210 = arith.constant 0 : i32
        %dma_start3A_211 = tpu.memref_slice %dma_start3A_208[%dma_start3A_209, %dma_start3A_210] : memref<10000x128xf32, #tpu.memory_space<hbm>> -> memref<10000x128xf32, #tpu.memory_space<hbm>>
        tpu.enqueue_indirect_dma source(%dma_start3A_211 : memref<10000x128xf32, #tpu.memory_space<hbm>>) target(%dma_start3A_201 : memref<64x128xf32, #tpu.memory_space<vmem>>) offsets(%dma_start3A_204 : memref<64xi32, #tpu.memory_space<vmem>>) semaphore(%arg10 : memref<!tpu.dma_semaphore, #tpu.memory_space<semaphore_mem>>)
        %dma_start3A_212 = arith.constant 0 : i32
        %dma_start3A_213 = arith.constant 64 : i32
        %dma_start3A_214 = arith.constant 0 : i32
        %dma_start3A_215 = tpu.memref_slice %arg8[%dma_start3A_212, %dma_start3A_213, %dma_start3A_214] : memref<2x128x128xf32, #tpu.memory_space<vmem>> -> memref<1x64x128xf32, #tpu.memory_space<vmem>>
        %dma_start3A_216 = tpu.memref_squeeze %dma_start3A_215 : memref<1x64x128xf32, #tpu.memory_space<vmem>> -> memref<64x128xf32, #tpu.memory_space<vmem>>
        %dma_start3A_217 = arith.constant 64 : i32
        %dma_start3A_218 = tpu.memref_slice %arg6[%add3A_138, %dma_start3A_217] : memref<80x128xi32, #tpu.memory_space<vmem>> -> memref<1x64xi32, #tpu.memory_space<vmem>>
        %dma_start3A_219 = tpu.memref_squeeze %dma_start3A_218 : memref<1x64xi32, #tpu.memory_space<vmem>> -> memref<64xi32, #tpu.memory_space<vmem>>
        %dma_start3A_220 = arith.constant 0 : i32
        %dma_start3A_221 = arith.constant 0 : i32
        %dma_start3A_222 = tpu.memref_slice %arg2[%arg0, %dma_start3A_220, %dma_start3A_221] : memref<2x10000x128xf32, #tpu.memory_space<hbm>> -> memref<1x10000x128xf32, #tpu.memory_space<hbm>>
        %dma_start3A_223 = tpu.memref_squeeze %dma_start3A_222 : memref<1x10000x128xf32, #tpu.memory_space<hbm>> -> memref<10000x128xf32, #tpu.memory_space<hbm>>
        %dma_start3A_224 = arith.constant 0 : i32
        %dma_start3A_225 = arith.constant 0 : i32
        %dma_start3A_226 = tpu.memref_slice %dma_start3A_223[%dma_start3A_224, %dma_start3A_225] : memref<10000x128xf32, #tpu.memory_space<hbm>> -> memref<10000x128xf32, #tpu.memory_space<hbm>>
        tpu.enqueue_indirect_dma source(%dma_start3A_226 : memref<10000x128xf32, #tpu.memory_space<hbm>>) target(%dma_start3A_216 : memref<64x128xf32, #tpu.memory_space<vmem>>) offsets(%dma_start3A_219 : memref<64xi32, #tpu.memory_space<vmem>>) semaphore(%arg10 : memref<!tpu.dma_semaphore, #tpu.memory_space<semaphore_mem>>)
        %dma_start3A_227 = arith.constant 0 : i32
        %dma_start3A_228 = arith.constant 0 : i32
        %dma_start3A_229 = tpu.memref_slice %arg7[%dma_start3A_227, %dma_start3A_228] : memref<2x128xi32, #tpu.memory_space<vmem>> -> memref<1x128xi32, #tpu.memory_space<vmem>>
        %dma_start3A_230 = tpu.memref_squeeze %dma_start3A_229 : memref<1x128xi32, #tpu.memory_space<vmem>> -> memref<128xi32, #tpu.memory_space<vmem>>
        %dma_start3A_231 = arith.constant 0 : i32
        %dma_start3A_232 = arith.constant 0 : i32
        %dma_start3A_233 = tpu.memref_slice %arg4[%arg1, %dma_start3A_231, %dma_start3A_232] : memref<16x80x128xi32, #tpu.memory_space<hbm>> -> memref<1x80x128xi32, #tpu.memory_space<hbm>>
        %dma_start3A_234 = tpu.memref_squeeze %dma_start3A_233 : memref<1x80x128xi32, #tpu.memory_space<hbm>> -> memref<80x128xi32, #tpu.memory_space<hbm>>
        %dma_start3A_235 = arith.constant 0 : i32
        %dma_start3A_236 = tpu.memref_slice %dma_start3A_234[%add3A_138, %dma_start3A_235] : memref<80x128xi32, #tpu.memory_space<hbm>> -> memref<1x128xi32, #tpu.memory_space<hbm>>
        %dma_start3A_237 = tpu.memref_squeeze %dma_start3A_236 : memref<1x128xi32, #tpu.memory_space<hbm>> -> memref<128xi32, #tpu.memory_space<hbm>>
        %dma_start3A_238 = arith.constant 0 : i32
        %dma_start3A_239 = tpu.memref_slice %arg7[%dma_start3A_227, %dma_start3A_238] : memref<2x128xi32, #tpu.memory_space<vmem>> -> memref<1x128xi32, #tpu.memory_space<vmem>>
        %dma_start3A_240 = tpu.memref_squeeze %dma_start3A_239 : memref<1x128xi32, #tpu.memory_space<vmem>> -> memref<128xi32, #tpu.memory_space<vmem>>
        %dma_start3A_241 = arith.constant 0 : i32
        %dma_start3A_242 = arith.constant 0 : i32
        %dma_start3A_243 = tpu.memref_slice %arg4[%arg1, %dma_start3A_241, %dma_start3A_242] : memref<16x80x128xi32, #tpu.memory_space<hbm>> -> memref<1x80x128xi32, #tpu.memory_space<hbm>>
        %dma_start3A_244 = tpu.memref_squeeze %dma_start3A_243 : memref<1x80x128xi32, #tpu.memory_space<hbm>> -> memref<80x128xi32, #tpu.memory_space<hbm>>
        %dma_start3A_245 = arith.constant 0 : i32
        %dma_start3A_246 = tpu.memref_slice %dma_start3A_244[%add3A_138, %dma_start3A_245] : memref<80x128xi32, #tpu.memory_space<hbm>> -> memref<1x128xi32, #tpu.memory_space<hbm>>
        %dma_start3A_247 = tpu.memref_squeeze %dma_start3A_246 : memref<1x128xi32, #tpu.memory_space<hbm>> -> memref<128xi32, #tpu.memory_space<hbm>>
        tpu.enqueue_dma source(%dma_start3A_247 : memref<128xi32, #tpu.memory_space<hbm>>) target(%dma_start3A_240 : memref<128xi32, #tpu.memory_space<vmem>>) target_semaphore(%arg12 : memref<!tpu.dma_semaphore, #tpu.memory_space<semaphore_mem>>)
      } else {
      }
      %dma_wait3A_144 = arith.constant 1 : i32
      %dma_wait3A_145 = arith.constant 0 : i32
      %dma_wait3A_146 = arith.constant 0 : i32
      %dma_wait3A_147 = tpu.memref_slice %arg8[%dma_wait3A_144, %dma_wait3A_145, %dma_wait3A_146] : memref<2x128x128xf32, #tpu.memory_space<vmem>> -> memref<1x64x128xf32, #tpu.memory_space<vmem>>
      %dma_wait3A_148 = tpu.memref_squeeze %dma_wait3A_147 : memref<1x64x128xf32, #tpu.memory_space<vmem>> -> memref<64x128xf32, #tpu.memory_space<vmem>>
      %dma_wait3A_149 = arith.constant 0 : i32
      %dma_wait3A_150 = tpu.memref_slice %arg6[%add3A_136, %dma_wait3A_149] : memref<80x128xi32, #tpu.memory_space<vmem>> -> memref<1x64xi32, #tpu.memory_space<vmem>>
      %dma_wait3A_151 = tpu.memref_squeeze %dma_wait3A_150 : memref<1x64xi32, #tpu.memory_space<vmem>> -> memref<64xi32, #tpu.memory_space<vmem>>
      %dma_wait3A_152 = arith.constant 0 : i32
      %dma_wait3A_153 = arith.constant 0 : i32
      %dma_wait3A_154 = tpu.memref_slice %arg2[%arg0, %dma_wait3A_152, %dma_wait3A_153] : memref<2x10000x128xf32, #tpu.memory_space<hbm>> -> memref<1x10000x128xf32, #tpu.memory_space<hbm>>
      %dma_wait3A_155 = tpu.memref_squeeze %dma_wait3A_154 : memref<1x10000x128xf32, #tpu.memory_space<hbm>> -> memref<10000x128xf32, #tpu.memory_space<hbm>>
      %dma_wait3A_156 = arith.constant 0 : i32
      %dma_wait3A_157 = arith.constant 0 : i32
      %dma_wait3A_158 = tpu.memref_slice %dma_wait3A_155[%dma_wait3A_156, %dma_wait3A_157] : memref<10000x128xf32, #tpu.memory_space<hbm>> -> memref<10000x128xf32, #tpu.memory_space<hbm>>
      tpu.wait_indirect_dma semaphore(%arg11 : memref<!tpu.dma_semaphore, #tpu.memory_space<semaphore_mem>>) src(%dma_wait3A_158 : memref<10000x128xf32, #tpu.memory_space<hbm>>) dst(%dma_wait3A_148 : memref<64x128xf32, #tpu.memory_space<vmem>>)
      %dma_wait3A_159 = arith.constant 1 : i32
      %dma_wait3A_160 = arith.constant 64 : i32
      %dma_wait3A_161 = arith.constant 0 : i32
      %dma_wait3A_162 = tpu.memref_slice %arg8[%dma_wait3A_159, %dma_wait3A_160, %dma_wait3A_161] : memref<2x128x128xf32, #tpu.memory_space<vmem>> -> memref<1x64x128xf32, #tpu.memory_space<vmem>>
      %dma_wait3A_163 = tpu.memref_squeeze %dma_wait3A_162 : memref<1x64x128xf32, #tpu.memory_space<vmem>> -> memref<64x128xf32, #tpu.memory_space<vmem>>
      %dma_wait3A_164 = arith.constant 64 : i32
      %dma_wait3A_165 = tpu.memref_slice %arg6[%add3A_136, %dma_wait3A_164] : memref<80x128xi32, #tpu.memory_space<vmem>> -> memref<1x64xi32, #tpu.memory_space<vmem>>
      %dma_wait3A_166 = tpu.memref_squeeze %dma_wait3A_165 : memref<1x64xi32, #tpu.memory_space<vmem>> -> memref<64xi32, #tpu.memory_space<vmem>>
      %dma_wait3A_167 = arith.constant 0 : i32
      %dma_wait3A_168 = arith.constant 0 : i32
      %dma_wait3A_169 = tpu.memref_slice %arg2[%arg0, %dma_wait3A_167, %dma_wait3A_168] : memref<2x10000x128xf32, #tpu.memory_space<hbm>> -> memref<1x10000x128xf32, #tpu.memory_space<hbm>>
      %dma_wait3A_170 = tpu.memref_squeeze %dma_wait3A_169 : memref<1x10000x128xf32, #tpu.memory_space<hbm>> -> memref<10000x128xf32, #tpu.memory_space<hbm>>
      %dma_wait3A_171 = arith.constant 0 : i32
      %dma_wait3A_172 = arith.constant 0 : i32
      %dma_wait3A_173 = tpu.memref_slice %dma_wait3A_170[%dma_wait3A_171, %dma_wait3A_172] : memref<10000x128xf32, #tpu.memory_space<hbm>> -> memref<10000x128xf32, #tpu.memory_space<hbm>>
      tpu.wait_indirect_dma semaphore(%arg11 : memref<!tpu.dma_semaphore, #tpu.memory_space<semaphore_mem>>) src(%dma_wait3A_173 : memref<10000x128xf32, #tpu.memory_space<hbm>>) dst(%dma_wait3A_163 : memref<64x128xf32, #tpu.memory_space<vmem>>)
      %dma_wait3A_174 = arith.constant 1 : i32
      %dma_wait3A_175 = arith.constant 0 : i32
      %dma_wait3A_176 = tpu.memref_slice %arg7[%dma_wait3A_174, %dma_wait3A_175] : memref<2x128xi32, #tpu.memory_space<vmem>> -> memref<1x128xi32, #tpu.memory_space<vmem>>
      %dma_wait3A_177 = tpu.memref_squeeze %dma_wait3A_176 : memref<1x128xi32, #tpu.memory_space<vmem>> -> memref<128xi32, #tpu.memory_space<vmem>>
      %dma_wait3A_178 = arith.constant 0 : i32
      %dma_wait3A_179 = arith.constant 0 : i32
      %dma_wait3A_180 = tpu.memref_slice %arg4[%arg1, %dma_wait3A_178, %dma_wait3A_179] : memref<16x80x128xi32, #tpu.memory_space<hbm>> -> memref<1x80x128xi32, #tpu.memory_space<hbm>>
      %dma_wait3A_181 = tpu.memref_squeeze %dma_wait3A_180 : memref<1x80x128xi32, #tpu.memory_space<hbm>> -> memref<80x128xi32, #tpu.memory_space<hbm>>
      %dma_wait3A_182 = arith.constant 0 : i32
      %dma_wait3A_183 = tpu.memref_slice %dma_wait3A_181[%add3A_136, %dma_wait3A_182] : memref<80x128xi32, #tpu.memory_space<hbm>> -> memref<1x128xi32, #tpu.memory_space<hbm>>
      %dma_wait3A_184 = tpu.memref_squeeze %dma_wait3A_183 : memref<1x128xi32, #tpu.memory_space<hbm>> -> memref<128xi32, #tpu.memory_space<hbm>>
      %dma_wait3A_185 = arith.constant 0 : i32
      %dma_wait3A_186 = tpu.memref_slice %arg7[%dma_wait3A_174, %dma_wait3A_185] : memref<2x128xi32, #tpu.memory_space<vmem>> -> memref<1x128xi32, #tpu.memory_space<vmem>>
      %dma_wait3A_187 = tpu.memref_squeeze %dma_wait3A_186 : memref<1x128xi32, #tpu.memory_space<vmem>> -> memref<128xi32, #tpu.memory_space<vmem>>
      %dma_wait3A_188 = arith.constant 0 : i32
      %dma_wait3A_189 = arith.constant 0 : i32
      %dma_wait3A_190 = tpu.memref_slice %arg4[%arg1, %dma_wait3A_188, %dma_wait3A_189] : memref<16x80x128xi32, #tpu.memory_space<hbm>> -> memref<1x80x128xi32, #tpu.memory_space<hbm>>
      %dma_wait3A_191 = tpu.memref_squeeze %dma_wait3A_190 : memref<1x80x128xi32, #tpu.memory_space<hbm>> -> memref<80x128xi32, #tpu.memory_space<hbm>>
      %dma_wait3A_192 = arith.constant 0 : i32
      %dma_wait3A_193 = tpu.memref_slice %dma_wait3A_191[%add3A_136, %dma_wait3A_192] : memref<80x128xi32, #tpu.memory_space<hbm>> -> memref<1x128xi32, #tpu.memory_space<hbm>>
      %dma_wait3A_194 = tpu.memref_squeeze %dma_wait3A_193 : memref<1x128xi32, #tpu.memory_space<hbm>> -> memref<128xi32, #tpu.memory_space<hbm>>
      tpu.wait_dma2 semaphore(%arg13 : memref<!tpu.dma_semaphore, #tpu.memory_space<semaphore_mem>>) src(%dma_wait3A_194 : memref<128xi32, #tpu.memory_space<hbm>>) dst(%dma_wait3A_187 : memref<128xi32, #tpu.memory_space<vmem>>)
      %run_scoped3A_195 = arith.constant 1 : i32
      %run_scoped3A_196 = arith.constant 1 : i32
      "tpu.region"() ({
        %run_scoped3A_197 = tpu.sem_alloc : memref<!tpu.dma_semaphore, #tpu.memory_space<semaphore_mem>>
        %dma_start3A_198 = arith.constant 0 : i32
        %dma_start3A_199 = arith.constant 0 : i32
        %dma_start3A_200 = tpu.memref_slice %arg8[%run_scoped3A_195, %dma_start3A_198, %dma_start3A_199] : memref<2x128x128xf32, #tpu.memory_space<vmem>> -> memref<1x128x128xf32, #tpu.memory_space<vmem>>
        %dma_start3A_201 = tpu.memref_squeeze %dma_start3A_200 : memref<1x128x128xf32, #tpu.memory_space<vmem>> -> memref<128x128xf32, #tpu.memory_space<vmem>>
        %dma_start3A_202 = arith.constant 0 : i32
        %dma_start3A_203 = tpu.memref_slice %arg7[%run_scoped3A_196, %dma_start3A_202] : memref<2x128xi32, #tpu.memory_space<vmem>> -> memref<1x128xi32, #tpu.memory_space<vmem>>
        %dma_start3A_204 = tpu.memref_squeeze %dma_start3A_203 : memref<1x128xi32, #tpu.memory_space<vmem>> -> memref<128xi32, #tpu.memory_space<vmem>>
        %dma_start3A_205 = arith.constant 0 : i32
        %dma_start3A_206 = arith.constant 0 : i32
        %dma_start3A_207 = tpu.memref_slice %arg9[%dma_start3A_205, %dma_start3A_206] : memref<10016x128xf32, #tpu.memory_space<vmem_shared>> -> memref<10016x128xf32, #tpu.memory_space<vmem_shared>>
        tpu.enqueue_indirect_dma source(%dma_start3A_201 : memref<128x128xf32, #tpu.memory_space<vmem>>) target(%dma_start3A_207 : memref<10016x128xf32, #tpu.memory_space<vmem_shared>>) offsets(%dma_start3A_204 : memref<128xi32, #tpu.memory_space<vmem>>) semaphore(%run_scoped3A_197 : memref<!tpu.dma_semaphore, #tpu.memory_space<semaphore_mem>>) {add = true}
        %dma_wait3A_208 = arith.constant 0 : i32
        %dma_wait3A_209 = arith.constant 0 : i32
        %dma_wait3A_210 = tpu.memref_slice %arg8[%run_scoped3A_195, %dma_wait3A_208, %dma_wait3A_209] : memref<2x128x128xf32, #tpu.memory_space<vmem>> -> memref<1x128x128xf32, #tpu.memory_space<vmem>>
        %dma_wait3A_211 = tpu.memref_squeeze %dma_wait3A_210 : memref<1x128x128xf32, #tpu.memory_space<vmem>> -> memref<128x128xf32, #tpu.memory_space<vmem>>
        %dma_wait3A_212 = arith.constant 0 : i32
        %dma_wait3A_213 = tpu.memref_slice %arg7[%run_scoped3A_196, %dma_wait3A_212] : memref<2x128xi32, #tpu.memory_space<vmem>> -> memref<1x128xi32, #tpu.memory_space<vmem>>
        %dma_wait3A_214 = tpu.memref_squeeze %dma_wait3A_213 : memref<1x128xi32, #tpu.memory_space<vmem>> -> memref<128xi32, #tpu.memory_space<vmem>>
        %dma_wait3A_215 = arith.constant 0 : i32
        %dma_wait3A_216 = arith.constant 0 : i32
        %dma_wait3A_217 = tpu.memref_slice %arg9[%dma_wait3A_215, %dma_wait3A_216] : memref<10016x128xf32, #tpu.memory_space<vmem_shared>> -> memref<10016x128xf32, #tpu.memory_space<vmem_shared>>
        tpu.wait_indirect_dma semaphore(%run_scoped3A_197 : memref<!tpu.dma_semaphore, #tpu.memory_space<semaphore_mem>>) src(%dma_wait3A_211 : memref<128x128xf32, #tpu.memory_space<vmem>>) dst(%dma_wait3A_217 : memref<10016x128xf32, #tpu.memory_space<vmem_shared>>)
        tpu.yield
      }) : () -> ()
    }
    %scan3A_61 = arith.constant 40 : i32
    %barrier3A_62 = arith.constant 0 : index
    tpu.barrier barrier_id(%barrier3A_62)
    %mul3A_63 = arith.constant 624 : i32
    %mul3A_64 = arith.muli %arg1, %mul3A_63 : i32
    %mul3A_65 = arith.constant 624 : i32
    %mul3A_66 = arith.muli %arg1, %mul3A_65 : i32
    "tpu.region"() ({
      %run_scoped3A = tpu.sem_alloc : memref<!tpu.dma_semaphore, #tpu.memory_space<semaphore_mem>>
      %dma_start3A_72 = arith.constant 0 : i32
      %dma_start3A_73 = arith.constant 0 : i32
      %dma_start3A_74 = tpu.memref_slice %arg5[%arg0, %dma_start3A_72, %dma_start3A_73] : memref<2x10000x128xf32, #tpu.memory_space<hbm>> -> memref<1x10000x128xf32, #tpu.memory_space<hbm>>
      %dma_start3A_75 = tpu.memref_squeeze %dma_start3A_74 : memref<1x10000x128xf32, #tpu.memory_space<hbm>> -> memref<10000x128xf32, #tpu.memory_space<hbm>>
      %dma_start3A_76 = arith.constant 0 : i32
      %dma_start3A_77 = tpu.memref_slice %dma_start3A_75[%mul3A_66, %dma_start3A_76] : memref<10000x128xf32, #tpu.memory_space<hbm>> -> memref<624x128xf32, #tpu.memory_space<hbm>>
      %dma_start3A_78 = arith.constant 0 : i32
      %dma_start3A_79 = tpu.memref_slice %arg9[%mul3A_64, %dma_start3A_78] : memref<10016x128xf32, #tpu.memory_space<vmem_shared>> -> memref<624x128xf32, #tpu.memory_space<vmem_shared>>
      tpu.enqueue_dma source(%dma_start3A_79 : memref<624x128xf32, #tpu.memory_space<vmem_shared>>) target(%dma_start3A_77 : memref<624x128xf32, #tpu.memory_space<hbm>>) target_semaphore(%run_scoped3A : memref<!tpu.dma_semaphore, #tpu.memory_space<semaphore_mem>>)
      %dma_wait3A = arith.constant 0 : i32
      %dma_wait3A_80 = arith.constant 0 : i32
      %dma_wait3A_81 = tpu.memref_slice %arg5[%arg0, %dma_wait3A, %dma_wait3A_80] : memref<2x10000x128xf32, #tpu.memory_space<hbm>> -> memref<1x10000x128xf32, #tpu.memory_space<hbm>>
      %dma_wait3A_82 = tpu.memref_squeeze %dma_wait3A_81 : memref<1x10000x128xf32, #tpu.memory_space<hbm>> -> memref<10000x128xf32, #tpu.memory_space<hbm>>
      %dma_wait3A_83 = arith.constant 0 : i32
      %dma_wait3A_84 = tpu.memref_slice %dma_wait3A_82[%mul3A_66, %dma_wait3A_83] : memref<10000x128xf32, #tpu.memory_space<hbm>> -> memref<624x128xf32, #tpu.memory_space<hbm>>
      %dma_wait3A_85 = arith.constant 0 : i32
      %dma_wait3A_86 = tpu.memref_slice %arg9[%mul3A_64, %dma_wait3A_85] : memref<10016x128xf32, #tpu.memory_space<vmem_shared>> -> memref<624x128xf32, #tpu.memory_space<vmem_shared>>
      tpu.wait_dma2 semaphore(%run_scoped3A : memref<!tpu.dma_semaphore, #tpu.memory_space<semaphore_mem>>) src(%dma_wait3A_86 : memref<624x128xf32, #tpu.memory_space<vmem_shared>>) dst(%dma_wait3A_84 : memref<624x128xf32, #tpu.memory_space<hbm>>)
      tpu.yield
    }) : () -> ()
    %eq3A_67 = arith.constant 0 : i32
    %eq3A_68 = arith.cmpi eq, %arg1, %eq3A_67 : i32
    %convert_element_type3A_69 = arith.extui %eq3A_68 : i1 to i32
    %cond3A_70 = arith.constant 0 : i32
    %cond3A_71 = arith.cmpi ne, %convert_element_type3A_69, %cond3A_70 : i32
    scf.if %cond3A_71 {
      "tpu.region"() ({
        %run_scoped3A = tpu.sem_alloc : memref<!tpu.dma_semaphore, #tpu.memory_space<semaphore_mem>>
        %dma_start3A_72 = arith.constant 0 : i32
        %dma_start3A_73 = arith.constant 0 : i32
        %dma_start3A_74 = tpu.memref_slice %arg5[%arg0, %dma_start3A_72, %dma_start3A_73] : memref<2x10000x128xf32, #tpu.memory_space<hbm>> -> memref<1x10000x128xf32, #tpu.memory_space<hbm>>
        %dma_start3A_75 = tpu.memref_squeeze %dma_start3A_74 : memref<1x10000x128xf32, #tpu.memory_space<hbm>> -> memref<10000x128xf32, #tpu.memory_space<hbm>>
        %dma_start3A_76 = arith.constant 9984 : i32
        %dma_start3A_77 = arith.constant 0 : i32
        %dma_start3A_78 = tpu.memref_slice %dma_start3A_75[%dma_start3A_76, %dma_start3A_77] : memref<10000x128xf32, #tpu.memory_space<hbm>> -> memref<16x128xf32, #tpu.memory_space<hbm>>
        %dma_start3A_79 = arith.constant 9984 : i32
        %dma_start3A_80 = arith.constant 0 : i32
        %dma_start3A_81 = tpu.memref_slice %arg9[%dma_start3A_79, %dma_start3A_80] : memref<10016x128xf32, #tpu.memory_space<vmem_shared>> -> memref<16x128xf32, #tpu.memory_space<vmem_shared>>
        tpu.enqueue_dma source(%dma_start3A_81 : memref<16x128xf32, #tpu.memory_space<vmem_shared>>) target(%dma_start3A_78 : memref<16x128xf32, #tpu.memory_space<hbm>>) target_semaphore(%run_scoped3A : memref<!tpu.dma_semaphore, #tpu.memory_space<semaphore_mem>>)
        %dma_wait3A = arith.constant 0 : i32
        %dma_wait3A_82 = arith.constant 0 : i32
        %dma_wait3A_83 = tpu.memref_slice %arg5[%arg0, %dma_wait3A, %dma_wait3A_82] : memref<2x10000x128xf32, #tpu.memory_space<hbm>> -> memref<1x10000x128xf32, #tpu.memory_space<hbm>>
        %dma_wait3A_84 = tpu.memref_squeeze %dma_wait3A_83 : memref<1x10000x128xf32, #tpu.memory_space<hbm>> -> memref<10000x128xf32, #tpu.memory_space<hbm>>
        %dma_wait3A_85 = arith.constant 9984 : i32
        %dma_wait3A_86 = arith.constant 0 : i32
        %dma_wait3A_87 = tpu.memref_slice %dma_wait3A_84[%dma_wait3A_85, %dma_wait3A_86] : memref<10000x128xf32, #tpu.memory_space<hbm>> -> memref<16x128xf32, #tpu.memory_space<hbm>>
        %dma_wait3A_88 = arith.constant 9984 : i32
        %dma_wait3A_89 = arith.constant 0 : i32
        %dma_wait3A_90 = tpu.memref_slice %arg9[%dma_wait3A_88, %dma_wait3A_89] : memref<10016x128xf32, #tpu.memory_space<vmem_shared>> -> memref<16x128xf32, #tpu.memory_space<vmem_shared>>
        tpu.wait_dma2 semaphore(%run_scoped3A : memref<!tpu.dma_semaphore, #tpu.memory_space<semaphore_mem>>) src(%dma_wait3A_90 : memref<16x128xf32, #tpu.memory_space<vmem_shared>>) dst(%dma_wait3A_87 : memref<16x128xf32, #tpu.memory_space<hbm>>)
        tpu.yield
      }) : () -> ()
    } else {
    }
    return
  }
}

#map = affine_map<(d0, d1) -> (0)>
#map1 = affine_map<(d0, d1) -> (0, 0)>
module attributes {stable_mosaic.version = 14 : i64} {
  func.func @deg_kernel(%arg0: i32, %arg1: i32, %arg2: memref<163840xi32, #tpu.memory_space<hbm>>, %arg3: memref<32x10240xf32, #tpu.memory_space<hbm>>, %arg4: memref<5120xi32, #tpu.memory_space<vmem>>, %arg5: memref<10240xf32, #tpu.memory_space<vmem>>) attributes {dimension_semantics = [#tpu.dimension_semantics<core_parallel>, #tpu.dimension_semantics<subcore_parallel>], iteration_bounds = array<i64: 2, 16>, scalar_prefetch = 0 : i64, scratch_operands = 2 : i64, tpu.core_type = #tpu.core_type<sc_vector_subcore>, window_params = [{transform_indices = #map}, {transform_indices = #map1}]} {
    %mul3A = arith.constant 16 : i32
    %mul3A_0 = arith.muli %arg0, %mul3A : i32
    %add3A = arith.addi %mul3A_0, %arg1 : i32
    %mul3A_1 = arith.constant 5120 : i32
    %mul3A_2 = arith.muli %add3A, %mul3A_1 : i32
    "tpu.region"() ({
      %run_scoped3A = tpu.sem_alloc : memref<!tpu.dma_semaphore, #tpu.memory_space<semaphore_mem>>
      %dma_start3A = tpu.memref_slice %arg2[%mul3A_2] : memref<163840xi32, #tpu.memory_space<hbm>> -> memref<5120xi32, #tpu.memory_space<hbm>>
      %dma_start3A_13 = tpu.memref_slice %arg2[%mul3A_2] : memref<163840xi32, #tpu.memory_space<hbm>> -> memref<5120xi32, #tpu.memory_space<hbm>>
      tpu.enqueue_dma source(%dma_start3A_13 : memref<5120xi32, #tpu.memory_space<hbm>>) target(%arg4 : memref<5120xi32, #tpu.memory_space<vmem>>) target_semaphore(%run_scoped3A : memref<!tpu.dma_semaphore, #tpu.memory_space<semaphore_mem>>)
      %dma_wait3A = tpu.memref_slice %arg2[%mul3A_2] : memref<163840xi32, #tpu.memory_space<hbm>> -> memref<5120xi32, #tpu.memory_space<hbm>>
      %dma_wait3A_14 = tpu.memref_slice %arg2[%mul3A_2] : memref<163840xi32, #tpu.memory_space<hbm>> -> memref<5120xi32, #tpu.memory_space<hbm>>
      tpu.wait_dma2 semaphore(%run_scoped3A : memref<!tpu.dma_semaphore, #tpu.memory_space<semaphore_mem>>) src(%dma_wait3A_14 : memref<5120xi32, #tpu.memory_space<hbm>>) dst(%arg4 : memref<5120xi32, #tpu.memory_space<vmem>>)
      tpu.yield
    }) : () -> ()
    %scan3A = arith.constant 0 : i32
    %scan3A_3 = arith.constant 640 : i32
    %scan3A_4 = arith.addi %scan3A, %scan3A_3 : i32
    %scan3A_5 = arith.constant 1 : i32
    scf.for %scan3A_13 = %scan3A to %scan3A_4 step %scan3A_5  : i32 {
      %mul3A_14 = arith.constant 1 : i32
      %mul3A_15 = arith.muli %scan3A_13, %mul3A_14 : i32
      %add3A_16 = arith.constant 0 : i32
      %add3A_17 = arith.addi %add3A_16, %mul3A_15 : i32
      %broadcast_in_dim3A_18 = arith.constant 0.000000e+00 : f32
      %broadcast_in_dim3A_19 = vector.broadcast %broadcast_in_dim3A_18 : f32 to vector<16xf32>
      %mul3A_20 = arith.constant 16 : i32
      %mul3A_21 = arith.muli %add3A_17, %mul3A_20 : i32
      %swap3A = arith.index_cast %mul3A_21 : i32 to index
      %swap3A_22 = tpu.vector_load %arg5[%swap3A] {strides = array<i32>} : memref<10240xf32, #tpu.memory_space<vmem>>, vector<16xf32>,
      tpu.vector_store %arg5[%swap3A], %broadcast_in_dim3A_19 {strides = array<i32>} : memref<10240xf32, #tpu.memory_space<vmem>>, vector<16xf32>,
    }
    %scan3A_6 = arith.constant 640 : i32
    %broadcast_in_dim3A = arith.constant 1.000000e+00 : f32
    %broadcast_in_dim3A_7 = vector.broadcast %broadcast_in_dim3A : f32 to vector<16xf32>
    %scan3A_8 = arith.constant 0 : i32
    %scan3A_9 = arith.constant 320 : i32
    %scan3A_10 = arith.addi %scan3A_8, %scan3A_9 : i32
    %scan3A_11 = arith.constant 1 : i32
    scf.for %scan3A_13 = %scan3A_8 to %scan3A_10 step %scan3A_11  : i32 {
      %mul3A_14 = arith.constant 1 : i32
      %mul3A_15 = arith.muli %scan3A_13, %mul3A_14 : i32
      %add3A_16 = arith.constant 0 : i32
      %add3A_17 = arith.addi %add3A_16, %mul3A_15 : i32
      %mul3A_18 = arith.constant 16 : i32
      %mul3A_19 = arith.muli %add3A_17, %mul3A_18 : i32
      %get3A = arith.index_cast %mul3A_19 : i32 to index
      %get3A_20 = tpu.vector_load %arg4[%get3A] {strides = array<i32>} : memref<5120xi32, #tpu.memory_space<vmem>>, vector<16xi32>,
      tpu.vector_store_idx %arg5[%get3A_20], %broadcast_in_dim3A_7 {add = true} : memref<10240xf32, #tpu.memory_space<vmem>>[vector<16xi32>], vector<16xf32>,
    }
    %scan3A_12 = arith.constant 320 : i32
    "tpu.region"() ({
      %run_scoped3A = tpu.sem_alloc : memref<!tpu.dma_semaphore, #tpu.memory_space<semaphore_mem>>
      %dma_start3A = arith.constant 0 : i32
      %dma_start3A_13 = tpu.memref_slice %arg3[%add3A, %dma_start3A] : memref<32x10240xf32, #tpu.memory_space<hbm>> -> memref<1x10240xf32, #tpu.memory_space<hbm>>
      %dma_start3A_14 = tpu.memref_squeeze %dma_start3A_13 : memref<1x10240xf32, #tpu.memory_space<hbm>> -> memref<10240xf32, #tpu.memory_space<hbm>>
      %dma_start3A_15 = arith.constant 0 : i32
      %dma_start3A_16 = tpu.memref_slice %arg3[%add3A, %dma_start3A_15] : memref<32x10240xf32, #tpu.memory_space<hbm>> -> memref<1x10240xf32, #tpu.memory_space<hbm>>
      %dma_start3A_17 = tpu.memref_squeeze %dma_start3A_16 : memref<1x10240xf32, #tpu.memory_space<hbm>> -> memref<10240xf32, #tpu.memory_space<hbm>>
      tpu.enqueue_dma source(%arg5 : memref<10240xf32, #tpu.memory_space<vmem>>) target(%dma_start3A_17 : memref<10240xf32, #tpu.memory_space<hbm>>) target_semaphore(%run_scoped3A : memref<!tpu.dma_semaphore, #tpu.memory_space<semaphore_mem>>)
      %dma_wait3A = arith.constant 0 : i32
      %dma_wait3A_18 = tpu.memref_slice %arg3[%add3A, %dma_wait3A] : memref<32x10240xf32, #tpu.memory_space<hbm>> -> memref<1x10240xf32, #tpu.memory_space<hbm>>
      %dma_wait3A_19 = tpu.memref_squeeze %dma_wait3A_18 : memref<1x10240xf32, #tpu.memory_space<hbm>> -> memref<10240xf32, #tpu.memory_space<hbm>>
      %dma_wait3A_20 = arith.constant 0 : i32
      %dma_wait3A_21 = tpu.memref_slice %arg3[%add3A, %dma_wait3A_20] : memref<32x10240xf32, #tpu.memory_space<hbm>> -> memref<1x10240xf32, #tpu.memory_space<hbm>>
      %dma_wait3A_22 = tpu.memref_squeeze %dma_wait3A_21 : memref<1x10240xf32, #tpu.memory_space<hbm>> -> memref<10240xf32, #tpu.memory_space<hbm>>
      tpu.wait_dma2 semaphore(%run_scoped3A : memref<!tpu.dma_semaphore, #tpu.memory_space<semaphore_mem>>) src(%arg5 : memref<10240xf32, #tpu.memory_space<vmem>>) dst(%dma_wait3A_22 : memref<10240xf32, #tpu.memory_space<hbm>>)
      tpu.yield
    }) : () -> ()
    return
  }
}

module attributes {stable_mosaic.version = 14 : i64} {
  func.func @_lin1_body(%arg0: i32, %arg1: memref<1000x32xf32, #tpu.memory_space<vmem>>, %arg2: memref<1000x256xf32, #tpu.memory_space<vmem>>, %arg3: memref<256x256xf32, #tpu.memory_space<vmem>>, %arg4: memref<2x1000x128xf32, #tpu.memory_space<vmem>>) attributes {dimension_semantics = [#tpu.dimension_semantics<arbitrary>], iteration_bounds = array<i64: 10>, scalar_prefetch = 0 : i64, scratch_operands = 0 : i64, tpu.core_type = #tpu.core_type<tc>, window_params = [{transform_indices = @transform_0, window_bounds = array<i64: 1000, 32>}, {transform_indices = @transform_1, window_bounds = array<i64: 1000, 256>}, {pipeline_mode = #tpu.pipeline_mode<synchronous>, transform_indices = @transform_2, window_bounds = array<i64: 256, 256>}, {transform_indices = @transform_3, window_bounds = array<i64: 2, 1000, 128>}]} {
    %get3A = arith.constant 0 : index
    %get3A_0 = arith.constant 0 : index
    %get3A_1 = vector.load %arg1[%get3A, %get3A_0] : memref<1000x32xf32, #tpu.memory_space<vmem>>, vector<1000x32xf32>
    %reduce_sum3A = arith.constant dense<0.000000e+00> : vector<1000xf32>
    %reduce_sum3A_2 = vector.multi_reduction <add>, %get3A_1, %reduce_sum3A [1] : vector<1000x32xf32> to vector<1000xf32>
    %broadcast_in_dim3A = vector.shape_cast %reduce_sum3A_2 : vector<1000xf32> to vector<1000x1xf32>
    %add3A = arith.constant 1.000000e+00 : f32
    %add3A_3 = vector.broadcast %add3A : f32 to vector<1000x1xf32>
    %add3A_4 = arith.addf %broadcast_in_dim3A, %add3A_3 : vector<1000x1xf32>
    %rsqrt3A = math.rsqrt %add3A_4 : vector<1000x1xf32>
    %get3A_5 = arith.constant 0 : index
    %get3A_6 = arith.constant 0 : index
    %get3A_7 = vector.load %arg2[%get3A_5, %get3A_6] : memref<1000x256xf32, #tpu.memory_space<vmem>>, vector<1000x256xf32>
    %get3A_8 = arith.constant 0 : index
    %get3A_9 = arith.constant 0 : index
    %get3A_10 = vector.load %arg3[%get3A_8, %get3A_9] : memref<256x256xf32, #tpu.memory_space<vmem>>, vector<256x256xf32>
    %dot_general3A = arith.constant dense<0.000000e+00> : vector<1000x256xf32>
    %dot_general3A_11 = tpu.matmul %get3A_7, %get3A_10, %dot_general3A {dimension_numbers = #tpu.dot_dimension_numbers<[1], [0], [0], [1], [0, 0, 1, 1], [], []>, transpose_lhs_hint = false} : vector<1000x256xf32>, vector<256x256xf32>, vector<1000x256xf32> -> vector<1000x256xf32>
    %mul3A = vector.broadcast %rsqrt3A : vector<1000x1xf32> to vector<1000x256xf32>
    %mul3A_12 = arith.mulf %dot_general3A_11, %mul3A : vector<1000x256xf32>
    %slice3A = vector.extract_strided_slice %mul3A_12 {offsets = [0, 0], sizes = [1000, 128], strides = [1, 1]} : vector<1000x256xf32> to vector<1000x128xf32>
    %swap3A = arith.constant 0 : index
    %swap3A_13 = arith.constant 0 : index
    %swap3A_14 = arith.constant 0 : index
    %swap3A_15 = vector.load %arg4[%swap3A, %swap3A_13, %swap3A_14] : memref<2x1000x128xf32, #tpu.memory_space<vmem>>, vector<1x1000x128xf32>
    %swap3A_16 = vector.shape_cast %swap3A_15 : vector<1x1000x128xf32> to vector<1000x128xf32>
    %swap3A_17 = vector.shape_cast %slice3A : vector<1000x128xf32> to vector<1x1000x128xf32>
    tpu.vector_store %arg4[%swap3A, %swap3A_13, %swap3A_14], %swap3A_17 {strides = array<i32>} : memref<2x1000x128xf32, #tpu.memory_space<vmem>>, vector<1x1000x128xf32>,
    %slice3A_18 = vector.extract_strided_slice %mul3A_12 {offsets = [0, 128], sizes = [1000, 128], strides = [1, 1]} : vector<1000x256xf32> to vector<1000x128xf32>
    %swap3A_19 = arith.constant 1 : index
    %swap3A_20 = arith.constant 0 : index
    %swap3A_21 = arith.constant 0 : index
    %swap3A_22 = vector.load %arg4[%swap3A_19, %swap3A_20, %swap3A_21] : memref<2x1000x128xf32, #tpu.memory_space<vmem>>, vector<1x1000x128xf32>
    %swap3A_23 = vector.shape_cast %swap3A_22 : vector<1x1000x128xf32> to vector<1000x128xf32>
    %swap3A_24 = vector.shape_cast %slice3A_18 : vector<1000x128xf32> to vector<1x1000x128xf32>
    tpu.vector_store %arg4[%swap3A_19, %swap3A_20, %swap3A_21], %swap3A_24 {strides = array<i32>} : memref<2x1000x128xf32, #tpu.memory_space<vmem>>, vector<1x1000x128xf32>,
    return
  }
  func.func @transform_0(%arg0: i32) -> (i32, i32) {
    %c0_i32 = arith.constant 0 : i32
    %c0_i32_0 = arith.constant 0 : i32
    return %arg0, %c0_i32 : i32, i32
  }
  func.func @transform_1(%arg0: i32) -> (i32, i32) {
    %c0_i32 = arith.constant 0 : i32
    %c0_i32_0 = arith.constant 0 : i32
    return %arg0, %c0_i32 : i32, i32
  }
  func.func @transform_2(%arg0: i32) -> (i32, i32) {
    %c0_i32 = arith.constant 0 : i32
    %c0_i32_0 = arith.constant 0 : i32
    %c0_i32_1 = arith.constant 0 : i32
    return %c0_i32, %c0_i32_0 : i32, i32
  }
  func.func @transform_3(%arg0: i32) -> (i32, i32, i32) {
    %c0_i32 = arith.constant 0 : i32
    %c0_i32_0 = arith.constant 0 : i32
    %c0_i32_1 = arith.constant 0 : i32
    return %c0_i32, %arg0, %c0_i32_0 : i32, i32, i32
  }
}

module attributes {stable_mosaic.version = 14 : i64} {
  func.func @_lin2_body(%arg0: i32, %arg1: memref<1000x32xf32, #tpu.memory_space<vmem>>, %arg2: memref<2x1000x128xf32, #tpu.memory_space<vmem>>, %arg3: memref<1x256xf32, #tpu.memory_space<vmem>>, %arg4: memref<256x256xf32, #tpu.memory_space<vmem>>, %arg5: memref<2x1000x128xf32, #tpu.memory_space<vmem>>) attributes {dimension_semantics = [#tpu.dimension_semantics<arbitrary>], iteration_bounds = array<i64: 10>, scalar_prefetch = 0 : i64, scratch_operands = 0 : i64, tpu.core_type = #tpu.core_type<tc>, window_params = [{transform_indices = @transform_0, window_bounds = array<i64: 1000, 32>}, {transform_indices = @transform_1, window_bounds = array<i64: 2, 1000, 128>}, {pipeline_mode = #tpu.pipeline_mode<synchronous>, transform_indices = @transform_2, window_bounds = array<i64: 1, 256>}, {pipeline_mode = #tpu.pipeline_mode<synchronous>, transform_indices = @transform_3, window_bounds = array<i64: 256, 256>}, {transform_indices = @transform_4, window_bounds = array<i64: 2, 1000, 128>}]} {
    %get3A = arith.constant 0 : index
    %get3A_0 = arith.constant 0 : index
    %get3A_1 = vector.load %arg1[%get3A, %get3A_0] : memref<1000x32xf32, #tpu.memory_space<vmem>>, vector<1000x32xf32>
    %reduce_sum3A = arith.constant dense<0.000000e+00> : vector<1000xf32>
    %reduce_sum3A_2 = vector.multi_reduction <add>, %get3A_1, %reduce_sum3A [1] : vector<1000x32xf32> to vector<1000xf32>
    %broadcast_in_dim3A = vector.shape_cast %reduce_sum3A_2 : vector<1000xf32> to vector<1000x1xf32>
    %add3A = arith.constant 1.000000e+00 : f32
    %add3A_3 = vector.broadcast %add3A : f32 to vector<1000x1xf32>
    %add3A_4 = arith.addf %broadcast_in_dim3A, %add3A_3 : vector<1000x1xf32>
    %rsqrt3A = math.rsqrt %add3A_4 : vector<1000x1xf32>
    %get3A_5 = arith.constant 0 : index
    %get3A_6 = arith.constant 0 : index
    %get3A_7 = arith.constant 0 : index
    %get3A_8 = vector.load %arg2[%get3A_5, %get3A_6, %get3A_7] : memref<2x1000x128xf32, #tpu.memory_space<vmem>>, vector<1x1000x128xf32>
    %get3A_9 = vector.shape_cast %get3A_8 : vector<1x1000x128xf32> to vector<1000x128xf32>
    %get3A_10 = arith.constant 1 : index
    %get3A_11 = arith.constant 0 : index
    %get3A_12 = arith.constant 0 : index
    %get3A_13 = vector.load %arg2[%get3A_10, %get3A_11, %get3A_12] : memref<2x1000x128xf32, #tpu.memory_space<vmem>>, vector<1x1000x128xf32>
    %get3A_14 = vector.shape_cast %get3A_13 : vector<1x1000x128xf32> to vector<1000x128xf32>
    %concatenate3A = tpu.concatenate %get3A_9, %get3A_14 in 1 : vector<1000x128xf32>, vector<1000x128xf32> -> vector<1000x256xf32>
    %mul3A = vector.broadcast %rsqrt3A : vector<1000x1xf32> to vector<1000x256xf32>
    %mul3A_15 = arith.mulf %concatenate3A, %mul3A : vector<1000x256xf32>
    %get3A_16 = arith.constant 0 : index
    %get3A_17 = arith.constant 0 : index
    %get3A_18 = vector.load %arg3[%get3A_16, %get3A_17] : memref<1x256xf32, #tpu.memory_space<vmem>>, vector<1x256xf32>
    %add3A_19 = vector.broadcast %get3A_18 : vector<1x256xf32> to vector<1000x256xf32>
    %add3A_20 = arith.addf %mul3A_15, %add3A_19 : vector<1000x256xf32>
    %max3A = arith.constant 0.000000e+00 : f32
    %max3A_21 = vector.broadcast %max3A : f32 to vector<1000x256xf32>
    %max3A_22 = arith.maximumf %add3A_20, %max3A_21 : vector<1000x256xf32>
    %get3A_23 = arith.constant 0 : index
    %get3A_24 = arith.constant 0 : index
    %get3A_25 = vector.load %arg4[%get3A_23, %get3A_24] : memref<256x256xf32, #tpu.memory_space<vmem>>, vector<256x256xf32>
    %dot_general3A = arith.constant dense<0.000000e+00> : vector<1000x256xf32>
    %dot_general3A_26 = tpu.matmul %max3A_22, %get3A_25, %dot_general3A {dimension_numbers = #tpu.dot_dimension_numbers<[1], [0], [0], [1], [0, 0, 1, 1], [], []>, transpose_lhs_hint = false} : vector<1000x256xf32>, vector<256x256xf32>, vector<1000x256xf32> -> vector<1000x256xf32>
    %mul3A_27 = vector.broadcast %rsqrt3A : vector<1000x1xf32> to vector<1000x256xf32>
    %mul3A_28 = arith.mulf %dot_general3A_26, %mul3A_27 : vector<1000x256xf32>
    %slice3A = vector.extract_strided_slice %mul3A_28 {offsets = [0, 0], sizes = [1000, 128], strides = [1, 1]} : vector<1000x256xf32> to vector<1000x128xf32>
    %swap3A = arith.constant 0 : index
    %swap3A_29 = arith.constant 0 : index
    %swap3A_30 = arith.constant 0 : index
    %swap3A_31 = vector.load %arg5[%swap3A, %swap3A_29, %swap3A_30] : memref<2x1000x128xf32, #tpu.memory_space<vmem>>, vector<1x1000x128xf32>
    %swap3A_32 = vector.shape_cast %swap3A_31 : vector<1x1000x128xf32> to vector<1000x128xf32>
    %swap3A_33 = vector.shape_cast %slice3A : vector<1000x128xf32> to vector<1x1000x128xf32>
    tpu.vector_store %arg5[%swap3A, %swap3A_29, %swap3A_30], %swap3A_33 {strides = array<i32>} : memref<2x1000x128xf32, #tpu.memory_space<vmem>>, vector<1x1000x128xf32>,
    %slice3A_34 = vector.extract_strided_slice %mul3A_28 {offsets = [0, 128], sizes = [1000, 128], strides = [1, 1]} : vector<1000x256xf32> to vector<1000x128xf32>
    %swap3A_35 = arith.constant 1 : index
    %swap3A_36 = arith.constant 0 : index
    %swap3A_37 = arith.constant 0 : index
    %swap3A_38 = vector.load %arg5[%swap3A_35, %swap3A_36, %swap3A_37] : memref<2x1000x128xf32, #tpu.memory_space<vmem>>, vector<1x1000x128xf32>
    %swap3A_39 = vector.shape_cast %swap3A_38 : vector<1x1000x128xf32> to vector<1000x128xf32>
    %swap3A_40 = vector.shape_cast %slice3A_34 : vector<1000x128xf32> to vector<1x1000x128xf32>
    tpu.vector_store %arg5[%swap3A_35, %swap3A_36, %swap3A_37], %swap3A_40 {strides = array<i32>} : memref<2x1000x128xf32, #tpu.memory_space<vmem>>, vector<1x1000x128xf32>,
    return
  }
  func.func @transform_0(%arg0: i32) -> (i32, i32) {
    %c0_i32 = arith.constant 0 : i32
    %c0_i32_0 = arith.constant 0 : i32
    return %arg0, %c0_i32 : i32, i32
  }
  func.func @transform_1(%arg0: i32) -> (i32, i32, i32) {
    %c0_i32 = arith.constant 0 : i32
    %c0_i32_0 = arith.constant 0 : i32
    %c0_i32_1 = arith.constant 0 : i32
    return %c0_i32, %arg0, %c0_i32_0 : i32, i32, i32
  }
  func.func @transform_2(%arg0: i32) -> (i32, i32) {
    %c0_i32 = arith.constant 0 : i32
    %c0_i32_0 = arith.constant 0 : i32
    %c0_i32_1 = arith.constant 0 : i32
    return %c0_i32, %c0_i32_0 : i32, i32
  }
  func.func @transform_3(%arg0: i32) -> (i32, i32) {
    %c0_i32 = arith.constant 0 : i32
    %c0_i32_0 = arith.constant 0 : i32
    %c0_i32_1 = arith.constant 0 : i32
    return %c0_i32, %c0_i32_0 : i32, i32
  }
  func.func @transform_4(%arg0: i32) -> (i32, i32, i32) {
    %c0_i32 = arith.constant 0 : i32
    %c0_i32_0 = arith.constant 0 : i32
    %c0_i32_1 = arith.constant 0 : i32
    return %c0_i32, %arg0, %c0_i32_0 : i32, i32, i32
  }
}

module attributes {stable_mosaic.version = 14 : i64} {
  func.func @_lin3_body(%arg0: i32, %arg1: memref<1000x32xf32, #tpu.memory_space<vmem>>, %arg2: memref<2x1000x128xf32, #tpu.memory_space<vmem>>, %arg3: memref<1x256xf32, #tpu.memory_space<vmem>>, %arg4: memref<256x128xf32, #tpu.memory_space<vmem>>, %arg5: memref<1x128xf32, #tpu.memory_space<vmem>>, %arg6: memref<1000x128xf32, #tpu.memory_space<vmem>>) attributes {dimension_semantics = [#tpu.dimension_semantics<arbitrary>], iteration_bounds = array<i64: 10>, scalar_prefetch = 0 : i64, scratch_operands = 0 : i64, tpu.core_type = #tpu.core_type<tc>, window_params = [{transform_indices = @transform_0, window_bounds = array<i64: 1000, 32>}, {transform_indices = @transform_1, window_bounds = array<i64: 2, 1000, 128>}, {pipeline_mode = #tpu.pipeline_mode<synchronous>, transform_indices = @transform_2, window_bounds = array<i64: 1, 256>}, {pipeline_mode = #tpu.pipeline_mode<synchronous>, transform_indices = @transform_3, window_bounds = array<i64: 256, 128>}, {pipeline_mode = #tpu.pipeline_mode<synchronous>, transform_indices = @transform_4, window_bounds = array<i64: 1, 128>}, {transform_indices = @transform_5, window_bounds = array<i64: 1000, 128>}]} {
    %get3A = arith.constant 0 : index
    %get3A_0 = arith.constant 0 : index
    %get3A_1 = vector.load %arg1[%get3A, %get3A_0] : memref<1000x32xf32, #tpu.memory_space<vmem>>, vector<1000x32xf32>
    %reduce_sum3A = arith.constant dense<0.000000e+00> : vector<1000xf32>
    %reduce_sum3A_2 = vector.multi_reduction <add>, %get3A_1, %reduce_sum3A [1] : vector<1000x32xf32> to vector<1000xf32>
    %broadcast_in_dim3A = vector.shape_cast %reduce_sum3A_2 : vector<1000xf32> to vector<1000x1xf32>
    %add3A = arith.constant 1.000000e+00 : f32
    %add3A_3 = vector.broadcast %add3A : f32 to vector<1000x1xf32>
    %add3A_4 = arith.addf %broadcast_in_dim3A, %add3A_3 : vector<1000x1xf32>
    %rsqrt3A = math.rsqrt %add3A_4 : vector<1000x1xf32>
    %get3A_5 = arith.constant 0 : index
    %get3A_6 = arith.constant 0 : index
    %get3A_7 = arith.constant 0 : index
    %get3A_8 = vector.load %arg2[%get3A_5, %get3A_6, %get3A_7] : memref<2x1000x128xf32, #tpu.memory_space<vmem>>, vector<1x1000x128xf32>
    %get3A_9 = vector.shape_cast %get3A_8 : vector<1x1000x128xf32> to vector<1000x128xf32>
    %get3A_10 = arith.constant 1 : index
    %get3A_11 = arith.constant 0 : index
    %get3A_12 = arith.constant 0 : index
    %get3A_13 = vector.load %arg2[%get3A_10, %get3A_11, %get3A_12] : memref<2x1000x128xf32, #tpu.memory_space<vmem>>, vector<1x1000x128xf32>
    %get3A_14 = vector.shape_cast %get3A_13 : vector<1x1000x128xf32> to vector<1000x128xf32>
    %concatenate3A = tpu.concatenate %get3A_9, %get3A_14 in 1 : vector<1000x128xf32>, vector<1000x128xf32> -> vector<1000x256xf32>
    %mul3A = vector.broadcast %rsqrt3A : vector<1000x1xf32> to vector<1000x256xf32>
    %mul3A_15 = arith.mulf %concatenate3A, %mul3A : vector<1000x256xf32>
    %get3A_16 = arith.constant 0 : index
    %get3A_17 = arith.constant 0 : index
    %get3A_18 = vector.load %arg3[%get3A_16, %get3A_17] : memref<1x256xf32, #tpu.memory_space<vmem>>, vector<1x256xf32>
    %add3A_19 = vector.broadcast %get3A_18 : vector<1x256xf32> to vector<1000x256xf32>
    %add3A_20 = arith.addf %mul3A_15, %add3A_19 : vector<1000x256xf32>
    %max3A = arith.constant 0.000000e+00 : f32
    %max3A_21 = vector.broadcast %max3A : f32 to vector<1000x256xf32>
    %max3A_22 = arith.maximumf %add3A_20, %max3A_21 : vector<1000x256xf32>
    %get3A_23 = arith.constant 0 : index
    %get3A_24 = arith.constant 0 : index
    %get3A_25 = vector.load %arg4[%get3A_23, %get3A_24] : memref<256x128xf32, #tpu.memory_space<vmem>>, vector<256x128xf32>
    %dot_general3A = arith.constant dense<0.000000e+00> : vector<1000x128xf32>
    %dot_general3A_26 = tpu.matmul %max3A_22, %get3A_25, %dot_general3A {dimension_numbers = #tpu.dot_dimension_numbers<[1], [0], [0], [1], [0, 0, 1, 1], [], []>, transpose_lhs_hint = false} : vector<1000x256xf32>, vector<256x128xf32>, vector<1000x128xf32> -> vector<1000x128xf32>
    %get3A_27 = arith.constant 0 : index
    %get3A_28 = arith.constant 0 : index
    %get3A_29 = vector.load %arg5[%get3A_27, %get3A_28] : memref<1x128xf32, #tpu.memory_space<vmem>>, vector<1x128xf32>
    %add3A_30 = vector.broadcast %get3A_29 : vector<1x128xf32> to vector<1000x128xf32>
    %add3A_31 = arith.addf %dot_general3A_26, %add3A_30 : vector<1000x128xf32>
    %swap3A = arith.constant 0 : index
    %swap3A_32 = arith.constant 0 : index
    %swap3A_33 = vector.load %arg6[%swap3A, %swap3A_32] : memref<1000x128xf32, #tpu.memory_space<vmem>>, vector<1000x128xf32>
    tpu.vector_store %arg6[%swap3A, %swap3A_32], %add3A_31 {strides = array<i32>} : memref<1000x128xf32, #tpu.memory_space<vmem>>, vector<1000x128xf32>,
    return
  }
  func.func @transform_0(%arg0: i32) -> (i32, i32) {
    %c0_i32 = arith.constant 0 : i32
    %c0_i32_0 = arith.constant 0 : i32
    return %arg0, %c0_i32 : i32, i32
  }
  func.func @transform_1(%arg0: i32) -> (i32, i32, i32) {
    %c0_i32 = arith.constant 0 : i32
    %c0_i32_0 = arith.constant 0 : i32
    %c0_i32_1 = arith.constant 0 : i32
    return %c0_i32, %arg0, %c0_i32_0 : i32, i32, i32
  }
  func.func @transform_2(%arg0: i32) -> (i32, i32) {
    %c0_i32 = arith.constant 0 : i32
    %c0_i32_0 = arith.constant 0 : i32
    %c0_i32_1 = arith.constant 0 : i32
    return %c0_i32, %c0_i32_0 : i32, i32
  }
  func.func @transform_3(%arg0: i32) -> (i32, i32) {
    %c0_i32 = arith.constant 0 : i32
    %c0_i32_0 = arith.constant 0 : i32
    %c0_i32_1 = arith.constant 0 : i32
    return %c0_i32, %c0_i32_0 : i32, i32
  }
  func.func @transform_4(%arg0: i32) -> (i32, i32) {
    %c0_i32 = arith.constant 0 : i32
    %c0_i32_0 = arith.constant 0 : i32
    %c0_i32_1 = arith.constant 0 : i32
    return %c0_i32, %c0_i32_0 : i32, i32
  }
  func.func @transform_5(%arg0: i32) -> (i32, i32) {
    %c0_i32 = arith.constant 0 : i32
    %c0_i32_0 = arith.constant 0 : i32
    return %arg0, %c0_i32 : i32, i32
  }
}

</mosaic_0001>

<sc_bundles>
// kernel: kernel.11.cloned.1.call-start
scs
__scs_entry_jumppad:
0x0: {  	(pc) =	sbr.rel $0x88, $3  }
0x1: {  	(tag) =	ssettag $0x0;
	lr =	simm.s32 $0x1  }
0x2: {  	[smem:$0x3F99] =	sst lr;
	_ =	strace $0xD0000000  }
0x3: {  	_ = 	snop  }
0x4: {  	_ = 	snop  }
0x5: {  	_ = 	snop  }
0x6: {  	_ = 	snop  }
0x7: {  	_ = 	snop  }
__scs_overlays_trampoline_lowered:
0x8: {  	[smem:$0x3FA8] =	sst s0  }
0x9: {  	[smem:$0x3FA9] =	sst s1  }
0xa: {  	[smem:$0x3FAA] =	sst s2  }
0xb: {  	[smem:$0x3FAB] =	sst s3  }
0xc: {  	[smem:$0x3FAC] =	sst s4  }
0xd: {  	[smem:$0x3FAD] =	sst s5  }
0xe: {  	[smem:$0x3FAE] =	sst s6  }
0xf: {  	[smem:$0x3FAF] =	sst s7  }
0x10: {  	[smem:$0x3FB0] =	sst s8  }
0x11: {  	[smem:$0x3FB1] =	sst s9;
	s0 =	simm.s32 @!p0 $0x0  }
0x12: {  	s1 =	sld [smem:$0x3F97];
	s0 =	simm.s32 @p0 $0x1  }
0x13: {  	[smem:$0x3FB2] =	sst s0;
	s0 =	simm.s32 @!p1 $0x0  }
0x14: {  	s2 =	sld [smem:$0x3F96];
	s0 =	simm.s32 @p1 $0x1  }
0x15: {  	[smem:$0x3FB3] =	sst s0;
	s0 =	simm.s32 @!p2 $0x0  }
0x16: {  	s3 =	sld [smem:$0x3FDB];
	s0 =	simm.s32 @p2 $0x1  }
0x17: {  	s4 =	simm.s32 $0x1BF5;
	[smem:$0x3FB5] =	sst s0  }
0x18: {  	s0 =	sld [smem:$0x3F98];
	_ =	swait.ge [sflag:s4], $0x0  }
0x19: {  	s7 =	sld [smem:$0x3F99]  }
0x1a: {  	s8 =	sadd.s32 $0xFFFFE003, lr  }
0x1b: {  	s9 =	sadd.s32 $0xFFFFFEF7, lr;
	s5 =	simm.s32 $0xFFFFFFFF;
	p2 =	slt.u32 s8, $0xFFFFF086  }
0x1c: {  	p1 =	slt.u32 s9, $0xF7A;
	s5 =	simm.s32 @!p2 $0x0  }
0x1d: {  	s5 =	simm.s32 @p1 $0x1;
	p0 =	seq.s32 s7, s2  }
0x1e: {  	s7 =	smul.u32 @!p0 $0xF7A, s2;
	p2 =	seq.s32 @!p0 s5, $0x0  }
0x1f: {  	s9 =	smul.u32 $0xF7A, s1;
	s8 =	simm.s32 @!p0 $0x1BF5;
	p2 =	por !p2, p0  }
0x20: {  	[sflag:s8] =	ssyncset.s32 @!p0 $0xFFFFF086;
	s6 =	sadd.s32 @!p0 s3, s7;
	s7 =	simm.s32 @!p0 $0x108  }
0x21: {  	s3 =	sadd.s32 s3, s9;
	s6 =	sadd.s32 @!p0 $0x88, s6;
	s7 =	simm.s32 @p2 $0x1082  }
0x22: {  	[simem:s7], [sflag:s8] =	dma.local @!p0 [hbm:s6], $0xF7A  }
0x23: {  	s9 =	sor.u32 $0xD0000000, s2;
	s6 =	simm.s32 $0x108;
	_ =	swait.ge @!p0 [sflag:s8], $0x0  }
0x24: {  	s3 =	sadd.s32 $0x88, s3;
	s6 =	simm.s32 @!p1 $0x1082;
	[sflag:s4] =	ssyncset.s32 $0xFFFFF086  }
0x25: {  	[simem:s6], [sflag:s4] =	dma.local [hbm:s3], $0xF7A  }
0x26: {  	[smem:$0x3F99] =	sst s1;
	(tag) =	ssettag s2;
	_ =	strace s9  }
0x27: {  	s1 =	sld [smem:$0x3FA9]  }
0x28: {  	s2 =	sld [smem:$0x3FAA]  }
0x29: {  	s4 =	sld [smem:$0x3FAC]  }
0x2a: {  	p0 =	seq.s32 s5, $0x0;
	s5 =	sld [smem:$0x3FAD]  }
0x2b: {  	s6 =	sld [smem:$0x3FAE]  }
0x2c: {  	s7 =	sld [smem:$0x3FAF]  }
0x2d: {  	s3 =	simm.s32 $0x108;
	s8 =	sld [smem:$0x3FB0]  }
0x2e: {  	s3 =	simm.s32 @!p0 $0x1082;
	s9 =	sld [smem:$0x3FB1]  }
0x2f: {  	lr =	sadd.s32 s0, s3;
	s0 =	sld [smem:$0x3FA8]  }
0x30: {  	s3 =	sld [smem:$0x3FAB]  }
0x31: {  	[smem:$0x3FB4] =	sst s10  }
0x32: {  	s10 =	sld [smem:$0x3FB2];
	_ =	sdelay $0x3  }
0x33: {  	p0 =	seq.s32 s10, $0x1;
	s10 =	sld [smem:$0x3FB4];
	_ =	sdelay $0x3  }
0x34: {  	[smem:$0x3FB4] =	sst s10  }
0x35: {  	s10 =	sld [smem:$0x3FB3];
	_ =	sdelay $0x3  }
0x36: {  	p1 =	seq.s32 s10, $0x1;
	s10 =	sld [smem:$0x3FB4];
	_ =	sdelay $0x3  }
0x37: {  	[smem:$0x3FB4] =	sst s10  }
0x38: {  	s10 =	sld [smem:$0x3FB5]  }
0x39: {  	_ = 	snop;
	(pc) =	sbr.ind lr, $3  }
0x3a: {  	_ = 	snop  }
0x3b: {  	_ = 	snop  }
0x3c: {  	p2 =	seq.s32 s10, $0x1;
	s10 =	sld [smem:$0x3FB4]  }
0x3d: {  	_ =	shalt  }
0x3e: {  	_ =	shalt  }
0x3f: {  	_ =	shalt  }
0x40: {  	_ =	shalt  }
0x41: {  	_ =	shalt  }
0x42: {  	_ =	shalt  }
0x43: {  	_ =	shalt  }
0x44: {  	_ =	shalt  }
0x45: {  	_ =	shalt  }
0x46: {  	_ =	shalt  }
0x47: {  	_ =	shalt  }
0x48: {  	_ =	shalt  }
0x49: {  	_ =	shalt  }
0x4a: {  	_ =	shalt  }
0x4b: {  	_ =	shalt  }
0x4c: {  	_ =	shalt  }
0x4d: {  	_ =	shalt  }
0x4e: {  	_ =	shalt  }
0x4f: {  	_ =	shalt  }
0x50: {  	_ =	shalt  }
0x51: {  	_ =	shalt  }
0x52: {  	_ =	shalt  }
0x53: {  	_ =	shalt  }
0x54: {  	_ =	shalt  }
0x55: {  	_ =	shalt  }
0x56: {  	_ =	shalt  }
0x57: {  	_ =	shalt  }
0x58: {  	_ =	shalt  }
0x59: {  	_ =	shalt  }
0x5a: {  	_ =	shalt  }
0x5b: {  	_ =	shalt  }
0x5c: {  	_ =	shalt  }
0x5d: {  	_ =	shalt  }
0x5e: {  	_ =	shalt  }
0x5f: {  	_ =	shalt  }
0x60: {  	_ =	shalt  }
0x61: {  	_ =	shalt  }
0x62: {  	_ =	shalt  }
0x63: {  	_ =	shalt  }
0x64: {  	_ =	shalt  }
0x65: {  	_ =	shalt  }
0x66: {  	_ =	shalt  }
0x67: {  	_ =	shalt  }
0x68: {  	_ =	shalt  }
0x69: {  	_ =	shalt  }
0x6a: {  	_ =	shalt  }
0x6b: {  	_ =	shalt  }
0x6c: {  	_ =	shalt  }
0x6d: {  	_ =	shalt  }
0x6e: {  	_ =	shalt  }
0x6f: {  	_ =	shalt  }
0x70: {  	_ =	shalt  }
0x71: {  	_ =	shalt  }
0x72: {  	_ =	shalt  }
0x73: {  	_ =	shalt  }
0x74: {  	_ =	shalt  }
0x75: {  	_ =	shalt  }
0x76: {  	_ =	shalt  }
0x77: {  	_ =	shalt  }
0x78: {  	_ =	shalt  }
0x79: {  	_ =	shalt  }
0x7a: {  	_ =	shalt  }
0x7b: {  	_ =	shalt  }
0x7c: {  	_ =	shalt  }
0x7d: {  	_ =	shalt  }
0x7e: {  	_ =	shalt  }
0x7f: {  	_ =	shalt  }
0x80: {  	_ =	shalt  }
0x81: {  	_ =	shalt  }
0x82: {  	_ =	shalt  }
0x83: {  	_ =	shalt  }
0x84: {  	_ =	shalt  }
0x85: {  	_ =	shalt  }
0x86: {  	_ =	shalt  }
0x87: {  	_ =	shalt  }
.Lfunc_end0:
.L_simem_size_0:
called_computation.1_lowered:
.L_overlay_start_0:
0x88: {  	s2 =	sld [smem:$0x3FD9]  }
0x89: {  	s3 =	sld [smem:$0x3FFE];
	_ =	sdelay $0x1  }
0x8a: {  	s1 =	srdreg.scid  }
0x8b: {  	s0 =	sand.u32 $0x1, s1  }
0x8c: {  	s16 =	sshll.u32 s0, $0xA;
	s2 =	sadd.s32 s3, s2  }
0x8d: {  	s2 =	sadd.s32 s2, s16  }
0x8e: {  	[smem:$0x3FC0] =	sst s2  }
0x8f: {  	_ = 	snop  }
0x90: {  	(tm) =	ssettm $0x1  }
0x91: {  	s17 =	sld [smem:$0x3FFB];
	_ =	sdelay $0x3  }
0x92: {  	_ =	strace s17  }
0x93: {  	s2 =	sld [smem:$0x3FFC];
	_ =	sdelay $0x3  }
0x94: {  	_ =	strace s2  }
0x95: {  	s2 =	sld [smem:$0x3FFD];
	_ =	sdelay $0x3  }
0x96: {  	_ =	strace s2  }
0x97: {  	_ =	strace $0x8FFFFFFF  }
0x98: {  	s18 =	sld [smem:$0x3FDB];
	_ =	sdelay $0x1  }
0x99: {  	s19 =	simm.s32 $_scs_section_size  }
0x9a: {  	s4 =	simm.s32 $_size__tile_overlayer_lowered;
	s5 =	simm.s32 $_tile_overlayer_lowered  }
0x9b: {  	s22 =	simm.s32 $0x1BFF;
	s21 =	sshll.u32 s5, $0x1;
	s2 =	sadd.s32 s19, s18  }
0x9c: {  	s6 =	simm.s32 $0x0;
	s20 =	sshll.u32 s4, $0x1;
	s4 =	sadd.s32 s21, s2  }
0x9d: {  	[timem:s6], [sflag:s22] =	dma.local [hbm:s4], s20  }
0x9e: {  	_ =	swait.ge [sflag:s22], s20  }
0x9f: {  	s3 =	ssub.s32 $0x0, s20;
	[sflag:s22] =	ssyncset.done $0x0  }
0xa0: {  	[sflag:s22] =	ssyncadd.s32 s3;
	_ =	sdelay $0x1  }
0xa1: {  	s23 =	simm.s32 $0x1B8B  }
0xa2: {  	_ =	swait.ge [sflag:s23], $0x1  }
0xa3: {  	[sflag:s23] =	ssyncset.done $0x0  }
0xa4: {  	s25 =	simm.s32 $0x1B8E;
	s24 =	sld [smem:$0x3FFE];
	[sflag:s23] =	ssyncadd.s32 $0xFFFFFFFF  }
0xa5: {  	s26 =	simm.s32 $execute0_lowered;
	[smem:$0x3FD2] =	sst s25  }
0xa6: {  	s4 =	sshll.u32 s26, $0x1;
	_ =	strace $0x80000049;
	[dreg:$0x1] =	wrdreg $0xFFFFFFFF  }
0xa7: {  	s28 =	simm.s32 $_size_execute0_lowered;
	s2 =	sadd.s32 s2, s4;
	[dreg:$0x0] =	wrdreg $0x0  }
0xa8: {  	s4 =	sshll.u32 s28, $0x1;
	[dreg:$0x2] =	wrdreg s2  }
0xa9: {  	[dreg:$0x3] =	wrdreg s4  }
0xaa: {  	[dreg:$0x4] =	wrdreg $0xC0  }
0xab: {  	_ =	task [dreg:s6], $0x5FFFF  }
0xac: {  	[dreg:$0x1] =	wrdreg $0xFFFFFFFF  }
0xad: {  	[dreg:$0x0] =	wrdreg $0x60  }
0xae: {  	[dreg:$0x2] =	wrdreg s24  }
0xaf: {  	[dreg:$0x3] =	wrdreg $0xA9000  }
0xb0: {  	[dreg:$0x4] =	wrdreg $0x9  }
0xb1: {  	_ =	task.clear_ibuf [dreg:s6], $0x5FFFF;
	_ =	strace $0x90000049  }
0xb2: {  	s29 =	simm.s32 $0x9;
	_ =	strace $0x8000004B  }
0xb3: {  	_ =	swait.ge [sflag:s29], $0x1  }
0xb4: {  	[sflag:s29] =	ssyncadd.s32 $0xFFFFFFFF  }
0xb5: {  	_ =	strace $0x9000004B  }
0xb6: {  	_ =	sfence  }
0xb7: {  	s30 =	sld [smem:$0x0];
	_ =	sdelay $0x2  }
0xb8: {  	s31 =	sshll.u32 s1, $0xD;
	s1 =	sshrl.u32 s1, $0x2  }
0xb9: {  	s3 =	sand.u32 $0x4000, s31;
	s1 =	sadd.s32 s1, s30  }
0xba: {  	s0 =	sor.u32 s3, s0;
	s1 =	sshll.u32 s1, $0x11  }
0xbb: {  	s0 =	sor.u32 s1, s0  }
0xbc: {  	s0 =	sadd.s32 $0x8F2B, s0  }
0xbd: {  	[sflag:s0] =	ssyncadd.remote.s32 $0x1  }
0xbe: {  	_ =	sfence.sel $0xFFFF  }
0xbf: {  	[dreg:$0x0] =	wrdreg $0xFFFFFFFF;
	(pc) =	sbr.abs _section_cstart, $3  }
0xc0: {  	[dreg:$0x1] =	wrdreg $0xFFFFFFFF  }
0xc1: {  	_ =	task.clear_ibuf [dreg:s6], $0x2FFFF;
	_ =	strace $0x9FFFFFFF  }
0xc2: {  	(tm) =	ssettm $0x7FFFFFFF  }
0xc3: {  	_ =	shalt  }
tec
execute0_lowered:
.L_overlay_start_1:
0x0: {  	(tag) =	ssettag $0x1  }
0x1: {  	s0 =	rddreg [dreg:$0x0];
	s3 =	stileid.u32  }
0x2: {  	s2 =	srdreg.scid;
	s1 =	rddreg [dreg:$0x1]  }
0x3: {  	s15 =	simm.s32 $0x40;
	s16 =	simm.s32 $0x2900;
	s17 =	simm.s32 $0x4900  }
0x4: {  	s18 =	simm.s32 $0x2800;
	s19 =	simm.s32 $0x6900;
	s20 =	simm.s32 $0x8900  }
0x5: {  	s21 =	simm.s32 $0x2880;
	s30 =	simm.s32 $0x0;
	s4 =	smul.u32 $0x500, s3  }
0x6: {  	s5 =	sand.u32 $0x1, s2;
	s2 =	simm.s32 $0x0;
	s7 =	smul.u32 $0x4E000, s3  }
0x7: {  	s25 =	smul.u32 $0x2700, s3;
	s14 =	sadd.s32 $0x138000, s1;
	p0 =	sne.s32 s3, $0x0  }
0x8: {  	s29 =	sshll.u32 s3, $0x6;
	s6 =	smul.u32 $0x27100, s5;
	[smem:$0x7FF] =	sst s2  }
0x9: {  	s5 =	ssub.s32 $0x2, s5;
	s11 =	sor.u32 $0x1C05, s29;
	s14 =	sshrl.u32 @!p0 s14, $0x3  }
0xa: {  	_ =	strace $0x8000004A;
	s8 =	sadd.s32 s4, s0;
	s22 =	sshrl.u32 s5, $0x1  }
0xb: {  	s23 =	sshrl.u32 s7, $0x2;
	[dreg:$0x5] =	wrdreg s25;
	s0 =	sadd.s32 s6, s0  }
0xc: {  	s9 =	ssub.s32 s5, s22;
	s24 =	sadd.s32 $0x6800, s8;
	s12 =	sadd.s32 s23, s1  }
0xd: {  	s6 =	sadd.s32 $0x1800, s8;
	s22 =	simm.s32 $0x1;
	s23 =	simm.s32 $0x3  }
0xe: {  	[dreg:$0x4] =	wrdreg s24;
	s4 =	sadd.s32 $0xB800, s0;
	s7 =	sadd.s32 $0x59A00, s0  }
0xf: {  	s26 =	smax.u32 s9, $0x1;
	s9 =	simm.s32 $0x5;
	s12 =	sshrl.u32 s12, $0x3  }
0x10: {  	s31 =	sadd.s32 $0x20, s6;
	s24 =	simm.s32 $0x80;
	[dreg:$0x6] =	wrdreg s26  }
0x11: {  	s28 =	sadd.s32 s25, s4;
	s13 =	sadd.s32 @!p0 $0x27000, s4;
	[dreg:$0x3] =	wrdreg s31  }
0x12: {  	s25 =	simm.s32 $0x2;
	s26 =	simm.s32 $0x4;
	[dreg:$0x7] =	wrdreg s28  }
.LBB2_1:
0x13: {  	s0 =	rddreg [dreg:$0x4]  }
0x14: {  	[tilespmem:s2], [sflag:$0x5] =	stream.linear.gather [hbm4b:s0+s2], $0x2800, $0x38;
	[tilespmem:$0x1E200] =	vst v63  }
0x15: {  	_ =	swait.ge [sflag:s9], $0x2800  }
0x16: {  	[sflag:s9] =	ssyncset.done $0x0  }
0x17: {  	s8 =	rddreg [dreg:$0x7];
	[sflag:s9] =	ssyncadd.s32 $0xFFFFD800  }
0x18: {  	[spmem:s12], [sflag:s11] =	dma.local [hbm:s8], $0x2700  }
0x19: {  	_ =	swait.ge [sflag:s9], $0x2700  }
0x1a: {  	[sflag:s9] =	ssyncset.done $0x0  }
0x1b: {  	s0 =	simm.s32 @!p0 $0x5;
	[sflag:s9] =	ssyncadd.s32 $0xFFFFD900  }
0x1c: {  	[spmem:s14], [sflag:s11] =	dma.local @!p0 [hbm:s13], $0x100  }
0x1d: {  	_ =	swait.ge @!p0 [sflag:s0], $0x100  }
0x1e: {  	[sflag:s0] =	ssyncset.done @!p0 $0x0  }
0x1f: {  	[sflag:s0] =	ssyncadd.s32 @!p0 $0xFFFFFF00  }
0x20: {  	[bflag:$0x0] =	sbarrier.arrive $0xFFFF  }
0x21: {  	[tilespmem:s16], [sflag:$0x1] =	stream.indirect.gather [hbm4b:s4+s15], $0x80, s2, s15, $0xb8;
	[tilespmem:$0x1E200] =	vst v63  }
0x22: {  	_ = 	snop  }
0x23: {  	[tilespmem:s17], [sflag:$0x1] =	stream.indirect.gather [hbm4b:s4+s15], $0x80, s15, s15, $0xb8;
	[tilespmem:$0x1E200] =	vst v63  }
0x24: {  	_ = 	snop  }
0x25: {  	[tilespmem:s18], [sflag:$0x3] =	stream.linear.gather [hbm4b:s6+s2], $0x80, $0x38;
	[tilespmem:$0x1E200] =	vst v63  }
0x26: {  	s10 =	simm.s32 $0x80;
	s3 =	sand.u32 $0x780, s2;
	s28 =	simm.s32 $0x10  }
0x27: {  	[tilespmem:s19], [sflag:$0x2] =	stream.indirect.gather [hbm4b:s4+s15], $0x80, s10, s15, $0xb8;
	[tilespmem:$0x1E200] =	vst v63  }
0x28: {  	s29 =	simm.s32 $0xC0;
	s3 =	sadd.s32 s6, s3;
	s28 =	sand.u32 $0x70, s28  }
0x29: {  	[tilespmem:s20], [sflag:$0x2] =	stream.indirect.gather [hbm4b:s4+s15], $0x80, s29, s15, $0xb8;
	[tilespmem:$0x1E200] =	vst v63  }
0x2a: {  	s3 =	sadd.s32 s28, s3  }
0x2b: {  	[tilespmem:s21], [sflag:$0x4] =	stream.linear.gather [hbm4b:s3+s2], $0x80, $0x38;
	[tilespmem:$0x1E200] =	vst v63  }
0x2c: {  	_ =	swait.ge [sflag:s22], $0x2000  }
0x2d: {  	[sflag:s22] =	ssyncset.done $0x0  }
0x2e: {  	[sflag:s22] =	ssyncadd.s32 $0xFFFFE000  }
0x2f: {  	_ =	swait.ge [sflag:s22], $0x2000  }
0x30: {  	[sflag:s22] =	ssyncset.done $0x0  }
0x31: {  	[sflag:s22] =	ssyncadd.s32 $0xFFFFE000  }
0x32: {  	_ =	swait.ge [sflag:s23], $0x80  }
0x33: {  	[sflag:s23] =	ssyncset.done $0x0  }
0x34: {  	[sflag:s23] =	ssyncadd.s32 $0xFFFFFF80  }
0x35: {  	[spmem:s1] =	stream.indirect.scatter.add.f32 [tilespmem:s16], [sflag:$0x5], $0x80, s18, s24, $0xb8;
	[tilespmem:$0x1E200] =	vst v63  }
0x36: {  	_ =	swait.ge [sflag:s9], $0x4000  }
0x37: {  	[sflag:s9] =	ssyncset.done $0x0  }
0x38: {  	s5 =	simm.s32 $0x100;
	[sflag:s9] =	ssyncadd.s32 $0xFFFFC000  }
0x39: {  	[tilespmem:s16], [sflag:$0x1] =	stream.indirect.gather [hbm4b:s4+s15], $0x80, s5, s15, $0xb8;
	[tilespmem:$0x1E200] =	vst v63  }
0x3a: {  	s10 =	simm.s32 $0x140;
	s8 =	rddreg [dreg:$0x3]  }
0x3b: {  	[tilespmem:s17], [sflag:$0x1] =	stream.indirect.gather [hbm4b:s4+s15], $0x80, s10, s15, $0xb8;
	[tilespmem:$0x1E200] =	vst v63  }
0x3c: {  	s29 =	sadd.s32 $0x0, s8  }
0x3d: {  	[tilespmem:s18], [sflag:$0x3] =	stream.linear.gather [hbm4b:s29+s2], $0x80, $0x38;
	[tilespmem:$0x1E200] =	vst v63  }
0x3e: {  	_ =	swait.ge [sflag:s25], $0x2000  }
0x3f: {  	[sflag:s25] =	ssyncset.done $0x0  }
0x40: {  	[sflag:s25] =	ssyncadd.s32 $0xFFFFE000  }
0x41: {  	_ =	swait.ge [sflag:s25], $0x2000  }
0x42: {  	[sflag:s25] =	ssyncset.done $0x0  }
0x43: {  	[sflag:s25] =	ssyncadd.s32 $0xFFFFE000  }
0x44: {  	s31 =	simm.s32 $0x20;
	_ =	swait.ge [sflag:s26], $0x80  }
0x45: {  	s28 =	simm.s32 $0x800;
	s0 =	simm.s32 $0x100;
	[sflag:s26] =	ssyncset.done $0x0  }
.LBB2_2:
0x46: {  	[sflag:s26] =	ssyncadd.s32 $0xFFFFFF80  }
0x47: {  	[spmem:s1] =	stream.indirect.scatter.add.f32 [tilespmem:s19], [sflag:$0x5], $0x80, s21, s24, $0xb8;
	[tilespmem:$0x1E200] =	vst v63  }
0x48: {  	s8 =	sadd.s32 $0x80, s0;
	s29 =	smov.u32 s28;
	_ =	swait.ge [sflag:s9], $0x4000  }
0x49: {  	s3 =	sadd.s32 $0x400, s28;
	p1 =	sne.s32 s28, $0x9800;
	[sflag:s9] =	ssyncset.done $0x0  }
0x4a: {  	s28 =	sand.u32 $0x780, s31;
	s10 =	sadd.s32 $0x10, s31;
	[sflag:s9] =	ssyncadd.s32 $0xFFFFC000  }
0x4b: {  	[tilespmem:s19], [sflag:$0x2] =	stream.indirect.gather [hbm4b:s4+s15], $0x80, s8, s15, $0xb8;
	[tilespmem:$0x1E200] =	vst v63  }
0x4c: {  	s5 =	sadd.s32 $0xC0, s0;
	s28 =	sadd.s32 s6, s28;
	s10 =	sand.u32 $0x70, s10  }
0x4d: {  	[tilespmem:s20], [sflag:$0x2] =	stream.indirect.gather [hbm4b:s4+s15], $0x80, s5, s15, $0xb8;
	[tilespmem:$0x1E200] =	vst v63  }
0x4e: {  	s10 =	sadd.s32 s10, s28  }
0x4f: {  	[tilespmem:s21], [sflag:$0x4] =	stream.linear.gather [hbm4b:s10+s2], $0x80, $0x38;
	[tilespmem:$0x1E200] =	vst v63  }
0x50: {  	_ =	swait.ge [sflag:s22], $0x2000  }
0x51: {  	[sflag:s22] =	ssyncset.done $0x0  }
0x52: {  	[sflag:s22] =	ssyncadd.s32 $0xFFFFE000  }
0x53: {  	_ =	swait.ge [sflag:s22], $0x2000  }
0x54: {  	[sflag:s22] =	ssyncset.done $0x0  }
0x55: {  	[sflag:s22] =	ssyncadd.s32 $0xFFFFE000  }
0x56: {  	_ =	swait.ge [sflag:s23], $0x80  }
0x57: {  	[sflag:s23] =	ssyncset.done $0x0  }
0x58: {  	[sflag:s23] =	ssyncadd.s32 $0xFFFFFF80  }
0x59: {  	[spmem:s1] =	stream.indirect.scatter.add.f32 [tilespmem:s16], [sflag:$0x5], $0x80, s18, s24, $0xb8;
	[tilespmem:$0x1E200] =	vst v63  }
0x5a: {  	_ =	swait.ge [sflag:s9], $0x4000  }
0x5b: {  	[sflag:s9] =	ssyncset.done $0x0  }
0x5c: {  	s5 =	sadd.s32 $0x100, s0;
	[sflag:s9] =	ssyncadd.s32 $0xFFFFC000  }
0x5d: {  	[tilespmem:s16], [sflag:$0x1] =	stream.indirect.gather [hbm4b:s4+s15], $0x80, s5, s15, $0xb8;
	[tilespmem:$0x1E200] =	vst v63  }
0x5e: {  	s8 =	sadd.s32 $0x140, s0;
	s10 =	rddreg [dreg:$0x3]  }
0x5f: {  	[tilespmem:s17], [sflag:$0x1] =	stream.indirect.gather [hbm4b:s4+s15], $0x80, s8, s15, $0xb8;
	[tilespmem:$0x1E200] =	vst v63  }
0x60: {  	s10 =	sadd.s32 s31, s10  }
0x61: {  	[tilespmem:s18], [sflag:$0x3] =	stream.linear.gather [hbm4b:s10+s2], $0x80, $0x38;
	[tilespmem:$0x1E200] =	vst v63  }
0x62: {  	_ =	swait.ge [sflag:s25], $0x2000  }
0x63: {  	[sflag:s25] =	ssyncset.done $0x0  }
0x64: {  	[sflag:s25] =	ssyncadd.s32 $0xFFFFE000  }
.Ltmp0:
0x65: {  	_ =	swait.ge [sflag:s25], $0x2000;
	(pc) =	sbr.rel @p1 .LBB2_2-.Ltmp0, $4  }
0x66: {  	[sflag:s25] =	ssyncset.done $0x0  }
0x67: {  	[sflag:s25] =	ssyncadd.s32 $0xFFFFE000  }
0x68: {  	s28 =	smov.u32 s3;
	_ =	swait.ge [sflag:s26], $0x80  }
0x69: {  	s0 =	sshra.s32 s29, $0x2;
	s31 =	sadd.s32 $0x20, s31;
	[sflag:s26] =	ssyncset.done $0x0  }
0x6a: {  	[sflag:s26] =	ssyncadd.s32 $0xFFFFFF80  }
0x6b: {  	[spmem:s1] =	stream.indirect.scatter.add.f32 [tilespmem:s19], [sflag:$0x5], $0x80, s21, s24, $0xb8;
	[tilespmem:$0x1E200] =	vst v63  }
0x6c: {  	_ =	swait.ge [sflag:s9], $0x4000  }
0x6d: {  	[sflag:s9] =	ssyncset.done $0x0  }
0x6e: {  	s3 =	sadd.s32 $0x80, s0;
	[sflag:s9] =	ssyncadd.s32 $0xFFFFC000  }
0x6f: {  	[tilespmem:s19], [sflag:$0x2] =	stream.indirect.gather [hbm4b:s4+s15], $0x80, s3, s15, $0xb8;
	[tilespmem:$0x1E200] =	vst v63  }
0x70: {  	s5 =	sadd.s32 $0xC0, s0  }
0x71: {  	[tilespmem:s20], [sflag:$0x2] =	stream.indirect.gather [hbm4b:s4+s15], $0x80, s5, s15, $0xb8;
	[tilespmem:$0x1E200] =	vst v63  }
0x72: {  	s8 =	sand.u32 $0x780, s31;
	s5 =	sadd.s32 $0x10, s31  }
0x73: {  	s3 =	sadd.s32 s6, s8;
	s5 =	sand.u32 $0x70, s5  }
0x74: {  	s3 =	sadd.s32 s5, s3  }
0x75: {  	[tilespmem:s21], [sflag:$0x4] =	stream.linear.gather [hbm4b:s3+s2], $0x80, $0x38;
	[tilespmem:$0x1E200] =	vst v63  }
0x76: {  	_ =	swait.ge [sflag:s22], $0x2000  }
0x77: {  	[sflag:s22] =	ssyncset.done $0x0  }
0x78: {  	[sflag:s22] =	ssyncadd.s32 $0xFFFFE000  }
0x79: {  	_ =	swait.ge [sflag:s22], $0x2000  }
0x7a: {  	[sflag:s22] =	ssyncset.done $0x0  }
0x7b: {  	[sflag:s22] =	ssyncadd.s32 $0xFFFFE000  }
0x7c: {  	_ =	swait.ge [sflag:s23], $0x80  }
0x7d: {  	[sflag:s23] =	ssyncset.done $0x0  }
0x7e: {  	[sflag:s23] =	ssyncadd.s32 $0xFFFFFF80  }
0x7f: {  	[spmem:s1] =	stream.indirect.scatter.add.f32 [tilespmem:s16], [sflag:$0x5], $0x80, s18, s24, $0xb8;
	[tilespmem:$0x1E200] =	vst v63  }
0x80: {  	_ =	swait.ge [sflag:s9], $0x4000  }
0x81: {  	[sflag:s9] =	ssyncset.done $0x0  }
0x82: {  	s10 =	sadd.s32 $0x100, s0;
	[sflag:s9] =	ssyncadd.s32 $0xFFFFC000  }
0x83: {  	[tilespmem:s16], [sflag:$0x1] =	stream.indirect.gather [hbm4b:s4+s15], $0x80, s10, s15, $0xb8;
	[tilespmem:$0x1E200] =	vst v63  }
0x84: {  	s29 =	sadd.s32 $0x140, s0;
	s28 =	rddreg [dreg:$0x3]  }
0x85: {  	[tilespmem:s17], [sflag:$0x1] =	stream.indirect.gather [hbm4b:s4+s15], $0x80, s29, s15, $0xb8;
	[tilespmem:$0x1E200] =	vst v63  }
0x86: {  	s5 =	sadd.s32 s31, s28  }
0x87: {  	[tilespmem:s18], [sflag:$0x3] =	stream.linear.gather [hbm4b:s5+s2], $0x80, $0x38;
	[tilespmem:$0x1E200] =	vst v63  }
0x88: {  	_ =	swait.ge [sflag:s25], $0x2000  }
0x89: {  	[sflag:s25] =	ssyncset.done $0x0  }
0x8a: {  	[sflag:s25] =	ssyncadd.s32 $0xFFFFE000  }
0x8b: {  	_ =	swait.ge [sflag:s25], $0x2000  }
0x8c: {  	[sflag:s25] =	ssyncset.done $0x0  }
0x8d: {  	[sflag:s25] =	ssyncadd.s32 $0xFFFFE000  }
0x8e: {  	_ =	swait.ge [sflag:s26], $0x80  }
0x8f: {  	[sflag:s26] =	ssyncset.done $0x0  }
0x90: {  	[sflag:s26] =	ssyncadd.s32 $0xFFFFFF80  }
0x91: {  	[spmem:s1] =	stream.indirect.scatter.add.f32 [tilespmem:s19], [sflag:$0x5], $0x80, s21, s24, $0xb8;
	[tilespmem:$0x1E200] =	vst v63  }
0x92: {  	_ =	swait.ge [sflag:s9], $0x4000  }
0x93: {  	[sflag:s9] =	ssyncset.done $0x0  }
0x94: {  	s8 =	simm.s32 $0x2780;
	[sflag:s9] =	ssyncadd.s32 $0xFFFFC000  }
0x95: {  	[tilespmem:s19], [sflag:$0x2] =	stream.indirect.gather [hbm4b:s4+s15], $0x80, s8, s15, $0xb8;
	[tilespmem:$0x1E200] =	vst v63  }
0x96: {  	s10 =	simm.s32 $0x27C0  }
0x97: {  	[tilespmem:s20], [sflag:$0x2] =	stream.indirect.gather [hbm4b:s4+s15], $0x80, s10, s15, $0xb8;
	[tilespmem:$0x1E200] =	vst v63  }
0x98: {  	s28 =	sadd.s32 $0x4F0, s6  }
0x99: {  	[tilespmem:s21], [sflag:$0x4] =	stream.linear.gather [hbm4b:s28+s2], $0x80, $0x38;
	[tilespmem:$0x1E200] =	vst v63  }
0x9a: {  	_ =	swait.ge [sflag:s22], $0x2000  }
0x9b: {  	[sflag:s22] =	ssyncset.done $0x0  }
0x9c: {  	[sflag:s22] =	ssyncadd.s32 $0xFFFFE000  }
0x9d: {  	_ =	swait.ge [sflag:s22], $0x2000  }
0x9e: {  	[sflag:s22] =	ssyncset.done $0x0  }
0x9f: {  	[sflag:s22] =	ssyncadd.s32 $0xFFFFE000  }
0xa0: {  	_ =	swait.ge [sflag:s23], $0x80  }
0xa1: {  	[sflag:s23] =	ssyncset.done $0x0  }
0xa2: {  	[sflag:s23] =	ssyncadd.s32 $0xFFFFFF80  }
0xa3: {  	[spmem:s1] =	stream.indirect.scatter.add.f32 [tilespmem:s16], [sflag:$0x5], $0x80, s18, s24, $0xb8;
	[tilespmem:$0x1E200] =	vst v63  }
0xa4: {  	_ =	swait.ge [sflag:s9], $0x4000  }
0xa5: {  	[sflag:s9] =	ssyncset.done $0x0  }
0xa6: {  	[sflag:s9] =	ssyncadd.s32 $0xFFFFC000  }
0xa7: {  	_ =	swait.ge [sflag:s25], $0x2000  }
0xa8: {  	[sflag:s25] =	ssyncset.done $0x0  }
0xa9: {  	[sflag:s25] =	ssyncadd.s32 $0xFFFFE000  }
0xaa: {  	_ =	swait.ge [sflag:s25], $0x2000  }
0xab: {  	[sflag:s25] =	ssyncset.done $0x0  }
0xac: {  	[sflag:s25] =	ssyncadd.s32 $0xFFFFE000  }
0xad: {  	_ =	swait.ge [sflag:s26], $0x80  }
0xae: {  	[sflag:s26] =	ssyncset.done $0x0  }
0xaf: {  	[sflag:s26] =	ssyncadd.s32 $0xFFFFFF80  }
0xb0: {  	[spmem:s1] =	stream.indirect.scatter.add.f32 [tilespmem:s19], [sflag:$0x5], $0x80, s21, s24, $0xb8;
	[tilespmem:$0x1E200] =	vst v63  }
0xb1: {  	_ =	swait.ge [sflag:s9], $0x4000  }
0xb2: {  	[sflag:s9] =	ssyncset.done $0x0  }
0xb3: {  	[sflag:s9] =	ssyncadd.s32 $0xFFFFC000  }
0xb4: {  	[bflag:$0x0] =	sbarrier.arrive $0xFFFF  }
0xb5: {  	s29 =	rddreg [dreg:$0x5]  }
0xb6: {  	s0 =	sadd.s32 s29, s7  }
0xb7: {  	[hbm:s0], [sflag:s11] =	dma.local [spmem:s12], $0x2700  }
0xb8: {  	_ =	swait.ge [sflag:s9], $0x2700  }
0xb9: {  	[sflag:s9] =	ssyncset.done $0x0  }
0xba: {  	s0 =	sadd.s32 @!p0 $0x27000, s7;
	[sflag:s9] =	ssyncadd.s32 $0xFFFFD900  }
0xbb: {  	[hbm:s0], [sflag:s11] =	dma.local @!p0 [spmem:s14], $0x100  }
0xbc: {  	s0 =	simm.s32 @!p0 $0x5  }
0xbd: {  	_ =	swait.ge @!p0 [sflag:s0], $0x100  }
0xbe: {  	s30 =	sadd.s32 $0x1, s30;
	s31 =	rddreg [dreg:$0x6]  }
0xbf: {  	p1 =	sne.s32 s30, s31  }
.Ltmp1:
0xc0: {  	_ = 	snop;
	(pc) =	sbr.rel @p1 .LBB2_1-.Ltmp1, $3  }
0xc1: {  	_ =	sdelay $0x1  }
0xc2: {  	[sflag:s0] =	ssyncset.done @!p0 $0x0  }
0xc3: {  	[sflag:s0] =	ssyncadd.s32 @!p0 $0xFFFFFF00  }
0xc4: {  	_ =	sfence.sel $0x180000  }
0xc5: {  	[bflag:$0x0] =	sbarrier.arrive $0xFFFF  }
0xc6: {  	_ =	strace $0x9000004A  }
0xc7: {  	[bflag:$0x2] =	sbarrier.arrive $0xFFFF  }
0xc8: {  	s0 =	rddreg [dreg:$0x2]  }
0xc9: {  	s0 =	sadd.s32 @!p0 $0x100000, s0  }
0xca: {  	[sflag:s0] =	ssyncadd.tile.s32 @!p0 $0x1;
	_ =	shalt  }
.Lfunc_end2:
_tile_overlayer_lowered:
.L_overlay_start_2:
0xcb: {  	(tag) =	ssettag $0x2  }
0xcc: {  	s0 =	rddreg [dreg:$0x0];
	s2 =	stileid.u32  }
0xcd: {  	s1 =	rddreg [dreg:$0x1];
	p0 =	sne.s32 s2, $0x0  }
0xce: {  	s3 =	rddreg [dreg:$0x2];
	[bflag:$0x3] =	sbarrier.arrive $0xFFFF;
	s2 =	simm.s32 @!p0 $0x1C05  }
0xcf: {  	[timem:s3], [sflag:s2] =	dma.local @!p0 [hbm:s0], s1  }
0xd0: {  	s0 =	simm.s32 @!p0 $0x5  }
0xd1: {  	_ =	swait.ge @!p0 [sflag:s0], s1  }
0xd2: {  	s1 =	ssub.s32 @!p0 $0x0, s1;
	[sflag:s0] =	ssyncset.done @!p0 $0x0  }
0xd3: {  	[sflag:s0] =	ssyncadd.s32 @!p0 s1  }
0xd4: {  	[bflag:$0x3] =	sbarrier.arrive $0xFFFF  }
0xd5: {  	_ =	shalt  }

// kernel: kernel.14.cloned.1.call-start
scs
__scs_entry_jumppad:
0x0: {  	(pc) =	sbr.rel $0x88, $3  }
0x1: {  	(tag) =	ssettag $0x0;
	lr =	simm.s32 $0x1  }
0x2: {  	[smem:$0x3F99] =	sst lr;
	_ =	strace $0xD0000000  }
0x3: {  	_ = 	snop  }
0x4: {  	_ = 	snop  }
0x5: {  	_ = 	snop  }
0x6: {  	_ = 	snop  }
0x7: {  	_ = 	snop  }
__scs_overlays_trampoline_lowered:
0x8: {  	[smem:$0x3FA8] =	sst s0  }
0x9: {  	[smem:$0x3FA9] =	sst s1  }
0xa: {  	[smem:$0x3FAA] =	sst s2  }
0xb: {  	[smem:$0x3FAB] =	sst s3  }
0xc: {  	[smem:$0x3FAC] =	sst s4  }
0xd: {  	[smem:$0x3FAD] =	sst s5  }
0xe: {  	[smem:$0x3FAE] =	sst s6  }
0xf: {  	[smem:$0x3FAF] =	sst s7  }
0x10: {  	[smem:$0x3FB0] =	sst s8  }
0x11: {  	[smem:$0x3FB1] =	sst s9;
	s0 =	simm.s32 @!p0 $0x0  }
0x12: {  	s1 =	sld [smem:$0x3F97];
	s0 =	simm.s32 @p0 $0x1  }
0x13: {  	[smem:$0x3FB2] =	sst s0;
	s0 =	simm.s32 @!p1 $0x0  }
0x14: {  	s2 =	sld [smem:$0x3F96];
	s0 =	simm.s32 @p1 $0x1  }
0x15: {  	[smem:$0x3FB3] =	sst s0;
	s0 =	simm.s32 @!p2 $0x0  }
0x16: {  	s3 =	sld [smem:$0x3FDB];
	s0 =	simm.s32 @p2 $0x1  }
0x17: {  	s4 =	simm.s32 $0x1BF5;
	[smem:$0x3FB5] =	sst s0  }
0x18: {  	s0 =	sld [smem:$0x3F98];
	_ =	swait.ge [sflag:s4], $0x0  }
0x19: {  	s7 =	sld [smem:$0x3F99]  }
0x1a: {  	s8 =	sadd.s32 $0xFFFFE003, lr  }
0x1b: {  	s9 =	sadd.s32 $0xFFFFFEF7, lr;
	s5 =	simm.s32 $0xFFFFFFFF;
	p2 =	slt.u32 s8, $0xFFFFF086  }
0x1c: {  	p1 =	slt.u32 s9, $0xF7A;
	s5 =	simm.s32 @!p2 $0x0  }
0x1d: {  	s5 =	simm.s32 @p1 $0x1;
	p0 =	seq.s32 s7, s2  }
0x1e: {  	s7 =	smul.u32 @!p0 $0xF7A, s2;
	p2 =	seq.s32 @!p0 s5, $0x0  }
0x1f: {  	s9 =	smul.u32 $0xF7A, s1;
	s8 =	simm.s32 @!p0 $0x1BF5;
	p2 =	por !p2, p0  }
0x20: {  	[sflag:s8] =	ssyncset.s32 @!p0 $0xFFFFF086;
	s6 =	sadd.s32 @!p0 s3, s7;
	s7 =	simm.s32 @!p0 $0x108  }
0x21: {  	s3 =	sadd.s32 s3, s9;
	s6 =	sadd.s32 @!p0 $0x88, s6;
	s7 =	simm.s32 @p2 $0x1082  }
0x22: {  	[simem:s7], [sflag:s8] =	dma.local @!p0 [hbm:s6], $0xF7A  }
0x23: {  	s9 =	sor.u32 $0xD0000000, s2;
	s6 =	simm.s32 $0x108;
	_ =	swait.ge @!p0 [sflag:s8], $0x0  }
0x24: {  	s3 =	sadd.s32 $0x88, s3;
	s6 =	simm.s32 @!p1 $0x1082;
	[sflag:s4] =	ssyncset.s32 $0xFFFFF086  }
0x25: {  	[simem:s6], [sflag:s4] =	dma.local [hbm:s3], $0xF7A  }
0x26: {  	[smem:$0x3F99] =	sst s1;
	(tag) =	ssettag s2;
	_ =	strace s9  }
0x27: {  	s1 =	sld [smem:$0x3FA9]  }
0x28: {  	s2 =	sld [smem:$0x3FAA]  }
0x29: {  	s4 =	sld [smem:$0x3FAC]  }
0x2a: {  	p0 =	seq.s32 s5, $0x0;
	s5 =	sld [smem:$0x3FAD]  }
0x2b: {  	s6 =	sld [smem:$0x3FAE]  }
0x2c: {  	s7 =	sld [smem:$0x3FAF]  }
0x2d: {  	s3 =	simm.s32 $0x108;
	s8 =	sld [smem:$0x3FB0]  }
0x2e: {  	s3 =	simm.s32 @!p0 $0x1082;
	s9 =	sld [smem:$0x3FB1]  }
0x2f: {  	lr =	sadd.s32 s0, s3;
	s0 =	sld [smem:$0x3FA8]  }
0x30: {  	s3 =	sld [smem:$0x3FAB]  }
0x31: {  	[smem:$0x3FB4] =	sst s10  }
0x32: {  	s10 =	sld [smem:$0x3FB2];
	_ =	sdelay $0x3  }
0x33: {  	p0 =	seq.s32 s10, $0x1;
	s10 =	sld [smem:$0x3FB4];
	_ =	sdelay $0x3  }
0x34: {  	[smem:$0x3FB4] =	sst s10  }
0x35: {  	s10 =	sld [smem:$0x3FB3];
	_ =	sdelay $0x3  }
0x36: {  	p1 =	seq.s32 s10, $0x1;
	s10 =	sld [smem:$0x3FB4];
	_ =	sdelay $0x3  }
0x37: {  	[smem:$0x3FB4] =	sst s10  }
0x38: {  	s10 =	sld [smem:$0x3FB5]  }
0x39: {  	_ = 	snop;
	(pc) =	sbr.ind lr, $3  }
0x3a: {  	_ = 	snop  }
0x3b: {  	_ = 	snop  }
0x3c: {  	p2 =	seq.s32 s10, $0x1;
	s10 =	sld [smem:$0x3FB4]  }
0x3d: {  	_ =	shalt  }
0x3e: {  	_ =	shalt  }
0x3f: {  	_ =	shalt  }
0x40: {  	_ =	shalt  }
0x41: {  	_ =	shalt  }
0x42: {  	_ =	shalt  }
0x43: {  	_ =	shalt  }
0x44: {  	_ =	shalt  }
0x45: {  	_ =	shalt  }
0x46: {  	_ =	shalt  }
0x47: {  	_ =	shalt  }
0x48: {  	_ =	shalt  }
0x49: {  	_ =	shalt  }
0x4a: {  	_ =	shalt  }
0x4b: {  	_ =	shalt  }
0x4c: {  	_ =	shalt  }
0x4d: {  	_ =	shalt  }
0x4e: {  	_ =	shalt  }
0x4f: {  	_ =	shalt  }
0x50: {  	_ =	shalt  }
0x51: {  	_ =	shalt  }
0x52: {  	_ =	shalt  }
0x53: {  	_ =	shalt  }
0x54: {  	_ =	shalt  }
0x55: {  	_ =	shalt  }
0x56: {  	_ =	shalt  }
0x57: {  	_ =	shalt  }
0x58: {  	_ =	shalt  }
0x59: {  	_ =	shalt  }
0x5a: {  	_ =	shalt  }
0x5b: {  	_ =	shalt  }
0x5c: {  	_ =	shalt  }
0x5d: {  	_ =	shalt  }
0x5e: {  	_ =	shalt  }
0x5f: {  	_ =	shalt  }
0x60: {  	_ =	shalt  }
0x61: {  	_ =	shalt  }
0x62: {  	_ =	shalt  }
0x63: {  	_ =	shalt  }
0x64: {  	_ =	shalt  }
0x65: {  	_ =	shalt  }
0x66: {  	_ =	shalt  }
0x67: {  	_ =	shalt  }
0x68: {  	_ =	shalt  }
0x69: {  	_ =	shalt  }
0x6a: {  	_ =	shalt  }
0x6b: {  	_ =	shalt  }
0x6c: {  	_ =	shalt  }
0x6d: {  	_ =	shalt  }
0x6e: {  	_ =	shalt  }
0x6f: {  	_ =	shalt  }
0x70: {  	_ =	shalt  }
0x71: {  	_ =	shalt  }
0x72: {  	_ =	shalt  }
0x73: {  	_ =	shalt  }
0x74: {  	_ =	shalt  }
0x75: {  	_ =	shalt  }
0x76: {  	_ =	shalt  }
0x77: {  	_ =	shalt  }
0x78: {  	_ =	shalt  }
0x79: {  	_ =	shalt  }
0x7a: {  	_ =	shalt  }
0x7b: {  	_ =	shalt  }
0x7c: {  	_ =	shalt  }
0x7d: {  	_ =	shalt  }
0x7e: {  	_ =	shalt  }
0x7f: {  	_ =	shalt  }
0x80: {  	_ =	shalt  }
0x81: {  	_ =	shalt  }
0x82: {  	_ =	shalt  }
0x83: {  	_ =	shalt  }
0x84: {  	_ =	shalt  }
0x85: {  	_ =	shalt  }
0x86: {  	_ =	shalt  }
0x87: {  	_ =	shalt  }
.Lfunc_end0:
.L_simem_size_0:
called_computation.2_lowered:
.L_overlay_start_0:
0x88: {  	s2 =	sld [smem:$0x3FD9]  }
0x89: {  	s3 =	sld [smem:$0x3FFE];
	_ =	sdelay $0x1  }
0x8a: {  	s1 =	srdreg.scid  }
0x8b: {  	s0 =	sand.u32 $0x1, s1  }
0x8c: {  	s16 =	sshll.u32 s0, $0xA;
	s2 =	sadd.s32 s3, s2  }
0x8d: {  	s2 =	sadd.s32 s2, s16  }
0x8e: {  	[smem:$0x3FC0] =	sst s2  }
0x8f: {  	_ = 	snop  }
0x90: {  	(tm) =	ssettm $0x1  }
0x91: {  	s17 =	sld [smem:$0x3FFB];
	_ =	sdelay $0x3  }
0x92: {  	_ =	strace s17  }
0x93: {  	s2 =	sld [smem:$0x3FFC];
	_ =	sdelay $0x3  }
0x94: {  	_ =	strace s2  }
0x95: {  	s2 =	sld [smem:$0x3FFD];
	_ =	sdelay $0x3  }
0x96: {  	_ =	strace s2  }
0x97: {  	_ =	strace $0x8FFFFFFF  }
0x98: {  	s18 =	sld [smem:$0x3FDB];
	_ =	sdelay $0x1  }
0x99: {  	s19 =	simm.s32 $_scs_section_size  }
0x9a: {  	s4 =	simm.s32 $_size__tile_overlayer_lowered;
	s5 =	simm.s32 $_tile_overlayer_lowered  }
0x9b: {  	s22 =	simm.s32 $0x1BFF;
	s21 =	sshll.u32 s5, $0x1;
	s2 =	sadd.s32 s19, s18  }
0x9c: {  	s6 =	simm.s32 $0x0;
	s20 =	sshll.u32 s4, $0x1;
	s4 =	sadd.s32 s21, s2  }
0x9d: {  	[timem:s6], [sflag:s22] =	dma.local [hbm:s4], s20  }
0x9e: {  	_ =	swait.ge [sflag:s22], s20  }
0x9f: {  	s3 =	ssub.s32 $0x0, s20;
	[sflag:s22] =	ssyncset.done $0x0  }
0xa0: {  	[sflag:s22] =	ssyncadd.s32 s3;
	_ =	sdelay $0x1  }
0xa1: {  	s23 =	simm.s32 $0x1B8B  }
0xa2: {  	_ =	swait.ge [sflag:s23], $0x1  }
0xa3: {  	[sflag:s23] =	ssyncset.done $0x0  }
0xa4: {  	s25 =	simm.s32 $0x1B8E;
	s24 =	sld [smem:$0x3FFE];
	[sflag:s23] =	ssyncadd.s32 $0xFFFFFFFF  }
0xa5: {  	s26 =	simm.s32 $execute0_lowered;
	[smem:$0x3FD2] =	sst s25  }
0xa6: {  	s4 =	sshll.u32 s26, $0x1;
	_ =	strace $0x8000004C;
	[dreg:$0x1] =	wrdreg $0xFFFFFFFF  }
0xa7: {  	s28 =	simm.s32 $_size_execute0_lowered;
	s2 =	sadd.s32 s2, s4;
	[dreg:$0x0] =	wrdreg $0x0  }
0xa8: {  	s4 =	sshll.u32 s28, $0x1;
	[dreg:$0x2] =	wrdreg s2  }
0xa9: {  	[dreg:$0x3] =	wrdreg s4  }
0xaa: {  	[dreg:$0x4] =	wrdreg $0xC0  }
0xab: {  	_ =	task [dreg:s6], $0x5FFFF  }
0xac: {  	[dreg:$0x1] =	wrdreg $0xFFFFFFFF  }
0xad: {  	[dreg:$0x0] =	wrdreg $0x60  }
0xae: {  	[dreg:$0x2] =	wrdreg s24  }
0xaf: {  	[dreg:$0x3] =	wrdreg $0xA9000  }
0xb0: {  	[dreg:$0x4] =	wrdreg $0x9  }
0xb1: {  	_ =	task.clear_ibuf [dreg:s6], $0x5FFFF;
	_ =	strace $0x9000004C  }
0xb2: {  	s29 =	simm.s32 $0x9;
	_ =	strace $0x8000004E  }
0xb3: {  	_ =	swait.ge [sflag:s29], $0x1  }
0xb4: {  	[sflag:s29] =	ssyncadd.s32 $0xFFFFFFFF  }
0xb5: {  	_ =	strace $0x9000004E  }
0xb6: {  	_ =	sfence  }
0xb7: {  	s30 =	sld [smem:$0x0];
	_ =	sdelay $0x2  }
0xb8: {  	s31 =	sshll.u32 s1, $0xD;
	s1 =	sshrl.u32 s1, $0x2  }
0xb9: {  	s3 =	sand.u32 $0x4000, s31;
	s1 =	sadd.s32 s1, s30  }
0xba: {  	s0 =	sor.u32 s3, s0;
	s1 =	sshll.u32 s1, $0x11  }
0xbb: {  	s0 =	sor.u32 s1, s0  }
0xbc: {  	s0 =	sadd.s32 $0x8F2B, s0  }
0xbd: {  	[sflag:s0] =	ssyncadd.remote.s32 $0x1  }
0xbe: {  	_ =	sfence.sel $0xFFFF  }
0xbf: {  	[dreg:$0x0] =	wrdreg $0xFFFFFFFF;
	(pc) =	sbr.abs _section_cstart, $3  }
0xc0: {  	[dreg:$0x1] =	wrdreg $0xFFFFFFFF  }
0xc1: {  	_ =	task.clear_ibuf [dreg:s6], $0x2FFFF;
	_ =	strace $0x9FFFFFFF  }
0xc2: {  	(tm) =	ssettm $0x7FFFFFFF  }
0xc3: {  	_ =	shalt  }
tec
execute0_lowered:
.L_overlay_start_1:
0x0: {  	(tag) =	ssettag $0x1  }
0x1: {  	s0 =	rddreg [dreg:$0x0];
	s3 =	stileid.u32  }
0x2: {  	s2 =	srdreg.scid;
	s1 =	rddreg [dreg:$0x1]  }
0x3: {  	s15 =	simm.s32 $0x40;
	s16 =	simm.s32 $0x2900;
	s17 =	simm.s32 $0x4900  }
0x4: {  	s18 =	simm.s32 $0x2800;
	s19 =	simm.s32 $0x6900;
	s20 =	simm.s32 $0x8900  }
0x5: {  	s21 =	simm.s32 $0x2880;
	s30 =	simm.s32 $0x0;
	s4 =	smul.u32 $0x500, s3  }
0x6: {  	s5 =	sand.u32 $0x1, s2;
	s2 =	simm.s32 $0x0;
	s7 =	smul.u32 $0x4E000, s3  }
0x7: {  	s25 =	smul.u32 $0x2700, s3;
	s14 =	sadd.s32 $0x138000, s1;
	p0 =	sne.s32 s3, $0x0  }
0x8: {  	s29 =	sshll.u32 s3, $0x6;
	s6 =	smul.u32 $0x27100, s5;
	[smem:$0x7FF] =	sst s2  }
0x9: {  	s5 =	ssub.s32 $0x2, s5;
	s11 =	sor.u32 $0x1C05, s29;
	s14 =	sshrl.u32 @!p0 s14, $0x3  }
0xa: {  	_ =	strace $0x8000004D;
	s8 =	sadd.s32 s4, s0;
	s22 =	sshrl.u32 s5, $0x1  }
0xb: {  	s23 =	sshrl.u32 s7, $0x2;
	[dreg:$0x5] =	wrdreg s25;
	s0 =	sadd.s32 s6, s0  }
0xc: {  	s9 =	ssub.s32 s5, s22;
	s24 =	sadd.s32 $0x6800, s8;
	s12 =	sadd.s32 s23, s1  }
0xd: {  	s6 =	sadd.s32 $0x1800, s8;
	s22 =	simm.s32 $0x1;
	s23 =	simm.s32 $0x3  }
0xe: {  	[dreg:$0x4] =	wrdreg s24;
	s4 =	sadd.s32 $0xB800, s0;
	s7 =	sadd.s32 $0x59A00, s0  }
0xf: {  	s26 =	smax.u32 s9, $0x1;
	s9 =	simm.s32 $0x5;
	s12 =	sshrl.u32 s12, $0x3  }
0x10: {  	s31 =	sadd.s32 $0x20, s6;
	s24 =	simm.s32 $0x80;
	[dreg:$0x6] =	wrdreg s26  }
0x11: {  	s28 =	sadd.s32 s25, s4;
	s13 =	sadd.s32 @!p0 $0x27000, s4;
	[dreg:$0x3] =	wrdreg s31  }
0x12: {  	s25 =	simm.s32 $0x2;
	s26 =	simm.s32 $0x4;
	[dreg:$0x7] =	wrdreg s28  }
.LBB2_1:
0x13: {  	s0 =	rddreg [dreg:$0x4]  }
0x14: {  	[tilespmem:s2], [sflag:$0x5] =	stream.linear.gather [hbm4b:s0+s2], $0x2800, $0x38;
	[tilespmem:$0x1E200] =	vst v63  }
0x15: {  	_ =	swait.ge [sflag:s9], $0x2800  }
0x16: {  	[sflag:s9] =	ssyncset.done $0x0  }
0x17: {  	s8 =	rddreg [dreg:$0x7];
	[sflag:s9] =	ssyncadd.s32 $0xFFFFD800  }
0x18: {  	[spmem:s12], [sflag:s11] =	dma.local [hbm:s8], $0x2700  }
0x19: {  	_ =	swait.ge [sflag:s9], $0x2700  }
0x1a: {  	[sflag:s9] =	ssyncset.done $0x0  }
0x1b: {  	s0 =	simm.s32 @!p0 $0x5;
	[sflag:s9] =	ssyncadd.s32 $0xFFFFD900  }
0x1c: {  	[spmem:s14], [sflag:s11] =	dma.local @!p0 [hbm:s13], $0x100  }
0x1d: {  	_ =	swait.ge @!p0 [sflag:s0], $0x100  }
0x1e: {  	[sflag:s0] =	ssyncset.done @!p0 $0x0  }
0x1f: {  	[sflag:s0] =	ssyncadd.s32 @!p0 $0xFFFFFF00  }
0x20: {  	[bflag:$0x0] =	sbarrier.arrive $0xFFFF  }
0x21: {  	[tilespmem:s16], [sflag:$0x1] =	stream.indirect.gather [hbm4b:s4+s15], $0x80, s2, s15, $0xb8;
	[tilespmem:$0x1E200] =	vst v63  }
0x22: {  	_ = 	snop  }
0x23: {  	[tilespmem:s17], [sflag:$0x1] =	stream.indirect.gather [hbm4b:s4+s15], $0x80, s15, s15, $0xb8;
	[tilespmem:$0x1E200] =	vst v63  }
0x24: {  	_ = 	snop  }
0x25: {  	[tilespmem:s18], [sflag:$0x3] =	stream.linear.gather [hbm4b:s6+s2], $0x80, $0x38;
	[tilespmem:$0x1E200] =	vst v63  }
0x26: {  	s10 =	simm.s32 $0x80;
	s3 =	sand.u32 $0x780, s2;
	s28 =	simm.s32 $0x10  }
0x27: {  	[tilespmem:s19], [sflag:$0x2] =	stream.indirect.gather [hbm4b:s4+s15], $0x80, s10, s15, $0xb8;
	[tilespmem:$0x1E200] =	vst v63  }
0x28: {  	s29 =	simm.s32 $0xC0;
	s3 =	sadd.s32 s6, s3;
	s28 =	sand.u32 $0x70, s28  }
0x29: {  	[tilespmem:s20], [sflag:$0x2] =	stream.indirect.gather [hbm4b:s4+s15], $0x80, s29, s15, $0xb8;
	[tilespmem:$0x1E200] =	vst v63  }
0x2a: {  	s3 =	sadd.s32 s28, s3  }
0x2b: {  	[tilespmem:s21], [sflag:$0x4] =	stream.linear.gather [hbm4b:s3+s2], $0x80, $0x38;
	[tilespmem:$0x1E200] =	vst v63  }
0x2c: {  	_ =	swait.ge [sflag:s22], $0x2000  }
0x2d: {  	[sflag:s22] =	ssyncset.done $0x0  }
0x2e: {  	[sflag:s22] =	ssyncadd.s32 $0xFFFFE000  }
0x2f: {  	_ =	swait.ge [sflag:s22], $0x2000  }
0x30: {  	[sflag:s22] =	ssyncset.done $0x0  }
0x31: {  	[sflag:s22] =	ssyncadd.s32 $0xFFFFE000  }
0x32: {  	_ =	swait.ge [sflag:s23], $0x80  }
0x33: {  	[sflag:s23] =	ssyncset.done $0x0  }
0x34: {  	[sflag:s23] =	ssyncadd.s32 $0xFFFFFF80  }
0x35: {  	[spmem:s1] =	stream.indirect.scatter.add.f32 [tilespmem:s16], [sflag:$0x5], $0x80, s18, s24, $0xb8;
	[tilespmem:$0x1E200] =	vst v63  }
0x36: {  	_ =	swait.ge [sflag:s9], $0x4000  }
0x37: {  	[sflag:s9] =	ssyncset.done $0x0  }
0x38: {  	s5 =	simm.s32 $0x100;
	[sflag:s9] =	ssyncadd.s32 $0xFFFFC000  }
0x39: {  	[tilespmem:s16], [sflag:$0x1] =	stream.indirect.gather [hbm4b:s4+s15], $0x80, s5, s15, $0xb8;
	[tilespmem:$0x1E200] =	vst v63  }
0x3a: {  	s10 =	simm.s32 $0x140;
	s8 =	rddreg [dreg:$0x3]  }
0x3b: {  	[tilespmem:s17], [sflag:$0x1] =	stream.indirect.gather [hbm4b:s4+s15], $0x80, s10, s15, $0xb8;
	[tilespmem:$0x1E200] =	vst v63  }
0x3c: {  	s29 =	sadd.s32 $0x0, s8  }
0x3d: {  	[tilespmem:s18], [sflag:$0x3] =	stream.linear.gather [hbm4b:s29+s2], $0x80, $0x38;
	[tilespmem:$0x1E200] =	vst v63  }
0x3e: {  	_ =	swait.ge [sflag:s25], $0x2000  }
0x3f: {  	[sflag:s25] =	ssyncset.done $0x0  }
0x40: {  	[sflag:s25] =	ssyncadd.s32 $0xFFFFE000  }
0x41: {  	_ =	swait.ge [sflag:s25], $0x2000  }
0x42: {  	[sflag:s25] =	ssyncset.done $0x0  }
0x43: {  	[sflag:s25] =	ssyncadd.s32 $0xFFFFE000  }
0x44: {  	s31 =	simm.s32 $0x20;
	_ =	swait.ge [sflag:s26], $0x80  }
0x45: {  	s28 =	simm.s32 $0x800;
	s0 =	simm.s32 $0x100;
	[sflag:s26] =	ssyncset.done $0x0  }
.LBB2_2:
0x46: {  	[sflag:s26] =	ssyncadd.s32 $0xFFFFFF80  }
0x47: {  	[spmem:s1] =	stream.indirect.scatter.add.f32 [tilespmem:s19], [sflag:$0x5], $0x80, s21, s24, $0xb8;
	[tilespmem:$0x1E200] =	vst v63  }
0x48: {  	s8 =	sadd.s32 $0x80, s0;
	s29 =	smov.u32 s28;
	_ =	swait.ge [sflag:s9], $0x4000  }
0x49: {  	s3 =	sadd.s32 $0x400, s28;
	p1 =	sne.s32 s28, $0x9800;
	[sflag:s9] =	ssyncset.done $0x0  }
0x4a: {  	s28 =	sand.u32 $0x780, s31;
	s10 =	sadd.s32 $0x10, s31;
	[sflag:s9] =	ssyncadd.s32 $0xFFFFC000  }
0x4b: {  	[tilespmem:s19], [sflag:$0x2] =	stream.indirect.gather [hbm4b:s4+s15], $0x80, s8, s15, $0xb8;
	[tilespmem:$0x1E200] =	vst v63  }
0x4c: {  	s5 =	sadd.s32 $0xC0, s0;
	s28 =	sadd.s32 s6, s28;
	s10 =	sand.u32 $0x70, s10  }
0x4d: {  	[tilespmem:s20], [sflag:$0x2] =	stream.indirect.gather [hbm4b:s4+s15], $0x80, s5, s15, $0xb8;
	[tilespmem:$0x1E200] =	vst v63  }
0x4e: {  	s10 =	sadd.s32 s10, s28  }
0x4f: {  	[tilespmem:s21], [sflag:$0x4] =	stream.linear.gather [hbm4b:s10+s2], $0x80, $0x38;
	[tilespmem:$0x1E200] =	vst v63  }
0x50: {  	_ =	swait.ge [sflag:s22], $0x2000  }
0x51: {  	[sflag:s22] =	ssyncset.done $0x0  }
0x52: {  	[sflag:s22] =	ssyncadd.s32 $0xFFFFE000  }
0x53: {  	_ =	swait.ge [sflag:s22], $0x2000  }
0x54: {  	[sflag:s22] =	ssyncset.done $0x0  }
0x55: {  	[sflag:s22] =	ssyncadd.s32 $0xFFFFE000  }
0x56: {  	_ =	swait.ge [sflag:s23], $0x80  }
0x57: {  	[sflag:s23] =	ssyncset.done $0x0  }
0x58: {  	[sflag:s23] =	ssyncadd.s32 $0xFFFFFF80  }
0x59: {  	[spmem:s1] =	stream.indirect.scatter.add.f32 [tilespmem:s16], [sflag:$0x5], $0x80, s18, s24, $0xb8;
	[tilespmem:$0x1E200] =	vst v63  }
0x5a: {  	_ =	swait.ge [sflag:s9], $0x4000  }
0x5b: {  	[sflag:s9] =	ssyncset.done $0x0  }
0x5c: {  	s5 =	sadd.s32 $0x100, s0;
	[sflag:s9] =	ssyncadd.s32 $0xFFFFC000  }
0x5d: {  	[tilespmem:s16], [sflag:$0x1] =	stream.indirect.gather [hbm4b:s4+s15], $0x80, s5, s15, $0xb8;
	[tilespmem:$0x1E200] =	vst v63  }
0x5e: {  	s8 =	sadd.s32 $0x140, s0;
	s10 =	rddreg [dreg:$0x3]  }
0x5f: {  	[tilespmem:s17], [sflag:$0x1] =	stream.indirect.gather [hbm4b:s4+s15], $0x80, s8, s15, $0xb8;
	[tilespmem:$0x1E200] =	vst v63  }
0x60: {  	s10 =	sadd.s32 s31, s10  }
0x61: {  	[tilespmem:s18], [sflag:$0x3] =	stream.linear.gather [hbm4b:s10+s2], $0x80, $0x38;
	[tilespmem:$0x1E200] =	vst v63  }
0x62: {  	_ =	swait.ge [sflag:s25], $0x2000  }
0x63: {  	[sflag:s25] =	ssyncset.done $0x0  }
0x64: {  	[sflag:s25] =	ssyncadd.s32 $0xFFFFE000  }
.Ltmp0:
0x65: {  	_ =	swait.ge [sflag:s25], $0x2000;
	(pc) =	sbr.rel @p1 .LBB2_2-.Ltmp0, $4  }
0x66: {  	[sflag:s25] =	ssyncset.done $0x0  }
0x67: {  	[sflag:s25] =	ssyncadd.s32 $0xFFFFE000  }
0x68: {  	s28 =	smov.u32 s3;
	_ =	swait.ge [sflag:s26], $0x80  }
0x69: {  	s0 =	sshra.s32 s29, $0x2;
	s31 =	sadd.s32 $0x20, s31;
	[sflag:s26] =	ssyncset.done $0x0  }
0x6a: {  	[sflag:s26] =	ssyncadd.s32 $0xFFFFFF80  }
0x6b: {  	[spmem:s1] =	stream.indirect.scatter.add.f32 [tilespmem:s19], [sflag:$0x5], $0x80, s21, s24, $0xb8;
	[tilespmem:$0x1E200] =	vst v63  }
0x6c: {  	_ =	swait.ge [sflag:s9], $0x4000  }
0x6d: {  	[sflag:s9] =	ssyncset.done $0x0  }
0x6e: {  	s3 =	sadd.s32 $0x80, s0;
	[sflag:s9] =	ssyncadd.s32 $0xFFFFC000  }
0x6f: {  	[tilespmem:s19], [sflag:$0x2] =	stream.indirect.gather [hbm4b:s4+s15], $0x80, s3, s15, $0xb8;
	[tilespmem:$0x1E200] =	vst v63  }
0x70: {  	s5 =	sadd.s32 $0xC0, s0  }
0x71: {  	[tilespmem:s20], [sflag:$0x2] =	stream.indirect.gather [hbm4b:s4+s15], $0x80, s5, s15, $0xb8;
	[tilespmem:$0x1E200] =	vst v63  }
0x72: {  	s8 =	sand.u32 $0x780, s31;
	s5 =	sadd.s32 $0x10, s31  }
0x73: {  	s3 =	sadd.s32 s6, s8;
	s5 =	sand.u32 $0x70, s5  }
0x74: {  	s3 =	sadd.s32 s5, s3  }
0x75: {  	[tilespmem:s21], [sflag:$0x4] =	stream.linear.gather [hbm4b:s3+s2], $0x80, $0x38;
	[tilespmem:$0x1E200] =	vst v63  }
0x76: {  	_ =	swait.ge [sflag:s22], $0x2000  }
0x77: {  	[sflag:s22] =	ssyncset.done $0x0  }
0x78: {  	[sflag:s22] =	ssyncadd.s32 $0xFFFFE000  }
0x79: {  	_ =	swait.ge [sflag:s22], $0x2000  }
0x7a: {  	[sflag:s22] =	ssyncset.done $0x0  }
0x7b: {  	[sflag:s22] =	ssyncadd.s32 $0xFFFFE000  }
0x7c: {  	_ =	swait.ge [sflag:s23], $0x80  }
0x7d: {  	[sflag:s23] =	ssyncset.done $0x0  }
0x7e: {  	[sflag:s23] =	ssyncadd.s32 $0xFFFFFF80  }
0x7f: {  	[spmem:s1] =	stream.indirect.scatter.add.f32 [tilespmem:s16], [sflag:$0x5], $0x80, s18, s24, $0xb8;
	[tilespmem:$0x1E200] =	vst v63  }
0x80: {  	_ =	swait.ge [sflag:s9], $0x4000  }
0x81: {  	[sflag:s9] =	ssyncset.done $0x0  }
0x82: {  	s10 =	sadd.s32 $0x100, s0;
	[sflag:s9] =	ssyncadd.s32 $0xFFFFC000  }
0x83: {  	[tilespmem:s16], [sflag:$0x1] =	stream.indirect.gather [hbm4b:s4+s15], $0x80, s10, s15, $0xb8;
	[tilespmem:$0x1E200] =	vst v63  }
0x84: {  	s29 =	sadd.s32 $0x140, s0;
	s28 =	rddreg [dreg:$0x3]  }
0x85: {  	[tilespmem:s17], [sflag:$0x1] =	stream.indirect.gather [hbm4b:s4+s15], $0x80, s29, s15, $0xb8;
	[tilespmem:$0x1E200] =	vst v63  }
0x86: {  	s5 =	sadd.s32 s31, s28  }
0x87: {  	[tilespmem:s18], [sflag:$0x3] =	stream.linear.gather [hbm4b:s5+s2], $0x80, $0x38;
	[tilespmem:$0x1E200] =	vst v63  }
0x88: {  	_ =	swait.ge [sflag:s25], $0x2000  }
0x89: {  	[sflag:s25] =	ssyncset.done $0x0  }
0x8a: {  	[sflag:s25] =	ssyncadd.s32 $0xFFFFE000  }
0x8b: {  	_ =	swait.ge [sflag:s25], $0x2000  }
0x8c: {  	[sflag:s25] =	ssyncset.done $0x0  }
0x8d: {  	[sflag:s25] =	ssyncadd.s32 $0xFFFFE000  }
0x8e: {  	_ =	swait.ge [sflag:s26], $0x80  }
0x8f: {  	[sflag:s26] =	ssyncset.done $0x0  }
0x90: {  	[sflag:s26] =	ssyncadd.s32 $0xFFFFFF80  }
0x91: {  	[spmem:s1] =	stream.indirect.scatter.add.f32 [tilespmem:s19], [sflag:$0x5], $0x80, s21, s24, $0xb8;
	[tilespmem:$0x1E200] =	vst v63  }
0x92: {  	_ =	swait.ge [sflag:s9], $0x4000  }
0x93: {  	[sflag:s9] =	ssyncset.done $0x0  }
0x94: {  	s8 =	simm.s32 $0x2780;
	[sflag:s9] =	ssyncadd.s32 $0xFFFFC000  }
0x95: {  	[tilespmem:s19], [sflag:$0x2] =	stream.indirect.gather [hbm4b:s4+s15], $0x80, s8, s15, $0xb8;
	[tilespmem:$0x1E200] =	vst v63  }
0x96: {  	s10 =	simm.s32 $0x27C0  }
0x97: {  	[tilespmem:s20], [sflag:$0x2] =	stream.indirect.gather [hbm4b:s4+s15], $0x80, s10, s15, $0xb8;
	[tilespmem:$0x1E200] =	vst v63  }
0x98: {  	s28 =	sadd.s32 $0x4F0, s6  }
0x99: {  	[tilespmem:s21], [sflag:$0x4] =	stream.linear.gather [hbm4b:s28+s2], $0x80, $0x38;
	[tilespmem:$0x1E200] =	vst v63  }
0x9a: {  	_ =	swait.ge [sflag:s22], $0x2000  }
0x9b: {  	[sflag:s22] =	ssyncset.done $0x0  }
0x9c: {  	[sflag:s22] =	ssyncadd.s32 $0xFFFFE000  }
0x9d: {  	_ =	swait.ge [sflag:s22], $0x2000  }
0x9e: {  	[sflag:s22] =	ssyncset.done $0x0  }
0x9f: {  	[sflag:s22] =	ssyncadd.s32 $0xFFFFE000  }
0xa0: {  	_ =	swait.ge [sflag:s23], $0x80  }
0xa1: {  	[sflag:s23] =	ssyncset.done $0x0  }
0xa2: {  	[sflag:s23] =	ssyncadd.s32 $0xFFFFFF80  }
0xa3: {  	[spmem:s1] =	stream.indirect.scatter.add.f32 [tilespmem:s16], [sflag:$0x5], $0x80, s18, s24, $0xb8;
	[tilespmem:$0x1E200] =	vst v63  }
0xa4: {  	_ =	swait.ge [sflag:s9], $0x4000  }
0xa5: {  	[sflag:s9] =	ssyncset.done $0x0  }
0xa6: {  	[sflag:s9] =	ssyncadd.s32 $0xFFFFC000  }
0xa7: {  	_ =	swait.ge [sflag:s25], $0x2000  }
0xa8: {  	[sflag:s25] =	ssyncset.done $0x0  }
0xa9: {  	[sflag:s25] =	ssyncadd.s32 $0xFFFFE000  }
0xaa: {  	_ =	swait.ge [sflag:s25], $0x2000  }
0xab: {  	[sflag:s25] =	ssyncset.done $0x0  }
0xac: {  	[sflag:s25] =	ssyncadd.s32 $0xFFFFE000  }
0xad: {  	_ =	swait.ge [sflag:s26], $0x80  }
0xae: {  	[sflag:s26] =	ssyncset.done $0x0  }
0xaf: {  	[sflag:s26] =	ssyncadd.s32 $0xFFFFFF80  }
0xb0: {  	[spmem:s1] =	stream.indirect.scatter.add.f32 [tilespmem:s19], [sflag:$0x5], $0x80, s21, s24, $0xb8;
	[tilespmem:$0x1E200] =	vst v63  }
0xb1: {  	_ =	swait.ge [sflag:s9], $0x4000  }
0xb2: {  	[sflag:s9] =	ssyncset.done $0x0  }
0xb3: {  	[sflag:s9] =	ssyncadd.s32 $0xFFFFC000  }
0xb4: {  	[bflag:$0x0] =	sbarrier.arrive $0xFFFF  }
0xb5: {  	s29 =	rddreg [dreg:$0x5]  }
0xb6: {  	s0 =	sadd.s32 s29, s7  }
0xb7: {  	[hbm:s0], [sflag:s11] =	dma.local [spmem:s12], $0x2700  }
0xb8: {  	_ =	swait.ge [sflag:s9], $0x2700  }
0xb9: {  	[sflag:s9] =	ssyncset.done $0x0  }
0xba: {  	s0 =	sadd.s32 @!p0 $0x27000, s7;
	[sflag:s9] =	ssyncadd.s32 $0xFFFFD900  }
0xbb: {  	[hbm:s0], [sflag:s11] =	dma.local @!p0 [spmem:s14], $0x100  }
0xbc: {  	s0 =	simm.s32 @!p0 $0x5  }
0xbd: {  	_ =	swait.ge @!p0 [sflag:s0], $0x100  }
0xbe: {  	s30 =	sadd.s32 $0x1, s30;
	s31 =	rddreg [dreg:$0x6]  }
0xbf: {  	p1 =	sne.s32 s30, s31  }
.Ltmp1:
0xc0: {  	_ = 	snop;
	(pc) =	sbr.rel @p1 .LBB2_1-.Ltmp1, $3  }
0xc1: {  	_ =	sdelay $0x1  }
0xc2: {  	[sflag:s0] =	ssyncset.done @!p0 $0x0  }
0xc3: {  	[sflag:s0] =	ssyncadd.s32 @!p0 $0xFFFFFF00  }
0xc4: {  	_ =	sfence.sel $0x180000  }
0xc5: {  	[bflag:$0x0] =	sbarrier.arrive $0xFFFF  }
0xc6: {  	_ =	strace $0x9000004D  }
0xc7: {  	[bflag:$0x2] =	sbarrier.arrive $0xFFFF  }
0xc8: {  	s0 =	rddreg [dreg:$0x2]  }
0xc9: {  	s0 =	sadd.s32 @!p0 $0x100000, s0  }
0xca: {  	[sflag:s0] =	ssyncadd.tile.s32 @!p0 $0x1;
	_ =	shalt  }
.Lfunc_end2:
_tile_overlayer_lowered:
.L_overlay_start_2:
0xcb: {  	(tag) =	ssettag $0x2  }
0xcc: {  	s0 =	rddreg [dreg:$0x0];
	s2 =	stileid.u32  }
0xcd: {  	s1 =	rddreg [dreg:$0x1];
	p0 =	sne.s32 s2, $0x0  }
0xce: {  	s3 =	rddreg [dreg:$0x2];
	[bflag:$0x3] =	sbarrier.arrive $0xFFFF;
	s2 =	simm.s32 @!p0 $0x1C05  }
0xcf: {  	[timem:s3], [sflag:s2] =	dma.local @!p0 [hbm:s0], s1  }
0xd0: {  	s0 =	simm.s32 @!p0 $0x5  }
0xd1: {  	_ =	swait.ge @!p0 [sflag:s0], s1  }
0xd2: {  	s1 =	ssub.s32 @!p0 $0x0, s1;
	[sflag:s0] =	ssyncset.done @!p0 $0x0  }
0xd3: {  	[sflag:s0] =	ssyncadd.s32 @!p0 s1  }
0xd4: {  	[bflag:$0x3] =	sbarrier.arrive $0xFFFF  }
0xd5: {  	_ =	shalt  }

// kernel: kernel.8.cloned.1.call-start
scs
__scs_entry_jumppad:
0x0: {  	(pc) =	sbr.rel $0x88, $3  }
0x1: {  	(tag) =	ssettag $0x0;
	lr =	simm.s32 $0x1  }
0x2: {  	[smem:$0x3F99] =	sst lr;
	_ =	strace $0xD0000000  }
0x3: {  	_ = 	snop  }
0x4: {  	_ = 	snop  }
0x5: {  	_ = 	snop  }
0x6: {  	_ = 	snop  }
0x7: {  	_ = 	snop  }
__scs_overlays_trampoline_lowered:
0x8: {  	[smem:$0x3FA8] =	sst s0  }
0x9: {  	[smem:$0x3FA9] =	sst s1  }
0xa: {  	[smem:$0x3FAA] =	sst s2  }
0xb: {  	[smem:$0x3FAB] =	sst s3  }
0xc: {  	[smem:$0x3FAC] =	sst s4  }
0xd: {  	[smem:$0x3FAD] =	sst s5  }
0xe: {  	[smem:$0x3FAE] =	sst s6  }
0xf: {  	[smem:$0x3FAF] =	sst s7  }
0x10: {  	[smem:$0x3FB0] =	sst s8  }
0x11: {  	[smem:$0x3FB1] =	sst s9;
	s0 =	simm.s32 @!p0 $0x0  }
0x12: {  	s1 =	sld [smem:$0x3F97];
	s0 =	simm.s32 @p0 $0x1  }
0x13: {  	[smem:$0x3FB2] =	sst s0;
	s0 =	simm.s32 @!p1 $0x0  }
0x14: {  	s2 =	sld [smem:$0x3F96];
	s0 =	simm.s32 @p1 $0x1  }
0x15: {  	[smem:$0x3FB3] =	sst s0;
	s0 =	simm.s32 @!p2 $0x0  }
0x16: {  	s3 =	sld [smem:$0x3FDB];
	s0 =	simm.s32 @p2 $0x1  }
0x17: {  	s4 =	simm.s32 $0x1BF5;
	[smem:$0x3FB5] =	sst s0  }
0x18: {  	s0 =	sld [smem:$0x3F98];
	_ =	swait.ge [sflag:s4], $0x0  }
0x19: {  	s7 =	sld [smem:$0x3F99]  }
0x1a: {  	s8 =	sadd.s32 $0xFFFFE003, lr  }
0x1b: {  	s9 =	sadd.s32 $0xFFFFFEF7, lr;
	s5 =	simm.s32 $0xFFFFFFFF;
	p2 =	slt.u32 s8, $0xFFFFF086  }
0x1c: {  	p1 =	slt.u32 s9, $0xF7A;
	s5 =	simm.s32 @!p2 $0x0  }
0x1d: {  	s5 =	simm.s32 @p1 $0x1;
	p0 =	seq.s32 s7, s2  }
0x1e: {  	s7 =	smul.u32 @!p0 $0xF7A, s2;
	p2 =	seq.s32 @!p0 s5, $0x0  }
0x1f: {  	s9 =	smul.u32 $0xF7A, s1;
	s8 =	simm.s32 @!p0 $0x1BF5;
	p2 =	por !p2, p0  }
0x20: {  	[sflag:s8] =	ssyncset.s32 @!p0 $0xFFFFF086;
	s6 =	sadd.s32 @!p0 s3, s7;
	s7 =	simm.s32 @!p0 $0x108  }
0x21: {  	s3 =	sadd.s32 s3, s9;
	s6 =	sadd.s32 @!p0 $0x88, s6;
	s7 =	simm.s32 @p2 $0x1082  }
0x22: {  	[simem:s7], [sflag:s8] =	dma.local @!p0 [hbm:s6], $0xF7A  }
0x23: {  	s9 =	sor.u32 $0xD0000000, s2;
	s6 =	simm.s32 $0x108;
	_ =	swait.ge @!p0 [sflag:s8], $0x0  }
0x24: {  	s3 =	sadd.s32 $0x88, s3;
	s6 =	simm.s32 @!p1 $0x1082;
	[sflag:s4] =	ssyncset.s32 $0xFFFFF086  }
0x25: {  	[simem:s6], [sflag:s4] =	dma.local [hbm:s3], $0xF7A  }
0x26: {  	[smem:$0x3F99] =	sst s1;
	(tag) =	ssettag s2;
	_ =	strace s9  }
0x27: {  	s1 =	sld [smem:$0x3FA9]  }
0x28: {  	s2 =	sld [smem:$0x3FAA]  }
0x29: {  	s4 =	sld [smem:$0x3FAC]  }
0x2a: {  	p0 =	seq.s32 s5, $0x0;
	s5 =	sld [smem:$0x3FAD]  }
0x2b: {  	s6 =	sld [smem:$0x3FAE]  }
0x2c: {  	s7 =	sld [smem:$0x3FAF]  }
0x2d: {  	s3 =	simm.s32 $0x108;
	s8 =	sld [smem:$0x3FB0]  }
0x2e: {  	s3 =	simm.s32 @!p0 $0x1082;
	s9 =	sld [smem:$0x3FB1]  }
0x2f: {  	lr =	sadd.s32 s0, s3;
	s0 =	sld [smem:$0x3FA8]  }
0x30: {  	s3 =	sld [smem:$0x3FAB]  }
0x31: {  	[smem:$0x3FB4] =	sst s10  }
0x32: {  	s10 =	sld [smem:$0x3FB2];
	_ =	sdelay $0x3  }
0x33: {  	p0 =	seq.s32 s10, $0x1;
	s10 =	sld [smem:$0x3FB4];
	_ =	sdelay $0x3  }
0x34: {  	[smem:$0x3FB4] =	sst s10  }
0x35: {  	s10 =	sld [smem:$0x3FB3];
	_ =	sdelay $0x3  }
0x36: {  	p1 =	seq.s32 s10, $0x1;
	s10 =	sld [smem:$0x3FB4];
	_ =	sdelay $0x3  }
0x37: {  	[smem:$0x3FB4] =	sst s10  }
0x38: {  	s10 =	sld [smem:$0x3FB5]  }
0x39: {  	_ = 	snop;
	(pc) =	sbr.ind lr, $3  }
0x3a: {  	_ = 	snop  }
0x3b: {  	_ = 	snop  }
0x3c: {  	p2 =	seq.s32 s10, $0x1;
	s10 =	sld [smem:$0x3FB4]  }
0x3d: {  	_ =	shalt  }
0x3e: {  	_ =	shalt  }
0x3f: {  	_ =	shalt  }
0x40: {  	_ =	shalt  }
0x41: {  	_ =	shalt  }
0x42: {  	_ =	shalt  }
0x43: {  	_ =	shalt  }
0x44: {  	_ =	shalt  }
0x45: {  	_ =	shalt  }
0x46: {  	_ =	shalt  }
0x47: {  	_ =	shalt  }
0x48: {  	_ =	shalt  }
0x49: {  	_ =	shalt  }
0x4a: {  	_ =	shalt  }
0x4b: {  	_ =	shalt  }
0x4c: {  	_ =	shalt  }
0x4d: {  	_ =	shalt  }
0x4e: {  	_ =	shalt  }
0x4f: {  	_ =	shalt  }
0x50: {  	_ =	shalt  }
0x51: {  	_ =	shalt  }
0x52: {  	_ =	shalt  }
0x53: {  	_ =	shalt  }
0x54: {  	_ =	shalt  }
0x55: {  	_ =	shalt  }
0x56: {  	_ =	shalt  }
0x57: {  	_ =	shalt  }
0x58: {  	_ =	shalt  }
0x59: {  	_ =	shalt  }
0x5a: {  	_ =	shalt  }
0x5b: {  	_ =	shalt  }
0x5c: {  	_ =	shalt  }
0x5d: {  	_ =	shalt  }
0x5e: {  	_ =	shalt  }
0x5f: {  	_ =	shalt  }
0x60: {  	_ =	shalt  }
0x61: {  	_ =	shalt  }
0x62: {  	_ =	shalt  }
0x63: {  	_ =	shalt  }
0x64: {  	_ =	shalt  }
0x65: {  	_ =	shalt  }
0x66: {  	_ =	shalt  }
0x67: {  	_ =	shalt  }
0x68: {  	_ =	shalt  }
0x69: {  	_ =	shalt  }
0x6a: {  	_ =	shalt  }
0x6b: {  	_ =	shalt  }
0x6c: {  	_ =	shalt  }
0x6d: {  	_ =	shalt  }
0x6e: {  	_ =	shalt  }
0x6f: {  	_ =	shalt  }
0x70: {  	_ =	shalt  }
0x71: {  	_ =	shalt  }
0x72: {  	_ =	shalt  }
0x73: {  	_ =	shalt  }
0x74: {  	_ =	shalt  }
0x75: {  	_ =	shalt  }
0x76: {  	_ =	shalt  }
0x77: {  	_ =	shalt  }
0x78: {  	_ =	shalt  }
0x79: {  	_ =	shalt  }
0x7a: {  	_ =	shalt  }
0x7b: {  	_ =	shalt  }
0x7c: {  	_ =	shalt  }
0x7d: {  	_ =	shalt  }
0x7e: {  	_ =	shalt  }
0x7f: {  	_ =	shalt  }
0x80: {  	_ =	shalt  }
0x81: {  	_ =	shalt  }
0x82: {  	_ =	shalt  }
0x83: {  	_ =	shalt  }
0x84: {  	_ =	shalt  }
0x85: {  	_ =	shalt  }
0x86: {  	_ =	shalt  }
0x87: {  	_ =	shalt  }
.Lfunc_end0:
.L_simem_size_0:
called_computation_lowered:
.L_overlay_start_0:
0x88: {  	s2 =	sld [smem:$0x3FD9]  }
0x89: {  	s3 =	sld [smem:$0x3FFE];
	_ =	sdelay $0x1  }
0x8a: {  	s1 =	srdreg.scid  }
0x8b: {  	s0 =	sand.u32 $0x1, s1  }
0x8c: {  	s17 =	sshll.u32 s0, $0xA;
	s2 =	sadd.s32 s3, s2  }
0x8d: {  	s2 =	sadd.s32 s2, s17  }
0x8e: {  	[smem:$0x3FC0] =	sst s2  }
0x8f: {  	_ = 	snop  }
0x90: {  	s2 =	sld [smem:$0x3FD0];
	(tm) =	ssettm $0x1  }
0x91: {  	s18 =	sld [smem:$0x3FFB];
	_ =	sdelay $0x3  }
0x92: {  	_ =	strace s18  }
0x93: {  	s3 =	sld [smem:$0x3FFC];
	_ =	sdelay $0x3  }
0x94: {  	_ =	strace s3  }
0x95: {  	s3 =	sld [smem:$0x3FFD];
	_ =	sdelay $0x3  }
0x96: {  	_ =	strace s3  }
0x97: {  	_ =	strace $0x8FFFFFFF  }
0x98: {  	s19 =	sld [smem:$0x3FDB];
	_ =	sdelay $0x1  }
0x99: {  	s4 =	simm.s32 $_scs_section_size  }
0x9a: {  	s5 =	simm.s32 $_size__tile_overlayer_lowered;
	s6 =	simm.s32 $_tile_overlayer_lowered  }
0x9b: {  	s22 =	simm.s32 $0x1BFF;
	s21 =	sshll.u32 s6, $0x1;
	s3 =	sadd.s32 s4, s19  }
0x9c: {  	s7 =	simm.s32 $0x0;
	s20 =	sshll.u32 s5, $0x1;
	s5 =	sadd.s32 s21, s3  }
0x9d: {  	[timem:s7], [sflag:s22] =	dma.local [hbm:s5], s20  }
0x9e: {  	_ =	swait.ge [sflag:s22], s20  }
0x9f: {  	s4 =	ssub.s32 $0x0, s20;
	[sflag:s22] =	ssyncset.done $0x0  }
0xa0: {  	[sflag:s22] =	ssyncadd.s32 s4;
	_ =	sdelay $0x1  }
0xa1: {  	s23 =	simm.s32 $0x1B8B  }
0xa2: {  	_ =	swait.ge [sflag:s23], $0x1  }
0xa3: {  	[sflag:s23] =	ssyncset.done $0x0  }
0xa4: {  	s25 =	simm.s32 $0x1B8E;
	s24 =	sld [smem:$0x3FFE];
	[sflag:s23] =	ssyncadd.s32 $0xFFFFFFFF  }
0xa5: {  	s26 =	simm.s32 $execute0_lowered;
	[smem:$0x3FD2] =	sst s25  }
0xa6: {  	s5 =	sshll.u32 s26, $0x1;
	_ =	strace $0x80000046;
	[dreg:$0x1] =	wrdreg $0xFFFFFFFF  }
0xa7: {  	s28 =	simm.s32 $_size_execute0_lowered;
	s3 =	sadd.s32 s3, s5;
	[dreg:$0x0] =	wrdreg $0x0  }
0xa8: {  	s5 =	sshll.u32 s28, $0x1;
	[dreg:$0x2] =	wrdreg s3  }
0xa9: {  	[dreg:$0x3] =	wrdreg s5  }
0xaa: {  	[dreg:$0x4] =	wrdreg $0xC0  }
0xab: {  	_ =	task [dreg:s7], $0x5FFFF  }
0xac: {  	[dreg:$0x1] =	wrdreg $0xFFFFFFFF  }
0xad: {  	[dreg:$0x0] =	wrdreg $0x60  }
0xae: {  	[dreg:$0x2] =	wrdreg s24  }
0xaf: {  	[dreg:$0x3] =	wrdreg s2  }
0xb0: {  	[dreg:$0x4] =	wrdreg $0x9  }
0xb1: {  	_ =	task.clear_ibuf [dreg:s7], $0x5FFFF;
	_ =	strace $0x90000046  }
0xb2: {  	s29 =	simm.s32 $0x9;
	_ =	strace $0x80000048  }
0xb3: {  	_ =	swait.ge [sflag:s29], $0x1  }
0xb4: {  	[sflag:s29] =	ssyncadd.s32 $0xFFFFFFFF  }
0xb5: {  	_ =	strace $0x90000048  }
0xb6: {  	_ =	sfence  }
0xb7: {  	s30 =	sld [smem:$0x0];
	_ =	sdelay $0x2  }
0xb8: {  	s31 =	sshll.u32 s1, $0xD;
	s1 =	sshrl.u32 s1, $0x2  }
0xb9: {  	s3 =	sand.u32 $0x4000, s31;
	s1 =	sadd.s32 s1, s30  }
0xba: {  	s0 =	sor.u32 s3, s0;
	s1 =	sshll.u32 s1, $0x11  }
0xbb: {  	s0 =	sor.u32 s1, s0  }
0xbc: {  	s0 =	sadd.s32 $0x8F2B, s0  }
0xbd: {  	[sflag:s0] =	ssyncadd.remote.s32 $0x1  }
0xbe: {  	_ =	sfence.sel $0xFFFF  }
0xbf: {  	[dreg:$0x0] =	wrdreg $0xFFFFFFFF;
	(pc) =	sbr.abs _section_cstart, $3  }
0xc0: {  	[dreg:$0x1] =	wrdreg $0xFFFFFFFF  }
0xc1: {  	_ =	task.clear_ibuf [dreg:s7], $0x2FFFF;
	_ =	strace $0x9FFFFFFF  }
0xc2: {  	(tm) =	ssettm $0x7FFFFFFF  }
0xc3: {  	_ =	shalt  }
tec
execute0_lowered:
.L_overlay_start_1:
0x0: {  	(tag) =	ssettag $0x1  }
0x1: {  	s0 =	srdreg.scid  }
0x2: {  	s4 =	rddreg [dreg:$0x0];
	s3 =	sand.u32 $0x1, s0  }
0x3: {  	s5 =	rddreg [dreg:$0x1];
	s0 =	stileid.u32;
	s1 =	sshll.u32 s3, $0x4  }
0x4: {  	s2 =	simm.s32 $0x0;
	s9 =	simm.s32 $0x400;
	s6 =	sor.u32 s0, s1  }
0x5: {  	s10 =	simm.s32 $0x0;
	[smem:$0x7FF] =	sst s2;
	s7 =	sshrl.u32 s6, $0x3  }
0x6: {  	s8 =	sshll.u32 s0, $0x7;
	s3 =	ssub.s32 $0x2, s3;
	s7 =	smul.u32 $0x14000, s7  }
0x7: {  	s1 =	rddreg [dreg:$0x2];
	s8 =	sand.u32 $0x380, s8;
	s6 =	smul.u32 $0x280, s6  }
0x8: {  	_ =	strace $0x80000047;
	s31 =	sshrl.u32 s3, $0x1;
	s7 =	sor.u32 s8, s7  }
0x9: {  	s4 =	sadd.s32 s6, s4;
	s6 =	ssub.s32 s3, s31;
	s7 =	sshrl.u32 s7, $0x3  }
0xa: {  	s3 =	sadd.s32 $0x1800, s4;
	s8 =	simm.s32 $0x80;
	s4 =	sadd.s32 s5, s7  }
0xb: {  	v0 =	vimm.f32 $0.0e+00;
	v1 =	vimm.f32 $1.000000000e+00;
	s5 =	smax.u32 s6, $0x1;
	s6 =	simm.s32 $0x1;
	s7 =	simm.s32 $0x1400  }
.LBB2_1:
0xc: {  	[tilespmem:s2], [sflag:$0x1] =	stream.linear.gather [hbm4b:s3+s2], $0x1400, $0x38;
	[tilespmem:$0x3C00] =	vst v63  }
0xd: {  	_ =	swait.ge [sflag:s6], $0x1400  }
0xe: {  	[sflag:s6] =	ssyncset.done $0x0  }
0xf: {  	s11 =	simm.s32 $0x0;
	[sflag:s6] =	ssyncadd.s32 $0xFFFFEC00  }
.LBB2_2:
0x10: {  	p0 =	sne.s32 s11, $0x9FC0  }
.Ltmp0:
0x11: {  	_ = 	snop;
	(pc) =	sbr.rel @p0 .LBB2_2-.Ltmp0, $3  }
0x12: {  	_ =	sdelay $0x1  }
0x13: {  	s12 =	sshra.s32 s11, $0x2  }
0x14: {  	s11 =	sadd.s32 $0x40, s11;
	[tilespmem:s12+$0x1400] =	vst v0  }
0x15: {  	s12 =	simm.s32 $0x0;
	s11 =	simm.s32 $0x40  }
.LBB2_4:
0x16: {  	p0 =	sne.s32 s11, $0x4FC0;
	v2 =	vld [tilespmem:s12+$0x0];
	_ =	sdelay $0x3  }
.Ltmp1:
0x17: {  	(pc) =	sbr.rel @p0 .LBB2_4-.Ltmp1, $2  }
0x18: {  	_ =	sdelay $0x2  }
0x19: {  	s12 =	sshra.s32 s11, $0x2;
	s11 =	sadd.s32 $0x40, s11;
	[tilespmem:v2+s7+$0x0] =	vst.idx.add.f32.msk $0xffff, v1  }
0x1a: {  	v2 =	vld [tilespmem:s12+$0x0];
	_ =	sdelay $0x5  }
0x1b: {  	s10 =	sadd.s32 $0x1, s10  }
0x1c: {  	p0 =	sne.s32 s10, s5  }
.Ltmp2:
0x1d: {  	[tilespmem:v2+s7+$0x0] =	vst.idx.add.f32.msk $0xffff, v1;
	(pc) =	sbr.rel @p0 .LBB2_1-.Ltmp2, $4  }
0x1e: {  	[hbm4b:s4+s8] =	stream.strided.scatter [tilespmem:s7], [sflag:$0x1], $0x2800, s9, s8, $0x38;
	[tilespmem:$0x3C00] =	vst v63  }
0x1f: {  	_ =	swait.ge [sflag:s6], $0x2800  }
0x20: {  	[sflag:s6] =	ssyncset.done $0x0  }
0x21: {  	[sflag:s6] =	ssyncadd.s32 $0xFFFFD800  }
0x22: {  	_ =	sfence.sel $0x180000  }
0x23: {  	[bflag:$0x0] =	sbarrier.arrive $0xFFFF  }
0x24: {  	p0 =	sne.s32 s0, $0x0;
	_ =	strace $0x90000047  }
0x25: {  	s0 =	sadd.s32 @!p0 $0x100000, s1;
	[bflag:$0x2] =	sbarrier.arrive $0xFFFF  }
0x26: {  	[sflag:s0] =	ssyncadd.tile.s32 @!p0 $0x1;
	_ =	shalt  }
.Lfunc_end2:
_tile_overlayer_lowered:
.L_overlay_start_2:
0x27: {  	(tag) =	ssettag $0x2  }
0x28: {  	s0 =	rddreg [dreg:$0x0];
	s2 =	stileid.u32  }
0x29: {  	s1 =	rddreg [dreg:$0x1];
	p0 =	sne.s32 s2, $0x0  }
0x2a: {  	s3 =	rddreg [dreg:$0x2];
	[bflag:$0x3] =	sbarrier.arrive $0xFFFF;
	s2 =	simm.s32 @!p0 $0x1C01  }
0x2b: {  	[timem:s3], [sflag:s2] =	dma.local @!p0 [hbm:s0], s1  }
0x2c: {  	s0 =	simm.s32 @!p0 $0x1  }
0x2d: {  	_ =	swait.ge @!p0 [sflag:s0], s1  }
0x2e: {  	s1 =	ssub.s32 @!p0 $0x0, s1;
	[sflag:s0] =	ssyncset.done @!p0 $0x0  }
0x2f: {  	[sflag:s0] =	ssyncadd.s32 @!p0 s1  }
0x30: {  	[bflag:$0x3] =	sbarrier.arrive $0xFFFF  }
0x31: {  	_ =	shalt  }

</sc_bundles>
